<compile_context>
chip_gen: v7x
topology: tpu7x:2x2x1
jax: 0.10.2.dev20260603
libtpu: 0.0.44.dev20260713+nightly
codegen_flags: <defaults>
</compile_context>

<pallas_src>
import functools

import jax
import jax.numpy as jnp
from jax import lax
from jax.experimental import pallas as pl
from jax.experimental.pallas import tpu as pltpu
from jax.experimental.pallas import tpu_sc as plsc

VOCAB = 400004
EMB = 64
START_IDX = 400001
END_IDX = 400002

ROWS = 4096
COLS = 200
B_TOT = ROWS * COLS
NC = 2
NS = 16
NW = NC * NS
B_W = B_TOT // NW
CH = 512
NCH = B_W // CH
NBUF = 2
GAHEAD = 1
OUT_W = 2 * EMB


def _sc_body(idx_hbm, table_hbm, marker_hbm, out_hbm, idx_v, rvs, mk_v, gsems, ssems):
    wid = lax.axis_index("s") * NC + lax.axis_index("c")
    row0 = wid * NCH
    base = wid * B_W

    pltpu.sync_copy(idx_hbm.at[pl.ds(row0, NCH)], idx_v)
    pltpu.sync_copy(marker_hbm, mk_v)
    mk = [[mk_v[r, pl.ds(cc * 16, 16)] for cc in range(4)] for r in range(2)]

    def start_gather(c, b):
        for q in range(CH // 128):
            pltpu.async_copy(
                table_hbm.at[idx_v.at[c, pl.ds(q * 128, 128)]],
                rvs[b].at[pl.ds(q * 128, 128)],
                gsems[b],
            )

    def wait_gather(c, b):
        for q in range(CH // 128):
            pltpu.make_async_copy(
                table_hbm.at[idx_v.at[c, pl.ds(q * 128, 128)]],
                rvs[b].at[pl.ds(q * 128, 128)],
                gsems[b],
            ).wait()

    def start_scatter(c, b):
        pltpu.async_copy(
            rvs[b], out_hbm.at[pl.ds(base + c * CH, CH), pl.ds(0, EMB)], ssems[b]
        )

    def wait_scatter(c, b):
        pltpu.make_async_copy(
            rvs[b], out_hbm.at[pl.ds(base + c * CH, CH), pl.ds(0, EMB)], ssems[b]
        ).wait()

    def fixup(c, b):
        rv = rvs[b]
        vmax = idx_v[c, pl.ds(0, 16)]
        for g in range(1, CH // 16):
            vmax = jnp.maximum(vmax, idx_v[c, pl.ds(g * 16, 16)])
        top = jnp.max(vmax)

        @pl.when(top >= START_IDX)
        def _():
            def group(g, carry):
                v = idx_v[c, pl.ds(g * 16, 16)]
                hits = jnp.max(v)

                @pl.when(hits >= START_IDX)
                def _():
                    for l in range(16):
                        row = g * 16 + l
                        sv = v[l]

                        @pl.when(sv == START_IDX)
                        def _():
                            for cc in range(4):
                                rv[row, pl.ds(cc * 16, 16)] = mk[0][cc]

                        @pl.when(sv == END_IDX)
                        def _():
                            for cc in range(4):
                                rv[row, pl.ds(cc * 16, 16)] = mk[1][cc]

                return carry

            lax.fori_loop(0, CH // 16, group, 0)

    for b in range(GAHEAD):
        start_gather(b, b)

    def outer(o, carry):
        c0 = o * NBUF
        for db in range(NBUF):
            c = c0 + db
            wait_gather(c, db)
            fixup(c, db)
            start_scatter(c, db)
            nc = c + GAHEAD
            bb = (db + GAHEAD) % NBUF

            @pl.when(nc < NCH)
            def _():
                @pl.when(c >= NBUF - GAHEAD)
                def _():
                    wait_scatter(c - (NBUF - GAHEAD), bb)

                start_gather(nc, bb)

        return carry

    lax.fori_loop(0, NCH // NBUF, outer, 0)
    for b in range(NBUF):
        wait_scatter(NCH - NBUF + b, b)


@functools.partial(
    pl.kernel,
    mesh=plsc.VectorSubcoreMesh(core_axis_name="c", subcore_axis_name="s"),
    out_type=jax.ShapeDtypeStruct((B_TOT, OUT_W), jnp.float32),
    compiler_params=pltpu.CompilerParams(
        use_tc_tiling_on_sc=False, needs_layout_passes=False
    ),
    scratch_types=[
        pltpu.VMEM((NCH, CH), jnp.int32),
        pltpu.VMEM((CH, EMB), jnp.float32),
        pltpu.VMEM((CH, EMB), jnp.float32),
        pltpu.VMEM((2, EMB), jnp.float32),
        pltpu.SemaphoreType.DMA,
        pltpu.SemaphoreType.DMA,
        pltpu.SemaphoreType.DMA,
        pltpu.SemaphoreType.DMA,
    ],
)
def _sc_gather(
    idx_hbm, table_hbm, marker_hbm, out_hbm,
    idx_v, rv0, rv1, mk_v,
    g0, g1, s0, s1,
):
    _sc_body(
        idx_hbm, table_hbm, marker_hbm, out_hbm,
        idx_v, [rv0, rv1], mk_v, [g0, g1], [s0, s1],
    )


def kernel(idxes, embeddings_weight, marker_weight):
    idx2d = idxes.reshape(B_TOT // CH, CH)
    out = _sc_gather(idx2d, embeddings_weight, marker_weight)
    return out[:, :EMB].reshape(ROWS, COLS, EMB)

# --- scband reference (transcript-rebuilt; emitter-appended) ---
"""Pipeline reference for scband-glove-embedding-16389595201580 (READ-ONLY COPY).

The authoritative reference and input builder live on the scoring server;
editing this copy changes nothing except your own understanding.
"""

import jax, jax.numpy as jnp
import numpy as np

VOCAB = 400004
EMB_DIM = 64
START_IDX = 400001
END_IDX = 400002
PAD_IDX = VOCAB - 1  # nn.Embedding(padding_idx=-1) normalizes to num_embeddings-1 = 400003


def setup_inputs(seed: int = 0) -> dict:
    key = jax.random.key(seed)
    k1, k2, k3 = jax.random.split(key, 3)
    idxes = jax.random.randint(k1, (4096, 200), 0, 400003, dtype=jnp.int64 if jax.config.jax_enable_x64 else jnp.int32).astype(jnp.int32)
    embeddings_weight = jax.random.normal(k2, (VOCAB, EMB_DIM), dtype=jnp.float32)
    # padding row is zero-initialized in nn.Embedding with padding_idx
    embeddings_weight = embeddings_weight.at[PAD_IDX].set(0.0)
    marker_weight = jax.random.normal(k3, (2, EMB_DIM), dtype=jnp.float32)
    return {"idxes": idxes, "embeddings_weight": embeddings_weight, "marker_weight": marker_weight}


def reference(idxes, embeddings_weight, marker_weight):
    # idxes[idxes == -1] = padding_idx
    idx = jnp.where(idxes == -1, PAD_IDX, idxes)
    # embedding gather
    vec = jnp.take(embeddings_weight, idx, axis=0)
    # overwrite rows at start/end markers with learned marker embeddings
    vec = jnp.where((idx == START_IDX)[..., None], marker_weight[0], vec)
    vec = jnp.where((idx == END_IDX)[..., None], marker_weight[1], vec)
    return vec

if __name__ == "__main__":
    import jax
    _d = setup_inputs()
    print(jax.jit(kernel)(*tuple(_d.values())))

</pallas_src>

<mosaic_0001>
#map = affine_map<(d0, d1) -> (0, 0)>
module attributes {stable_mosaic.version = 14 : i64} {
  func.func @_sc_gather(%arg0: i32, %arg1: i32, %arg2: memref<1600x512xi32, #tpu.memory_space<hbm>>, %arg3: memref<400004x64xf32, #tpu.memory_space<hbm>>, %arg4: memref<2x64xf32, #tpu.memory_space<hbm>>, %arg5: memref<819200x128xf32, #tpu.memory_space<hbm>>, %arg6: memref<50x512xi32, #tpu.memory_space<vmem>>, %arg7: memref<512x64xf32, #tpu.memory_space<vmem>>, %arg8: memref<512x64xf32, #tpu.memory_space<vmem>>, %arg9: memref<2x64xf32, #tpu.memory_space<vmem>>, %arg10: memref<!tpu.dma_semaphore, #tpu.memory_space<semaphore_mem>>, %arg11: memref<!tpu.dma_semaphore, #tpu.memory_space<semaphore_mem>>, %arg12: memref<!tpu.dma_semaphore, #tpu.memory_space<semaphore_mem>>, %arg13: memref<!tpu.dma_semaphore, #tpu.memory_space<semaphore_mem>>) attributes {dimension_semantics = [#tpu.dimension_semantics<core_parallel>, #tpu.dimension_semantics<subcore_parallel>], iteration_bounds = array<i64: 2, 16>, scalar_prefetch = 0 : i64, scratch_operands = 8 : i64, tpu.core_type = #tpu.core_type<sc_vector_subcore>, window_params = [{transform_indices = #map}, {transform_indices = #map}, {transform_indices = #map}, {transform_indices = #map}]} {
    %mul3A = arith.constant 2 : i32
    %mul3A_0 = arith.muli %arg1, %mul3A : i32
    %add3A = arith.addi %mul3A_0, %arg0 : i32
    %mul3A_1 = arith.constant 50 : i32
    %mul3A_2 = arith.muli %add3A, %mul3A_1 : i32
    %mul3A_3 = arith.constant 25600 : i32
    %mul3A_4 = arith.muli %add3A, %mul3A_3 : i32
    "tpu.region"() ({
      %run_scoped3A = tpu.sem_alloc : memref<!tpu.dma_semaphore, #tpu.memory_space<semaphore_mem>>
      %dma_start3A_91 = arith.constant 0 : i32
      %dma_start3A_92 = tpu.memref_slice %arg2[%mul3A_2, %dma_start3A_91] : memref<1600x512xi32, #tpu.memory_space<hbm>> -> memref<50x512xi32, #tpu.memory_space<hbm>>
      %dma_start3A_93 = arith.constant 0 : i32
      %dma_start3A_94 = tpu.memref_slice %arg2[%mul3A_2, %dma_start3A_93] : memref<1600x512xi32, #tpu.memory_space<hbm>> -> memref<50x512xi32, #tpu.memory_space<hbm>>
      tpu.enqueue_dma source(%dma_start3A_94 : memref<50x512xi32, #tpu.memory_space<hbm>>) target(%arg6 : memref<50x512xi32, #tpu.memory_space<vmem>>) target_semaphore(%run_scoped3A : memref<!tpu.dma_semaphore, #tpu.memory_space<semaphore_mem>>)
      %dma_wait3A_95 = arith.constant 0 : i32
      %dma_wait3A_96 = tpu.memref_slice %arg2[%mul3A_2, %dma_wait3A_95] : memref<1600x512xi32, #tpu.memory_space<hbm>> -> memref<50x512xi32, #tpu.memory_space<hbm>>
      %dma_wait3A_97 = arith.constant 0 : i32
      %dma_wait3A_98 = tpu.memref_slice %arg2[%mul3A_2, %dma_wait3A_97] : memref<1600x512xi32, #tpu.memory_space<hbm>> -> memref<50x512xi32, #tpu.memory_space<hbm>>
      tpu.wait_dma2 semaphore(%run_scoped3A : memref<!tpu.dma_semaphore, #tpu.memory_space<semaphore_mem>>) src(%dma_wait3A_98 : memref<50x512xi32, #tpu.memory_space<hbm>>) dst(%arg6 : memref<50x512xi32, #tpu.memory_space<vmem>>)
      tpu.yield
    }) : () -> ()
    "tpu.region"() ({
      %run_scoped3A = tpu.sem_alloc : memref<!tpu.dma_semaphore, #tpu.memory_space<semaphore_mem>>
      tpu.enqueue_dma source(%arg4 : memref<2x64xf32, #tpu.memory_space<hbm>>) target(%arg9 : memref<2x64xf32, #tpu.memory_space<vmem>>) target_semaphore(%run_scoped3A : memref<!tpu.dma_semaphore, #tpu.memory_space<semaphore_mem>>)
      tpu.wait_dma2 semaphore(%run_scoped3A : memref<!tpu.dma_semaphore, #tpu.memory_space<semaphore_mem>>) src(%arg4 : memref<2x64xf32, #tpu.memory_space<hbm>>) dst(%arg9 : memref<2x64xf32, #tpu.memory_space<vmem>>)
      tpu.yield
    }) : () -> ()
    %get3A = arith.constant 0 : i32
    %get3A_5 = arith.index_cast %get3A : i32 to index
    %get3A_6 = arith.constant 0 : index
    %get3A_7 = tpu.vector_load %arg9[%get3A_5, %get3A_6] {strides = array<i32>} : memref<2x64xf32, #tpu.memory_space<vmem>>, vector<16xf32>,
    %get3A_8 = arith.constant 0 : i32
    %get3A_9 = arith.index_cast %get3A_8 : i32 to index
    %get3A_10 = arith.constant 16 : index
    %get3A_11 = tpu.vector_load %arg9[%get3A_9, %get3A_10] {strides = array<i32>} : memref<2x64xf32, #tpu.memory_space<vmem>>, vector<16xf32>,
    %get3A_12 = arith.constant 0 : i32
    %get3A_13 = arith.index_cast %get3A_12 : i32 to index
    %get3A_14 = arith.constant 32 : index
    %get3A_15 = tpu.vector_load %arg9[%get3A_13, %get3A_14] {strides = array<i32>} : memref<2x64xf32, #tpu.memory_space<vmem>>, vector<16xf32>,
    %get3A_16 = arith.constant 0 : i32
    %get3A_17 = arith.index_cast %get3A_16 : i32 to index
    %get3A_18 = arith.constant 48 : index
    %get3A_19 = tpu.vector_load %arg9[%get3A_17, %get3A_18] {strides = array<i32>} : memref<2x64xf32, #tpu.memory_space<vmem>>, vector<16xf32>,
    %get3A_20 = arith.constant 1 : i32
    %get3A_21 = arith.index_cast %get3A_20 : i32 to index
    %get3A_22 = arith.constant 0 : index
    %get3A_23 = tpu.vector_load %arg9[%get3A_21, %get3A_22] {strides = array<i32>} : memref<2x64xf32, #tpu.memory_space<vmem>>, vector<16xf32>,
    %get3A_24 = arith.constant 1 : i32
    %get3A_25 = arith.index_cast %get3A_24 : i32 to index
    %get3A_26 = arith.constant 16 : index
    %get3A_27 = tpu.vector_load %arg9[%get3A_25, %get3A_26] {strides = array<i32>} : memref<2x64xf32, #tpu.memory_space<vmem>>, vector<16xf32>,
    %get3A_28 = arith.constant 1 : i32
    %get3A_29 = arith.index_cast %get3A_28 : i32 to index
    %get3A_30 = arith.constant 32 : index
    %get3A_31 = tpu.vector_load %arg9[%get3A_29, %get3A_30] {strides = array<i32>} : memref<2x64xf32, #tpu.memory_space<vmem>>, vector<16xf32>,
    %get3A_32 = arith.constant 1 : i32
    %get3A_33 = arith.index_cast %get3A_32 : i32 to index
    %get3A_34 = arith.constant 48 : index
    %get3A_35 = tpu.vector_load %arg9[%get3A_33, %get3A_34] {strides = array<i32>} : memref<2x64xf32, #tpu.memory_space<vmem>>, vector<16xf32>,
    %dma_start3A = arith.constant 0 : i32
    %dma_start3A_36 = arith.constant 0 : i32
    %dma_start3A_37 = arith.constant 0 : i32
    %dma_start3A_38 = tpu.memref_slice %arg7[%dma_start3A_36, %dma_start3A_37] : memref<512x64xf32, #tpu.memory_space<vmem>> -> memref<128x64xf32, #tpu.memory_space<vmem>>
    %dma_start3A_39 = arith.constant 0 : i32
    %dma_start3A_40 = tpu.memref_slice %arg6[%dma_start3A, %dma_start3A_39] : memref<50x512xi32, #tpu.memory_space<vmem>> -> memref<1x128xi32, #tpu.memory_space<vmem>>
    %dma_start3A_41 = tpu.memref_squeeze %dma_start3A_40 : memref<1x128xi32, #tpu.memory_space<vmem>> -> memref<128xi32, #tpu.memory_space<vmem>>
    %dma_start3A_42 = arith.constant 0 : i32
    %dma_start3A_43 = arith.constant 0 : i32
    %dma_start3A_44 = tpu.memref_slice %arg3[%dma_start3A_42, %dma_start3A_43] : memref<400004x64xf32, #tpu.memory_space<hbm>> -> memref<400004x64xf32, #tpu.memory_space<hbm>>
    tpu.enqueue_indirect_dma source(%dma_start3A_44 : memref<400004x64xf32, #tpu.memory_space<hbm>>) target(%dma_start3A_38 : memref<128x64xf32, #tpu.memory_space<vmem>>) offsets(%dma_start3A_41 : memref<128xi32, #tpu.memory_space<vmem>>) semaphore(%arg10 : memref<!tpu.dma_semaphore, #tpu.memory_space<semaphore_mem>>)
    %dma_start3A_45 = arith.constant 0 : i32
    %dma_start3A_46 = arith.constant 128 : i32
    %dma_start3A_47 = arith.constant 0 : i32
    %dma_start3A_48 = tpu.memref_slice %arg7[%dma_start3A_46, %dma_start3A_47] : memref<512x64xf32, #tpu.memory_space<vmem>> -> memref<128x64xf32, #tpu.memory_space<vmem>>
    %dma_start3A_49 = arith.constant 128 : i32
    %dma_start3A_50 = tpu.memref_slice %arg6[%dma_start3A_45, %dma_start3A_49] : memref<50x512xi32, #tpu.memory_space<vmem>> -> memref<1x128xi32, #tpu.memory_space<vmem>>
    %dma_start3A_51 = tpu.memref_squeeze %dma_start3A_50 : memref<1x128xi32, #tpu.memory_space<vmem>> -> memref<128xi32, #tpu.memory_space<vmem>>
    %dma_start3A_52 = arith.constant 0 : i32
    %dma_start3A_53 = arith.constant 0 : i32
    %dma_start3A_54 = tpu.memref_slice %arg3[%dma_start3A_52, %dma_start3A_53] : memref<400004x64xf32, #tpu.memory_space<hbm>> -> memref<400004x64xf32, #tpu.memory_space<hbm>>
    tpu.enqueue_indirect_dma source(%dma_start3A_54 : memref<400004x64xf32, #tpu.memory_space<hbm>>) target(%dma_start3A_48 : memref<128x64xf32, #tpu.memory_space<vmem>>) offsets(%dma_start3A_51 : memref<128xi32, #tpu.memory_space<vmem>>) semaphore(%arg10 : memref<!tpu.dma_semaphore, #tpu.memory_space<semaphore_mem>>)
    %dma_start3A_55 = arith.constant 0 : i32
    %dma_start3A_56 = arith.constant 256 : i32
    %dma_start3A_57 = arith.constant 0 : i32
    %dma_start3A_58 = tpu.memref_slice %arg7[%dma_start3A_56, %dma_start3A_57] : memref<512x64xf32, #tpu.memory_space<vmem>> -> memref<128x64xf32, #tpu.memory_space<vmem>>
    %dma_start3A_59 = arith.constant 256 : i32
    %dma_start3A_60 = tpu.memref_slice %arg6[%dma_start3A_55, %dma_start3A_59] : memref<50x512xi32, #tpu.memory_space<vmem>> -> memref<1x128xi32, #tpu.memory_space<vmem>>
    %dma_start3A_61 = tpu.memref_squeeze %dma_start3A_60 : memref<1x128xi32, #tpu.memory_space<vmem>> -> memref<128xi32, #tpu.memory_space<vmem>>
    %dma_start3A_62 = arith.constant 0 : i32
    %dma_start3A_63 = arith.constant 0 : i32
    %dma_start3A_64 = tpu.memref_slice %arg3[%dma_start3A_62, %dma_start3A_63] : memref<400004x64xf32, #tpu.memory_space<hbm>> -> memref<400004x64xf32, #tpu.memory_space<hbm>>
    tpu.enqueue_indirect_dma source(%dma_start3A_64 : memref<400004x64xf32, #tpu.memory_space<hbm>>) target(%dma_start3A_58 : memref<128x64xf32, #tpu.memory_space<vmem>>) offsets(%dma_start3A_61 : memref<128xi32, #tpu.memory_space<vmem>>) semaphore(%arg10 : memref<!tpu.dma_semaphore, #tpu.memory_space<semaphore_mem>>)
    %dma_start3A_65 = arith.constant 0 : i32
    %dma_start3A_66 = arith.constant 384 : i32
    %dma_start3A_67 = arith.constant 0 : i32
    %dma_start3A_68 = tpu.memref_slice %arg7[%dma_start3A_66, %dma_start3A_67] : memref<512x64xf32, #tpu.memory_space<vmem>> -> memref<128x64xf32, #tpu.memory_space<vmem>>
    %dma_start3A_69 = arith.constant 384 : i32
    %dma_start3A_70 = tpu.memref_slice %arg6[%dma_start3A_65, %dma_start3A_69] : memref<50x512xi32, #tpu.memory_space<vmem>> -> memref<1x128xi32, #tpu.memory_space<vmem>>
    %dma_start3A_71 = tpu.memref_squeeze %dma_start3A_70 : memref<1x128xi32, #tpu.memory_space<vmem>> -> memref<128xi32, #tpu.memory_space<vmem>>
    %dma_start3A_72 = arith.constant 0 : i32
    %dma_start3A_73 = arith.constant 0 : i32
    %dma_start3A_74 = tpu.memref_slice %arg3[%dma_start3A_72, %dma_start3A_73] : memref<400004x64xf32, #tpu.memory_space<hbm>> -> memref<400004x64xf32, #tpu.memory_space<hbm>>
    tpu.enqueue_indirect_dma source(%dma_start3A_74 : memref<400004x64xf32, #tpu.memory_space<hbm>>) target(%dma_start3A_68 : memref<128x64xf32, #tpu.memory_space<vmem>>) offsets(%dma_start3A_71 : memref<128xi32, #tpu.memory_space<vmem>>) semaphore(%arg10 : memref<!tpu.dma_semaphore, #tpu.memory_space<semaphore_mem>>)
    %scan3A = arith.constant 0 : i32
    %scan3A_75 = arith.constant 0 : i32
    %scan3A_76 = arith.constant 25 : i32
    %scan3A_77 = arith.addi %scan3A_75, %scan3A_76 : i32
    %scan3A_78 = arith.constant 1 : i32
    scf.for %scan3A_91 = %scan3A_75 to %scan3A_77 step %scan3A_78  : i32 {
      %mul3A_92 = arith.constant 2 : i32
      %mul3A_93 = arith.muli %scan3A_91, %mul3A_92 : i32
      %add3A_94 = arith.constant 0 : i32
      %add3A_95 = arith.addi %mul3A_93, %add3A_94 : i32
      %dma_wait3A_96 = arith.constant 0 : i32
      %dma_wait3A_97 = arith.constant 0 : i32
      %dma_wait3A_98 = tpu.memref_slice %arg7[%dma_wait3A_96, %dma_wait3A_97] : memref<512x64xf32, #tpu.memory_space<vmem>> -> memref<128x64xf32, #tpu.memory_space<vmem>>
      %dma_wait3A_99 = arith.constant 0 : i32
      %dma_wait3A_100 = tpu.memref_slice %arg6[%add3A_95, %dma_wait3A_99] : memref<50x512xi32, #tpu.memory_space<vmem>> -> memref<1x128xi32, #tpu.memory_space<vmem>>
      %dma_wait3A_101 = tpu.memref_squeeze %dma_wait3A_100 : memref<1x128xi32, #tpu.memory_space<vmem>> -> memref<128xi32, #tpu.memory_space<vmem>>
      %dma_wait3A_102 = arith.constant 0 : i32
      %dma_wait3A_103 = arith.constant 0 : i32
      %dma_wait3A_104 = tpu.memref_slice %arg3[%dma_wait3A_102, %dma_wait3A_103] : memref<400004x64xf32, #tpu.memory_space<hbm>> -> memref<400004x64xf32, #tpu.memory_space<hbm>>
      tpu.wait_indirect_dma semaphore(%arg10 : memref<!tpu.dma_semaphore, #tpu.memory_space<semaphore_mem>>) src(%dma_wait3A_104 : memref<400004x64xf32, #tpu.memory_space<hbm>>) dst(%dma_wait3A_98 : memref<128x64xf32, #tpu.memory_space<vmem>>)
      %dma_wait3A_105 = arith.constant 128 : i32
      %dma_wait3A_106 = arith.constant 0 : i32
      %dma_wait3A_107 = tpu.memref_slice %arg7[%dma_wait3A_105, %dma_wait3A_106] : memref<512x64xf32, #tpu.memory_space<vmem>> -> memref<128x64xf32, #tpu.memory_space<vmem>>
      %dma_wait3A_108 = arith.constant 128 : i32
      %dma_wait3A_109 = tpu.memref_slice %arg6[%add3A_95, %dma_wait3A_108] : memref<50x512xi32, #tpu.memory_space<vmem>> -> memref<1x128xi32, #tpu.memory_space<vmem>>
      %dma_wait3A_110 = tpu.memref_squeeze %dma_wait3A_109 : memref<1x128xi32, #tpu.memory_space<vmem>> -> memref<128xi32, #tpu.memory_space<vmem>>
      %dma_wait3A_111 = arith.constant 0 : i32
      %dma_wait3A_112 = arith.constant 0 : i32
      %dma_wait3A_113 = tpu.memref_slice %arg3[%dma_wait3A_111, %dma_wait3A_112] : memref<400004x64xf32, #tpu.memory_space<hbm>> -> memref<400004x64xf32, #tpu.memory_space<hbm>>
      tpu.wait_indirect_dma semaphore(%arg10 : memref<!tpu.dma_semaphore, #tpu.memory_space<semaphore_mem>>) src(%dma_wait3A_113 : memref<400004x64xf32, #tpu.memory_space<hbm>>) dst(%dma_wait3A_107 : memref<128x64xf32, #tpu.memory_space<vmem>>)
      %dma_wait3A_114 = arith.constant 256 : i32
      %dma_wait3A_115 = arith.constant 0 : i32
      %dma_wait3A_116 = tpu.memref_slice %arg7[%dma_wait3A_114, %dma_wait3A_115] : memref<512x64xf32, #tpu.memory_space<vmem>> -> memref<128x64xf32, #tpu.memory_space<vmem>>
      %dma_wait3A_117 = arith.constant 256 : i32
      %dma_wait3A_118 = tpu.memref_slice %arg6[%add3A_95, %dma_wait3A_117] : memref<50x512xi32, #tpu.memory_space<vmem>> -> memref<1x128xi32, #tpu.memory_space<vmem>>
      %dma_wait3A_119 = tpu.memref_squeeze %dma_wait3A_118 : memref<1x128xi32, #tpu.memory_space<vmem>> -> memref<128xi32, #tpu.memory_space<vmem>>
      %dma_wait3A_120 = arith.constant 0 : i32
      %dma_wait3A_121 = arith.constant 0 : i32
      %dma_wait3A_122 = tpu.memref_slice %arg3[%dma_wait3A_120, %dma_wait3A_121] : memref<400004x64xf32, #tpu.memory_space<hbm>> -> memref<400004x64xf32, #tpu.memory_space<hbm>>
      tpu.wait_indirect_dma semaphore(%arg10 : memref<!tpu.dma_semaphore, #tpu.memory_space<semaphore_mem>>) src(%dma_wait3A_122 : memref<400004x64xf32, #tpu.memory_space<hbm>>) dst(%dma_wait3A_116 : memref<128x64xf32, #tpu.memory_space<vmem>>)
      %dma_wait3A_123 = arith.constant 384 : i32
      %dma_wait3A_124 = arith.constant 0 : i32
      %dma_wait3A_125 = tpu.memref_slice %arg7[%dma_wait3A_123, %dma_wait3A_124] : memref<512x64xf32, #tpu.memory_space<vmem>> -> memref<128x64xf32, #tpu.memory_space<vmem>>
      %dma_wait3A_126 = arith.constant 384 : i32
      %dma_wait3A_127 = tpu.memref_slice %arg6[%add3A_95, %dma_wait3A_126] : memref<50x512xi32, #tpu.memory_space<vmem>> -> memref<1x128xi32, #tpu.memory_space<vmem>>
      %dma_wait3A_128 = tpu.memref_squeeze %dma_wait3A_127 : memref<1x128xi32, #tpu.memory_space<vmem>> -> memref<128xi32, #tpu.memory_space<vmem>>
      %dma_wait3A_129 = arith.constant 0 : i32
      %dma_wait3A_130 = arith.constant 0 : i32
      %dma_wait3A_131 = tpu.memref_slice %arg3[%dma_wait3A_129, %dma_wait3A_130] : memref<400004x64xf32, #tpu.memory_space<hbm>> -> memref<400004x64xf32, #tpu.memory_space<hbm>>
      tpu.wait_indirect_dma semaphore(%arg10 : memref<!tpu.dma_semaphore, #tpu.memory_space<semaphore_mem>>) src(%dma_wait3A_131 : memref<400004x64xf32, #tpu.memory_space<hbm>>) dst(%dma_wait3A_125 : memref<128x64xf32, #tpu.memory_space<vmem>>)
      %get3A_132 = arith.index_cast %add3A_95 : i32 to index
      %get3A_133 = arith.constant 0 : index
      %get3A_134 = tpu.vector_load %arg6[%get3A_132, %get3A_133] {strides = array<i32>} : memref<50x512xi32, #tpu.memory_space<vmem>>, vector<16xi32>,
      %get3A_135 = arith.index_cast %add3A_95 : i32 to index
      %get3A_136 = arith.constant 16 : index
      %get3A_137 = tpu.vector_load %arg6[%get3A_135, %get3A_136] {strides = array<i32>} : memref<50x512xi32, #tpu.memory_space<vmem>>, vector<16xi32>,
      %max3A = arith.maxsi %get3A_134, %get3A_137 : vector<16xi32>
      %get3A_138 = arith.index_cast %add3A_95 : i32 to index
      %get3A_139 = arith.constant 32 : index
      %get3A_140 = tpu.vector_load %arg6[%get3A_138, %get3A_139] {strides = array<i32>} : memref<50x512xi32, #tpu.memory_space<vmem>>, vector<16xi32>,
      %max3A_141 = arith.maxsi %max3A, %get3A_140 : vector<16xi32>
      %get3A_142 = arith.index_cast %add3A_95 : i32 to index
      %get3A_143 = arith.constant 48 : index
      %get3A_144 = tpu.vector_load %arg6[%get3A_142, %get3A_143] {strides = array<i32>} : memref<50x512xi32, #tpu.memory_space<vmem>>, vector<16xi32>,
      %max3A_145 = arith.maxsi %max3A_141, %get3A_144 : vector<16xi32>
      %get3A_146 = arith.index_cast %add3A_95 : i32 to index
      %get3A_147 = arith.constant 64 : index
      %get3A_148 = tpu.vector_load %arg6[%get3A_146, %get3A_147] {strides = array<i32>} : memref<50x512xi32, #tpu.memory_space<vmem>>, vector<16xi32>,
      %max3A_149 = arith.maxsi %max3A_145, %get3A_148 : vector<16xi32>
      %get3A_150 = arith.index_cast %add3A_95 : i32 to index
      %get3A_151 = arith.constant 80 : index
      %get3A_152 = tpu.vector_load %arg6[%get3A_150, %get3A_151] {strides = array<i32>} : memref<50x512xi32, #tpu.memory_space<vmem>>, vector<16xi32>,
      %max3A_153 = arith.maxsi %max3A_149, %get3A_152 : vector<16xi32>
      %get3A_154 = arith.index_cast %add3A_95 : i32 to index
      %get3A_155 = arith.constant 96 : index
      %get3A_156 = tpu.vector_load %arg6[%get3A_154, %get3A_155] {strides = array<i32>} : memref<50x512xi32, #tpu.memory_space<vmem>>, vector<16xi32>,
      %max3A_157 = arith.maxsi %max3A_153, %get3A_156 : vector<16xi32>
      %get3A_158 = arith.index_cast %add3A_95 : i32 to index
      %get3A_159 = arith.constant 112 : index
      %get3A_160 = tpu.vector_load %arg6[%get3A_158, %get3A_159] {strides = array<i32>} : memref<50x512xi32, #tpu.memory_space<vmem>>, vector<16xi32>,
      %max3A_161 = arith.maxsi %max3A_157, %get3A_160 : vector<16xi32>
      %get3A_162 = arith.index_cast %add3A_95 : i32 to index
      %get3A_163 = arith.constant 128 : index
      %get3A_164 = tpu.vector_load %arg6[%get3A_162, %get3A_163] {strides = array<i32>} : memref<50x512xi32, #tpu.memory_space<vmem>>, vector<16xi32>,
      %max3A_165 = arith.maxsi %max3A_161, %get3A_164 : vector<16xi32>
      %get3A_166 = arith.index_cast %add3A_95 : i32 to index
      %get3A_167 = arith.constant 144 : index
      %get3A_168 = tpu.vector_load %arg6[%get3A_166, %get3A_167] {strides = array<i32>} : memref<50x512xi32, #tpu.memory_space<vmem>>, vector<16xi32>,
      %max3A_169 = arith.maxsi %max3A_165, %get3A_168 : vector<16xi32>
      %get3A_170 = arith.index_cast %add3A_95 : i32 to index
      %get3A_171 = arith.constant 160 : index
      %get3A_172 = tpu.vector_load %arg6[%get3A_170, %get3A_171] {strides = array<i32>} : memref<50x512xi32, #tpu.memory_space<vmem>>, vector<16xi32>,
      %max3A_173 = arith.maxsi %max3A_169, %get3A_172 : vector<16xi32>
      %get3A_174 = arith.index_cast %add3A_95 : i32 to index
      %get3A_175 = arith.constant 176 : index
      %get3A_176 = tpu.vector_load %arg6[%get3A_174, %get3A_175] {strides = array<i32>} : memref<50x512xi32, #tpu.memory_space<vmem>>, vector<16xi32>,
      %max3A_177 = arith.maxsi %max3A_173, %get3A_176 : vector<16xi32>
      %get3A_178 = arith.index_cast %add3A_95 : i32 to index
      %get3A_179 = arith.constant 192 : index
      %get3A_180 = tpu.vector_load %arg6[%get3A_178, %get3A_179] {strides = array<i32>} : memref<50x512xi32, #tpu.memory_space<vmem>>, vector<16xi32>,
      %max3A_181 = arith.maxsi %max3A_177, %get3A_180 : vector<16xi32>
      %get3A_182 = arith.index_cast %add3A_95 : i32 to index
      %get3A_183 = arith.constant 208 : index
      %get3A_184 = tpu.vector_load %arg6[%get3A_182, %get3A_183] {strides = array<i32>} : memref<50x512xi32, #tpu.memory_space<vmem>>, vector<16xi32>,
      %max3A_185 = arith.maxsi %max3A_181, %get3A_184 : vector<16xi32>
      %get3A_186 = arith.index_cast %add3A_95 : i32 to index
      %get3A_187 = arith.constant 224 : index
      %get3A_188 = tpu.vector_load %arg6[%get3A_186, %get3A_187] {strides = array<i32>} : memref<50x512xi32, #tpu.memory_space<vmem>>, vector<16xi32>,
      %max3A_189 = arith.maxsi %max3A_185, %get3A_188 : vector<16xi32>
      %get3A_190 = arith.index_cast %add3A_95 : i32 to index
      %get3A_191 = arith.constant 240 : index
      %get3A_192 = tpu.vector_load %arg6[%get3A_190, %get3A_191] {strides = array<i32>} : memref<50x512xi32, #tpu.memory_space<vmem>>, vector<16xi32>,
      %max3A_193 = arith.maxsi %max3A_189, %get3A_192 : vector<16xi32>
      %get3A_194 = arith.index_cast %add3A_95 : i32 to index
      %get3A_195 = arith.constant 256 : index
      %get3A_196 = tpu.vector_load %arg6[%get3A_194, %get3A_195] {strides = array<i32>} : memref<50x512xi32, #tpu.memory_space<vmem>>, vector<16xi32>,
      %max3A_197 = arith.maxsi %max3A_193, %get3A_196 : vector<16xi32>
      %get3A_198 = arith.index_cast %add3A_95 : i32 to index
      %get3A_199 = arith.constant 272 : index
      %get3A_200 = tpu.vector_load %arg6[%get3A_198, %get3A_199] {strides = array<i32>} : memref<50x512xi32, #tpu.memory_space<vmem>>, vector<16xi32>,
      %max3A_201 = arith.maxsi %max3A_197, %get3A_200 : vector<16xi32>
      %get3A_202 = arith.index_cast %add3A_95 : i32 to index
      %get3A_203 = arith.constant 288 : index
      %get3A_204 = tpu.vector_load %arg6[%get3A_202, %get3A_203] {strides = array<i32>} : memref<50x512xi32, #tpu.memory_space<vmem>>, vector<16xi32>,
      %max3A_205 = arith.maxsi %max3A_201, %get3A_204 : vector<16xi32>
      %get3A_206 = arith.index_cast %add3A_95 : i32 to index
      %get3A_207 = arith.constant 304 : index
      %get3A_208 = tpu.vector_load %arg6[%get3A_206, %get3A_207] {strides = array<i32>} : memref<50x512xi32, #tpu.memory_space<vmem>>, vector<16xi32>,
      %max3A_209 = arith.maxsi %max3A_205, %get3A_208 : vector<16xi32>
      %get3A_210 = arith.index_cast %add3A_95 : i32 to index
      %get3A_211 = arith.constant 320 : index
      %get3A_212 = tpu.vector_load %arg6[%get3A_210, %get3A_211] {strides = array<i32>} : memref<50x512xi32, #tpu.memory_space<vmem>>, vector<16xi32>,
      %max3A_213 = arith.maxsi %max3A_209, %get3A_212 : vector<16xi32>
      %get3A_214 = arith.index_cast %add3A_95 : i32 to index
      %get3A_215 = arith.constant 336 : index
      %get3A_216 = tpu.vector_load %arg6[%get3A_214, %get3A_215] {strides = array<i32>} : memref<50x512xi32, #tpu.memory_space<vmem>>, vector<16xi32>,
      %max3A_217 = arith.maxsi %max3A_213, %get3A_216 : vector<16xi32>
      %get3A_218 = arith.index_cast %add3A_95 : i32 to index
      %get3A_219 = arith.constant 352 : index
      %get3A_220 = tpu.vector_load %arg6[%get3A_218, %get3A_219] {strides = array<i32>} : memref<50x512xi32, #tpu.memory_space<vmem>>, vector<16xi32>,
      %max3A_221 = arith.maxsi %max3A_217, %get3A_220 : vector<16xi32>
      %get3A_222 = arith.index_cast %add3A_95 : i32 to index
      %get3A_223 = arith.constant 368 : index
      %get3A_224 = tpu.vector_load %arg6[%get3A_222, %get3A_223] {strides = array<i32>} : memref<50x512xi32, #tpu.memory_space<vmem>>, vector<16xi32>,
      %max3A_225 = arith.maxsi %max3A_221, %get3A_224 : vector<16xi32>
      %get3A_226 = arith.index_cast %add3A_95 : i32 to index
      %get3A_227 = arith.constant 384 : index
      %get3A_228 = tpu.vector_load %arg6[%get3A_226, %get3A_227] {strides = array<i32>} : memref<50x512xi32, #tpu.memory_space<vmem>>, vector<16xi32>,
      %max3A_229 = arith.maxsi %max3A_225, %get3A_228 : vector<16xi32>
      %get3A_230 = arith.index_cast %add3A_95 : i32 to index
      %get3A_231 = arith.constant 400 : index
      %get3A_232 = tpu.vector_load %arg6[%get3A_230, %get3A_231] {strides = array<i32>} : memref<50x512xi32, #tpu.memory_space<vmem>>, vector<16xi32>,
      %max3A_233 = arith.maxsi %max3A_229, %get3A_232 : vector<16xi32>
      %get3A_234 = arith.index_cast %add3A_95 : i32 to index
      %get3A_235 = arith.constant 416 : index
      %get3A_236 = tpu.vector_load %arg6[%get3A_234, %get3A_235] {strides = array<i32>} : memref<50x512xi32, #tpu.memory_space<vmem>>, vector<16xi32>,
      %max3A_237 = arith.maxsi %max3A_233, %get3A_236 : vector<16xi32>
      %get3A_238 = arith.index_cast %add3A_95 : i32 to index
      %get3A_239 = arith.constant 432 : index
      %get3A_240 = tpu.vector_load %arg6[%get3A_238, %get3A_239] {strides = array<i32>} : memref<50x512xi32, #tpu.memory_space<vmem>>, vector<16xi32>,
      %max3A_241 = arith.maxsi %max3A_237, %get3A_240 : vector<16xi32>
      %get3A_242 = arith.index_cast %add3A_95 : i32 to index
      %get3A_243 = arith.constant 448 : index
      %get3A_244 = tpu.vector_load %arg6[%get3A_242, %get3A_243] {strides = array<i32>} : memref<50x512xi32, #tpu.memory_space<vmem>>, vector<16xi32>,
      %max3A_245 = arith.maxsi %max3A_241, %get3A_244 : vector<16xi32>
      %get3A_246 = arith.index_cast %add3A_95 : i32 to index
      %get3A_247 = arith.constant 464 : index
      %get3A_248 = tpu.vector_load %arg6[%get3A_246, %get3A_247] {strides = array<i32>} : memref<50x512xi32, #tpu.memory_space<vmem>>, vector<16xi32>,
      %max3A_249 = arith.maxsi %max3A_245, %get3A_248 : vector<16xi32>
      %get3A_250 = arith.index_cast %add3A_95 : i32 to index
      %get3A_251 = arith.constant 480 : index
      %get3A_252 = tpu.vector_load %arg6[%get3A_250, %get3A_251] {strides = array<i32>} : memref<50x512xi32, #tpu.memory_space<vmem>>, vector<16xi32>,
      %max3A_253 = arith.maxsi %max3A_249, %get3A_252 : vector<16xi32>
      %get3A_254 = arith.index_cast %add3A_95 : i32 to index
      %get3A_255 = arith.constant 496 : index
      %get3A_256 = tpu.vector_load %arg6[%get3A_254, %get3A_255] {strides = array<i32>} : memref<50x512xi32, #tpu.memory_space<vmem>>, vector<16xi32>,
      %max3A_257 = arith.maxsi %max3A_253, %get3A_256 : vector<16xi32>
      %reduce_max3A = arith.constant true
      %reduce_max3A_258 = vector.broadcast %reduce_max3A : i1 to vector<16xi1>
      %reduce_max3A_259 = arith.constant -2147483648 : i32
      %reduce_max3A_260 = vector.broadcast %reduce_max3A_259 : i32 to vector<16xi32>
      %reduce_max3A_261 = arith.xori %max3A_257, %reduce_max3A_260 : vector<16xi32>
      %reduce_max3A_262 = tpu.scan <max>, %reduce_max3A_261 masked %reduce_max3A_258 : vector<16xi32>, vector<16xi1> -> vector<16xi32>
      %reduce_max3A_263 = arith.xori %reduce_max3A_262, %reduce_max3A_260 : vector<16xi32>
      %reduce_max3A_264 = vector.extract %reduce_max3A_263[15] : i32 from vector<16xi32>
      %ge3A = arith.constant 400001 : i32
      %ge3A_265 = arith.cmpi sge, %reduce_max3A_264, %ge3A : i32
      %convert_element_type3A = arith.extui %ge3A_265 : i1 to i32
      %cond3A = arith.constant 0 : i32
      %cond3A_266 = arith.cmpi ne, %convert_element_type3A, %cond3A : i32
      scf.if %cond3A_266 {
        %scan3A_472 = arith.constant 0 : i32
        %scan3A_473 = arith.constant 0 : i32
        %scan3A_474 = arith.constant 32 : i32
        %scan3A_475 = arith.addi %scan3A_473, %scan3A_474 : i32
        %scan3A_476 = arith.constant 1 : i32
        scf.for %scan3A_478 = %scan3A_473 to %scan3A_475 step %scan3A_476  : i32 {
          %mul3A_479 = arith.constant 16 : i32
          %mul3A_480 = arith.muli %scan3A_478, %mul3A_479 : i32
          %get3A_481 = arith.index_cast %add3A_95 : i32 to index
          %get3A_482 = arith.index_cast %mul3A_480 : i32 to index
          %get3A_483 = tpu.vector_load %arg6[%get3A_481, %get3A_482] {strides = array<i32>} : memref<50x512xi32, #tpu.memory_space<vmem>>, vector<16xi32>,
          %reduce_max3A_484 = arith.constant true
          %reduce_max3A_485 = vector.broadcast %reduce_max3A_484 : i1 to vector<16xi1>
          %reduce_max3A_486 = arith.constant -2147483648 : i32
          %reduce_max3A_487 = vector.broadcast %reduce_max3A_486 : i32 to vector<16xi32>
          %reduce_max3A_488 = arith.xori %get3A_483, %reduce_max3A_487 : vector<16xi32>
          %reduce_max3A_489 = tpu.scan <max>, %reduce_max3A_488 masked %reduce_max3A_485 : vector<16xi32>, vector<16xi1> -> vector<16xi32>
          %reduce_max3A_490 = arith.xori %reduce_max3A_489, %reduce_max3A_487 : vector<16xi32>
          %reduce_max3A_491 = vector.extract %reduce_max3A_490[15] : i32 from vector<16xi32>
          %ge3A_492 = arith.constant 400001 : i32
          %ge3A_493 = arith.cmpi sge, %reduce_max3A_491, %ge3A_492 : i32
          %convert_element_type3A_494 = arith.extui %ge3A_493 : i1 to i32
          %cond3A_495 = arith.constant 0 : i32
          %cond3A_496 = arith.cmpi ne, %convert_element_type3A_494, %cond3A_495 : i32
          scf.if %cond3A_496 {
            %mul3A_497 = arith.constant 16 : i32
            %mul3A_498 = arith.muli %scan3A_478, %mul3A_497 : i32
            %add3A_499 = arith.constant 0 : i32
            %add3A_500 = arith.addi %mul3A_498, %add3A_499 : i32
            %slice3A = vector.extract_strided_slice %get3A_483 {offsets = [0], sizes = [1], strides = [1]} : vector<16xi32> to vector<1xi32>
            %squeeze3A = vector.extract %slice3A[0] : i32 from vector<1xi32>
            %eq3A = arith.constant 400001 : i32
            %eq3A_501 = arith.cmpi eq, %squeeze3A, %eq3A : i32
            %convert_element_type3A_502 = arith.extui %eq3A_501 : i1 to i32
            %cond3A_503 = arith.constant 0 : i32
            %cond3A_504 = arith.cmpi ne, %convert_element_type3A_502, %cond3A_503 : i32
            scf.if %cond3A_504 {
              %swap3A = arith.index_cast %add3A_500 : i32 to index
              %swap3A_750 = arith.constant 0 : index
              %swap3A_751 = tpu.vector_load %arg7[%swap3A, %swap3A_750] {strides = array<i32>} : memref<512x64xf32, #tpu.memory_space<vmem>>, vector<16xf32>,
              tpu.vector_store %arg7[%swap3A, %swap3A_750], %get3A_7 {strides = array<i32>} : memref<512x64xf32, #tpu.memory_space<vmem>>, vector<16xf32>,
              %swap3A_752 = arith.index_cast %add3A_500 : i32 to index
              %swap3A_753 = arith.constant 16 : index
              %swap3A_754 = tpu.vector_load %arg7[%swap3A_752, %swap3A_753] {strides = array<i32>} : memref<512x64xf32, #tpu.memory_space<vmem>>, vector<16xf32>,
              tpu.vector_store %arg7[%swap3A_752, %swap3A_753], %get3A_11 {strides = array<i32>} : memref<512x64xf32, #tpu.memory_space<vmem>>, vector<16xf32>,
              %swap3A_755 = arith.index_cast %add3A_500 : i32 to index
              %swap3A_756 = arith.constant 32 : index
              %swap3A_757 = tpu.vector_load %arg7[%swap3A_755, %swap3A_756] {strides = array<i32>} : memref<512x64xf32, #tpu.memory_space<vmem>>, vector<16xf32>,
              tpu.vector_store %arg7[%swap3A_755, %swap3A_756], %get3A_15 {strides = array<i32>} : memref<512x64xf32, #tpu.memory_space<vmem>>, vector<16xf32>,
              %swap3A_758 = arith.index_cast %add3A_500 : i32 to index
              %swap3A_759 = arith.constant 48 : index
              %swap3A_760 = tpu.vector_load %arg7[%swap3A_758, %swap3A_759] {strides = array<i32>} : memref<512x64xf32, #tpu.memory_space<vmem>>, vector<16xf32>,
              tpu.vector_store %arg7[%swap3A_758, %swap3A_759], %get3A_19 {strides = array<i32>} : memref<512x64xf32, #tpu.memory_space<vmem>>, vector<16xf32>,
            } else {
            }
            %eq3A_505 = arith.constant 400002 : i32
            %eq3A_506 = arith.cmpi eq, %squeeze3A, %eq3A_505 : i32
            %convert_element_type3A_507 = arith.extui %eq3A_506 : i1 to i32
            %cond3A_508 = arith.constant 0 : i32
            %cond3A_509 = arith.cmpi ne, %convert_element_type3A_507, %cond3A_508 : i32
            scf.if %cond3A_509 {
              %swap3A = arith.index_cast %add3A_500 : i32 to index
              %swap3A_750 = arith.constant 0 : index
              %swap3A_751 = tpu.vector_load %arg7[%swap3A, %swap3A_750] {strides = array<i32>} : memref<512x64xf32, #tpu.memory_space<vmem>>, vector<16xf32>,
              tpu.vector_store %arg7[%swap3A, %swap3A_750], %get3A_23 {strides = array<i32>} : memref<512x64xf32, #tpu.memory_space<vmem>>, vector<16xf32>,
              %swap3A_752 = arith.index_cast %add3A_500 : i32 to index
              %swap3A_753 = arith.constant 16 : index
              %swap3A_754 = tpu.vector_load %arg7[%swap3A_752, %swap3A_753] {strides = array<i32>} : memref<512x64xf32, #tpu.memory_space<vmem>>, vector<16xf32>,
              tpu.vector_store %arg7[%swap3A_752, %swap3A_753], %get3A_27 {strides = array<i32>} : memref<512x64xf32, #tpu.memory_space<vmem>>, vector<16xf32>,
              %swap3A_755 = arith.index_cast %add3A_500 : i32 to index
              %swap3A_756 = arith.constant 32 : index
              %swap3A_757 = tpu.vector_load %arg7[%swap3A_755, %swap3A_756] {strides = array<i32>} : memref<512x64xf32, #tpu.memory_space<vmem>>, vector<16xf32>,
              tpu.vector_store %arg7[%swap3A_755, %swap3A_756], %get3A_31 {strides = array<i32>} : memref<512x64xf32, #tpu.memory_space<vmem>>, vector<16xf32>,
              %swap3A_758 = arith.index_cast %add3A_500 : i32 to index
              %swap3A_759 = arith.constant 48 : index
              %swap3A_760 = tpu.vector_load %arg7[%swap3A_758, %swap3A_759] {strides = array<i32>} : memref<512x64xf32, #tpu.memory_space<vmem>>, vector<16xf32>,
              tpu.vector_store %arg7[%swap3A_758, %swap3A_759], %get3A_35 {strides = array<i32>} : memref<512x64xf32, #tpu.memory_space<vmem>>, vector<16xf32>,
            } else {
            }
            %mul3A_510 = arith.constant 16 : i32
            %mul3A_511 = arith.muli %scan3A_478, %mul3A_510 : i32
            %add3A_512 = arith.constant 1 : i32
            %add3A_513 = arith.addi %mul3A_511, %add3A_512 : i32
            %slice3A_514 = vector.extract_strided_slice %get3A_483 {offsets = [1], sizes = [1], strides = [1]} : vector<16xi32> to vector<1xi32>
            %squeeze3A_515 = vector.extract %slice3A_514[0] : i32 from vector<1xi32>
            %eq3A_516 = arith.constant 400001 : i32
            %eq3A_517 = arith.cmpi eq, %squeeze3A_515, %eq3A_516 : i32
            %convert_element_type3A_518 = arith.extui %eq3A_517 : i1 to i32
            %cond3A_519 = arith.constant 0 : i32
            %cond3A_520 = arith.cmpi ne, %convert_element_type3A_518, %cond3A_519 : i32
            scf.if %cond3A_520 {
              %swap3A = arith.index_cast %add3A_513 : i32 to index
              %swap3A_750 = arith.constant 0 : index
              %swap3A_751 = tpu.vector_load %arg7[%swap3A, %swap3A_750] {strides = array<i32>} : memref<512x64xf32, #tpu.memory_space<vmem>>, vector<16xf32>,
              tpu.vector_store %arg7[%swap3A, %swap3A_750], %get3A_7 {strides = array<i32>} : memref<512x64xf32, #tpu.memory_space<vmem>>, vector<16xf32>,
              %swap3A_752 = arith.index_cast %add3A_513 : i32 to index
              %swap3A_753 = arith.constant 16 : index
              %swap3A_754 = tpu.vector_load %arg7[%swap3A_752, %swap3A_753] {strides = array<i32>} : memref<512x64xf32, #tpu.memory_space<vmem>>, vector<16xf32>,
              tpu.vector_store %arg7[%swap3A_752, %swap3A_753], %get3A_11 {strides = array<i32>} : memref<512x64xf32, #tpu.memory_space<vmem>>, vector<16xf32>,
              %swap3A_755 = arith.index_cast %add3A_513 : i32 to index
              %swap3A_756 = arith.constant 32 : index
              %swap3A_757 = tpu.vector_load %arg7[%swap3A_755, %swap3A_756] {strides = array<i32>} : memref<512x64xf32, #tpu.memory_space<vmem>>, vector<16xf32>,
              tpu.vector_store %arg7[%swap3A_755, %swap3A_756], %get3A_15 {strides = array<i32>} : memref<512x64xf32, #tpu.memory_space<vmem>>, vector<16xf32>,
              %swap3A_758 = arith.index_cast %add3A_513 : i32 to index
              %swap3A_759 = arith.constant 48 : index
              %swap3A_760 = tpu.vector_load %arg7[%swap3A_758, %swap3A_759] {strides = array<i32>} : memref<512x64xf32, #tpu.memory_space<vmem>>, vector<16xf32>,
              tpu.vector_store %arg7[%swap3A_758, %swap3A_759], %get3A_19 {strides = array<i32>} : memref<512x64xf32, #tpu.memory_space<vmem>>, vector<16xf32>,
            } else {
            }
            %eq3A_521 = arith.constant 400002 : i32
            %eq3A_522 = arith.cmpi eq, %squeeze3A_515, %eq3A_521 : i32
            %convert_element_type3A_523 = arith.extui %eq3A_522 : i1 to i32
            %cond3A_524 = arith.constant 0 : i32
            %cond3A_525 = arith.cmpi ne, %convert_element_type3A_523, %cond3A_524 : i32
            scf.if %cond3A_525 {
              %swap3A = arith.index_cast %add3A_513 : i32 to index
              %swap3A_750 = arith.constant 0 : index
              %swap3A_751 = tpu.vector_load %arg7[%swap3A, %swap3A_750] {strides = array<i32>} : memref<512x64xf32, #tpu.memory_space<vmem>>, vector<16xf32>,
              tpu.vector_store %arg7[%swap3A, %swap3A_750], %get3A_23 {strides = array<i32>} : memref<512x64xf32, #tpu.memory_space<vmem>>, vector<16xf32>,
              %swap3A_752 = arith.index_cast %add3A_513 : i32 to index
              %swap3A_753 = arith.constant 16 : index
              %swap3A_754 = tpu.vector_load %arg7[%swap3A_752, %swap3A_753] {strides = array<i32>} : memref<512x64xf32, #tpu.memory_space<vmem>>, vector<16xf32>,
              tpu.vector_store %arg7[%swap3A_752, %swap3A_753], %get3A_27 {strides = array<i32>} : memref<512x64xf32, #tpu.memory_space<vmem>>, vector<16xf32>,
              %swap3A_755 = arith.index_cast %add3A_513 : i32 to index
              %swap3A_756 = arith.constant 32 : index
              %swap3A_757 = tpu.vector_load %arg7[%swap3A_755, %swap3A_756] {strides = array<i32>} : memref<512x64xf32, #tpu.memory_space<vmem>>, vector<16xf32>,
              tpu.vector_store %arg7[%swap3A_755, %swap3A_756], %get3A_31 {strides = array<i32>} : memref<512x64xf32, #tpu.memory_space<vmem>>, vector<16xf32>,
              %swap3A_758 = arith.index_cast %add3A_513 : i32 to index
              %swap3A_759 = arith.constant 48 : index
              %swap3A_760 = tpu.vector_load %arg7[%swap3A_758, %swap3A_759] {strides = array<i32>} : memref<512x64xf32, #tpu.memory_space<vmem>>, vector<16xf32>,
              tpu.vector_store %arg7[%swap3A_758, %swap3A_759], %get3A_35 {strides = array<i32>} : memref<512x64xf32, #tpu.memory_space<vmem>>, vector<16xf32>,
            } else {
            }
            %mul3A_526 = arith.constant 16 : i32
            %mul3A_527 = arith.muli %scan3A_478, %mul3A_526 : i32
            %add3A_528 = arith.constant 2 : i32
            %add3A_529 = arith.addi %mul3A_527, %add3A_528 : i32
            %slice3A_530 = vector.extract_strided_slice %get3A_483 {offsets = [2], sizes = [1], strides = [1]} : vector<16xi32> to vector<1xi32>
            %squeeze3A_531 = vector.extract %slice3A_530[0] : i32 from vector<1xi32>
            %eq3A_532 = arith.constant 400001 : i32
            %eq3A_533 = arith.cmpi eq, %squeeze3A_531, %eq3A_532 : i32
            %convert_element_type3A_534 = arith.extui %eq3A_533 : i1 to i32
            %cond3A_535 = arith.constant 0 : i32
            %cond3A_536 = arith.cmpi ne, %convert_element_type3A_534, %cond3A_535 : i32
            scf.if %cond3A_536 {
              %swap3A = arith.index_cast %add3A_529 : i32 to index
              %swap3A_750 = arith.constant 0 : index
              %swap3A_751 = tpu.vector_load %arg7[%swap3A, %swap3A_750] {strides = array<i32>} : memref<512x64xf32, #tpu.memory_space<vmem>>, vector<16xf32>,
              tpu.vector_store %arg7[%swap3A, %swap3A_750], %get3A_7 {strides = array<i32>} : memref<512x64xf32, #tpu.memory_space<vmem>>, vector<16xf32>,
              %swap3A_752 = arith.index_cast %add3A_529 : i32 to index
              %swap3A_753 = arith.constant 16 : index
              %swap3A_754 = tpu.vector_load %arg7[%swap3A_752, %swap3A_753] {strides = array<i32>} : memref<512x64xf32, #tpu.memory_space<vmem>>, vector<16xf32>,
              tpu.vector_store %arg7[%swap3A_752, %swap3A_753], %get3A_11 {strides = array<i32>} : memref<512x64xf32, #tpu.memory_space<vmem>>, vector<16xf32>,
              %swap3A_755 = arith.index_cast %add3A_529 : i32 to index
              %swap3A_756 = arith.constant 32 : index
              %swap3A_757 = tpu.vector_load %arg7[%swap3A_755, %swap3A_756] {strides = array<i32>} : memref<512x64xf32, #tpu.memory_space<vmem>>, vector<16xf32>,
              tpu.vector_store %arg7[%swap3A_755, %swap3A_756], %get3A_15 {strides = array<i32>} : memref<512x64xf32, #tpu.memory_space<vmem>>, vector<16xf32>,
              %swap3A_758 = arith.index_cast %add3A_529 : i32 to index
              %swap3A_759 = arith.constant 48 : index
              %swap3A_760 = tpu.vector_load %arg7[%swap3A_758, %swap3A_759] {strides = array<i32>} : memref<512x64xf32, #tpu.memory_space<vmem>>, vector<16xf32>,
              tpu.vector_store %arg7[%swap3A_758, %swap3A_759], %get3A_19 {strides = array<i32>} : memref<512x64xf32, #tpu.memory_space<vmem>>, vector<16xf32>,
            } else {
            }
            %eq3A_537 = arith.constant 400002 : i32
            %eq3A_538 = arith.cmpi eq, %squeeze3A_531, %eq3A_537 : i32
            %convert_element_type3A_539 = arith.extui %eq3A_538 : i1 to i32
            %cond3A_540 = arith.constant 0 : i32
            %cond3A_541 = arith.cmpi ne, %convert_element_type3A_539, %cond3A_540 : i32
            scf.if %cond3A_541 {
              %swap3A = arith.index_cast %add3A_529 : i32 to index
              %swap3A_750 = arith.constant 0 : index
              %swap3A_751 = tpu.vector_load %arg7[%swap3A, %swap3A_750] {strides = array<i32>} : memref<512x64xf32, #tpu.memory_space<vmem>>, vector<16xf32>,
              tpu.vector_store %arg7[%swap3A, %swap3A_750], %get3A_23 {strides = array<i32>} : memref<512x64xf32, #tpu.memory_space<vmem>>, vector<16xf32>,
              %swap3A_752 = arith.index_cast %add3A_529 : i32 to index
              %swap3A_753 = arith.constant 16 : index
              %swap3A_754 = tpu.vector_load %arg7[%swap3A_752, %swap3A_753] {strides = array<i32>} : memref<512x64xf32, #tpu.memory_space<vmem>>, vector<16xf32>,
              tpu.vector_store %arg7[%swap3A_752, %swap3A_753], %get3A_27 {strides = array<i32>} : memref<512x64xf32, #tpu.memory_space<vmem>>, vector<16xf32>,
              %swap3A_755 = arith.index_cast %add3A_529 : i32 to index
              %swap3A_756 = arith.constant 32 : index
              %swap3A_757 = tpu.vector_load %arg7[%swap3A_755, %swap3A_756] {strides = array<i32>} : memref<512x64xf32, #tpu.memory_space<vmem>>, vector<16xf32>,
              tpu.vector_store %arg7[%swap3A_755, %swap3A_756], %get3A_31 {strides = array<i32>} : memref<512x64xf32, #tpu.memory_space<vmem>>, vector<16xf32>,
              %swap3A_758 = arith.index_cast %add3A_529 : i32 to index
              %swap3A_759 = arith.constant 48 : index
              %swap3A_760 = tpu.vector_load %arg7[%swap3A_758, %swap3A_759] {strides = array<i32>} : memref<512x64xf32, #tpu.memory_space<vmem>>, vector<16xf32>,
              tpu.vector_store %arg7[%swap3A_758, %swap3A_759], %get3A_35 {strides = array<i32>} : memref<512x64xf32, #tpu.memory_space<vmem>>, vector<16xf32>,
            } else {
            }
            %mul3A_542 = arith.constant 16 : i32
            %mul3A_543 = arith.muli %scan3A_478, %mul3A_542 : i32
            %add3A_544 = arith.constant 3 : i32
            %add3A_545 = arith.addi %mul3A_543, %add3A_544 : i32
            %slice3A_546 = vector.extract_strided_slice %get3A_483 {offsets = [3], sizes = [1], strides = [1]} : vector<16xi32> to vector<1xi32>
            %squeeze3A_547 = vector.extract %slice3A_546[0] : i32 from vector<1xi32>
            %eq3A_548 = arith.constant 400001 : i32
            %eq3A_549 = arith.cmpi eq, %squeeze3A_547, %eq3A_548 : i32
            %convert_element_type3A_550 = arith.extui %eq3A_549 : i1 to i32
            %cond3A_551 = arith.constant 0 : i32
            %cond3A_552 = arith.cmpi ne, %convert_element_type3A_550, %cond3A_551 : i32
            scf.if %cond3A_552 {
              %swap3A = arith.index_cast %add3A_545 : i32 to index
              %swap3A_750 = arith.constant 0 : index
              %swap3A_751 = tpu.vector_load %arg7[%swap3A, %swap3A_750] {strides = array<i32>} : memref<512x64xf32, #tpu.memory_space<vmem>>, vector<16xf32>,
              tpu.vector_store %arg7[%swap3A, %swap3A_750], %get3A_7 {strides = array<i32>} : memref<512x64xf32, #tpu.memory_space<vmem>>, vector<16xf32>,
              %swap3A_752 = arith.index_cast %add3A_545 : i32 to index
              %swap3A_753 = arith.constant 16 : index
              %swap3A_754 = tpu.vector_load %arg7[%swap3A_752, %swap3A_753] {strides = array<i32>} : memref<512x64xf32, #tpu.memory_space<vmem>>, vector<16xf32>,
              tpu.vector_store %arg7[%swap3A_752, %swap3A_753], %get3A_11 {strides = array<i32>} : memref<512x64xf32, #tpu.memory_space<vmem>>, vector<16xf32>,
              %swap3A_755 = arith.index_cast %add3A_545 : i32 to index
              %swap3A_756 = arith.constant 32 : index
              %swap3A_757 = tpu.vector_load %arg7[%swap3A_755, %swap3A_756] {strides = array<i32>} : memref<512x64xf32, #tpu.memory_space<vmem>>, vector<16xf32>,
              tpu.vector_store %arg7[%swap3A_755, %swap3A_756], %get3A_15 {strides = array<i32>} : memref<512x64xf32, #tpu.memory_space<vmem>>, vector<16xf32>,
              %swap3A_758 = arith.index_cast %add3A_545 : i32 to index
              %swap3A_759 = arith.constant 48 : index
              %swap3A_760 = tpu.vector_load %arg7[%swap3A_758, %swap3A_759] {strides = array<i32>} : memref<512x64xf32, #tpu.memory_space<vmem>>, vector<16xf32>,
              tpu.vector_store %arg7[%swap3A_758, %swap3A_759], %get3A_19 {strides = array<i32>} : memref<512x64xf32, #tpu.memory_space<vmem>>, vector<16xf32>,
            } else {
            }
            %eq3A_553 = arith.constant 400002 : i32
            %eq3A_554 = arith.cmpi eq, %squeeze3A_547, %eq3A_553 : i32
            %convert_element_type3A_555 = arith.extui %eq3A_554 : i1 to i32
            %cond3A_556 = arith.constant 0 : i32
            %cond3A_557 = arith.cmpi ne, %convert_element_type3A_555, %cond3A_556 : i32
            scf.if %cond3A_557 {
              %swap3A = arith.index_cast %add3A_545 : i32 to index
              %swap3A_750 = arith.constant 0 : index
              %swap3A_751 = tpu.vector_load %arg7[%swap3A, %swap3A_750] {strides = array<i32>} : memref<512x64xf32, #tpu.memory_space<vmem>>, vector<16xf32>,
              tpu.vector_store %arg7[%swap3A, %swap3A_750], %get3A_23 {strides = array<i32>} : memref<512x64xf32, #tpu.memory_space<vmem>>, vector<16xf32>,
              %swap3A_752 = arith.index_cast %add3A_545 : i32 to index
              %swap3A_753 = arith.constant 16 : index
              %swap3A_754 = tpu.vector_load %arg7[%swap3A_752, %swap3A_753] {strides = array<i32>} : memref<512x64xf32, #tpu.memory_space<vmem>>, vector<16xf32>,
              tpu.vector_store %arg7[%swap3A_752, %swap3A_753], %get3A_27 {strides = array<i32>} : memref<512x64xf32, #tpu.memory_space<vmem>>, vector<16xf32>,
              %swap3A_755 = arith.index_cast %add3A_545 : i32 to index
              %swap3A_756 = arith.constant 32 : index
              %swap3A_757 = tpu.vector_load %arg7[%swap3A_755, %swap3A_756] {strides = array<i32>} : memref<512x64xf32, #tpu.memory_space<vmem>>, vector<16xf32>,
              tpu.vector_store %arg7[%swap3A_755, %swap3A_756], %get3A_31 {strides = array<i32>} : memref<512x64xf32, #tpu.memory_space<vmem>>, vector<16xf32>,
              %swap3A_758 = arith.index_cast %add3A_545 : i32 to index
              %swap3A_759 = arith.constant 48 : index
              %swap3A_760 = tpu.vector_load %arg7[%swap3A_758, %swap3A_759] {strides = array<i32>} : memref<512x64xf32, #tpu.memory_space<vmem>>, vector<16xf32>,
              tpu.vector_store %arg7[%swap3A_758, %swap3A_759], %get3A_35 {strides = array<i32>} : memref<512x64xf32, #tpu.memory_space<vmem>>, vector<16xf32>,
            } else {
            }
            %mul3A_558 = arith.constant 16 : i32
            %mul3A_559 = arith.muli %scan3A_478, %mul3A_558 : i32
            %add3A_560 = arith.constant 4 : i32
            %add3A_561 = arith.addi %mul3A_559, %add3A_560 : i32
            %slice3A_562 = vector.extract_strided_slice %get3A_483 {offsets = [4], sizes = [1], strides = [1]} : vector<16xi32> to vector<1xi32>
            %squeeze3A_563 = vector.extract %slice3A_562[0] : i32 from vector<1xi32>
            %eq3A_564 = arith.constant 400001 : i32
            %eq3A_565 = arith.cmpi eq, %squeeze3A_563, %eq3A_564 : i32
            %convert_element_type3A_566 = arith.extui %eq3A_565 : i1 to i32
            %cond3A_567 = arith.constant 0 : i32
            %cond3A_568 = arith.cmpi ne, %convert_element_type3A_566, %cond3A_567 : i32
            scf.if %cond3A_568 {
              %swap3A = arith.index_cast %add3A_561 : i32 to index
              %swap3A_750 = arith.constant 0 : index
              %swap3A_751 = tpu.vector_load %arg7[%swap3A, %swap3A_750] {strides = array<i32>} : memref<512x64xf32, #tpu.memory_space<vmem>>, vector<16xf32>,
              tpu.vector_store %arg7[%swap3A, %swap3A_750], %get3A_7 {strides = array<i32>} : memref<512x64xf32, #tpu.memory_space<vmem>>, vector<16xf32>,
              %swap3A_752 = arith.index_cast %add3A_561 : i32 to index
              %swap3A_753 = arith.constant 16 : index
              %swap3A_754 = tpu.vector_load %arg7[%swap3A_752, %swap3A_753] {strides = array<i32>} : memref<512x64xf32, #tpu.memory_space<vmem>>, vector<16xf32>,
              tpu.vector_store %arg7[%swap3A_752, %swap3A_753], %get3A_11 {strides = array<i32>} : memref<512x64xf32, #tpu.memory_space<vmem>>, vector<16xf32>,
              %swap3A_755 = arith.index_cast %add3A_561 : i32 to index
              %swap3A_756 = arith.constant 32 : index
              %swap3A_757 = tpu.vector_load %arg7[%swap3A_755, %swap3A_756] {strides = array<i32>} : memref<512x64xf32, #tpu.memory_space<vmem>>, vector<16xf32>,
              tpu.vector_store %arg7[%swap3A_755, %swap3A_756], %get3A_15 {strides = array<i32>} : memref<512x64xf32, #tpu.memory_space<vmem>>, vector<16xf32>,
              %swap3A_758 = arith.index_cast %add3A_561 : i32 to index
              %swap3A_759 = arith.constant 48 : index
              %swap3A_760 = tpu.vector_load %arg7[%swap3A_758, %swap3A_759] {strides = array<i32>} : memref<512x64xf32, #tpu.memory_space<vmem>>, vector<16xf32>,
              tpu.vector_store %arg7[%swap3A_758, %swap3A_759], %get3A_19 {strides = array<i32>} : memref<512x64xf32, #tpu.memory_space<vmem>>, vector<16xf32>,
            } else {
            }
            %eq3A_569 = arith.constant 400002 : i32
            %eq3A_570 = arith.cmpi eq, %squeeze3A_563, %eq3A_569 : i32
            %convert_element_type3A_571 = arith.extui %eq3A_570 : i1 to i32
            %cond3A_572 = arith.constant 0 : i32
            %cond3A_573 = arith.cmpi ne, %convert_element_type3A_571, %cond3A_572 : i32
            scf.if %cond3A_573 {
              %swap3A = arith.index_cast %add3A_561 : i32 to index
              %swap3A_750 = arith.constant 0 : index
              %swap3A_751 = tpu.vector_load %arg7[%swap3A, %swap3A_750] {strides = array<i32>} : memref<512x64xf32, #tpu.memory_space<vmem>>, vector<16xf32>,
              tpu.vector_store %arg7[%swap3A, %swap3A_750], %get3A_23 {strides = array<i32>} : memref<512x64xf32, #tpu.memory_space<vmem>>, vector<16xf32>,
              %swap3A_752 = arith.index_cast %add3A_561 : i32 to index
              %swap3A_753 = arith.constant 16 : index
              %swap3A_754 = tpu.vector_load %arg7[%swap3A_752, %swap3A_753] {strides = array<i32>} : memref<512x64xf32, #tpu.memory_space<vmem>>, vector<16xf32>,
              tpu.vector_store %arg7[%swap3A_752, %swap3A_753], %get3A_27 {strides = array<i32>} : memref<512x64xf32, #tpu.memory_space<vmem>>, vector<16xf32>,
              %swap3A_755 = arith.index_cast %add3A_561 : i32 to index
              %swap3A_756 = arith.constant 32 : index
              %swap3A_757 = tpu.vector_load %arg7[%swap3A_755, %swap3A_756] {strides = array<i32>} : memref<512x64xf32, #tpu.memory_space<vmem>>, vector<16xf32>,
              tpu.vector_store %arg7[%swap3A_755, %swap3A_756], %get3A_31 {strides = array<i32>} : memref<512x64xf32, #tpu.memory_space<vmem>>, vector<16xf32>,
              %swap3A_758 = arith.index_cast %add3A_561 : i32 to index
              %swap3A_759 = arith.constant 48 : index
              %swap3A_760 = tpu.vector_load %arg7[%swap3A_758, %swap3A_759] {strides = array<i32>} : memref<512x64xf32, #tpu.memory_space<vmem>>, vector<16xf32>,
              tpu.vector_store %arg7[%swap3A_758, %swap3A_759], %get3A_35 {strides = array<i32>} : memref<512x64xf32, #tpu.memory_space<vmem>>, vector<16xf32>,
            } else {
            }
            %mul3A_574 = arith.constant 16 : i32
            %mul3A_575 = arith.muli %scan3A_478, %mul3A_574 : i32
            %add3A_576 = arith.constant 5 : i32
            %add3A_577 = arith.addi %mul3A_575, %add3A_576 : i32
            %slice3A_578 = vector.extract_strided_slice %get3A_483 {offsets = [5], sizes = [1], strides = [1]} : vector<16xi32> to vector<1xi32>
            %squeeze3A_579 = vector.extract %slice3A_578[0] : i32 from vector<1xi32>
            %eq3A_580 = arith.constant 400001 : i32
            %eq3A_581 = arith.cmpi eq, %squeeze3A_579, %eq3A_580 : i32
            %convert_element_type3A_582 = arith.extui %eq3A_581 : i1 to i32
            %cond3A_583 = arith.constant 0 : i32
            %cond3A_584 = arith.cmpi ne, %convert_element_type3A_582, %cond3A_583 : i32
            scf.if %cond3A_584 {
              %swap3A = arith.index_cast %add3A_577 : i32 to index
              %swap3A_750 = arith.constant 0 : index
              %swap3A_751 = tpu.vector_load %arg7[%swap3A, %swap3A_750] {strides = array<i32>} : memref<512x64xf32, #tpu.memory_space<vmem>>, vector<16xf32>,
              tpu.vector_store %arg7[%swap3A, %swap3A_750], %get3A_7 {strides = array<i32>} : memref<512x64xf32, #tpu.memory_space<vmem>>, vector<16xf32>,
              %swap3A_752 = arith.index_cast %add3A_577 : i32 to index
              %swap3A_753 = arith.constant 16 : index
              %swap3A_754 = tpu.vector_load %arg7[%swap3A_752, %swap3A_753] {strides = array<i32>} : memref<512x64xf32, #tpu.memory_space<vmem>>, vector<16xf32>,
              tpu.vector_store %arg7[%swap3A_752, %swap3A_753], %get3A_11 {strides = array<i32>} : memref<512x64xf32, #tpu.memory_space<vmem>>, vector<16xf32>,
              %swap3A_755 = arith.index_cast %add3A_577 : i32 to index
              %swap3A_756 = arith.constant 32 : index
              %swap3A_757 = tpu.vector_load %arg7[%swap3A_755, %swap3A_756] {strides = array<i32>} : memref<512x64xf32, #tpu.memory_space<vmem>>, vector<16xf32>,
              tpu.vector_store %arg7[%swap3A_755, %swap3A_756], %get3A_15 {strides = array<i32>} : memref<512x64xf32, #tpu.memory_space<vmem>>, vector<16xf32>,
              %swap3A_758 = arith.index_cast %add3A_577 : i32 to index
              %swap3A_759 = arith.constant 48 : index
              %swap3A_760 = tpu.vector_load %arg7[%swap3A_758, %swap3A_759] {strides = array<i32>} : memref<512x64xf32, #tpu.memory_space<vmem>>, vector<16xf32>,
              tpu.vector_store %arg7[%swap3A_758, %swap3A_759], %get3A_19 {strides = array<i32>} : memref<512x64xf32, #tpu.memory_space<vmem>>, vector<16xf32>,
            } else {
            }
            %eq3A_585 = arith.constant 400002 : i32
            %eq3A_586 = arith.cmpi eq, %squeeze3A_579, %eq3A_585 : i32
            %convert_element_type3A_587 = arith.extui %eq3A_586 : i1 to i32
            %cond3A_588 = arith.constant 0 : i32
            %cond3A_589 = arith.cmpi ne, %convert_element_type3A_587, %cond3A_588 : i32
            scf.if %cond3A_589 {
              %swap3A = arith.index_cast %add3A_577 : i32 to index
              %swap3A_750 = arith.constant 0 : index
              %swap3A_751 = tpu.vector_load %arg7[%swap3A, %swap3A_750] {strides = array<i32>} : memref<512x64xf32, #tpu.memory_space<vmem>>, vector<16xf32>,
              tpu.vector_store %arg7[%swap3A, %swap3A_750], %get3A_23 {strides = array<i32>} : memref<512x64xf32, #tpu.memory_space<vmem>>, vector<16xf32>,
              %swap3A_752 = arith.index_cast %add3A_577 : i32 to index
              %swap3A_753 = arith.constant 16 : index
              %swap3A_754 = tpu.vector_load %arg7[%swap3A_752, %swap3A_753] {strides = array<i32>} : memref<512x64xf32, #tpu.memory_space<vmem>>, vector<16xf32>,
              tpu.vector_store %arg7[%swap3A_752, %swap3A_753], %get3A_27 {strides = array<i32>} : memref<512x64xf32, #tpu.memory_space<vmem>>, vector<16xf32>,
              %swap3A_755 = arith.index_cast %add3A_577 : i32 to index
              %swap3A_756 = arith.constant 32 : index
              %swap3A_757 = tpu.vector_load %arg7[%swap3A_755, %swap3A_756] {strides = array<i32>} : memref<512x64xf32, #tpu.memory_space<vmem>>, vector<16xf32>,
              tpu.vector_store %arg7[%swap3A_755, %swap3A_756], %get3A_31 {strides = array<i32>} : memref<512x64xf32, #tpu.memory_space<vmem>>, vector<16xf32>,
              %swap3A_758 = arith.index_cast %add3A_577 : i32 to index
              %swap3A_759 = arith.constant 48 : index
              %swap3A_760 = tpu.vector_load %arg7[%swap3A_758, %swap3A_759] {strides = array<i32>} : memref<512x64xf32, #tpu.memory_space<vmem>>, vector<16xf32>,
              tpu.vector_store %arg7[%swap3A_758, %swap3A_759], %get3A_35 {strides = array<i32>} : memref<512x64xf32, #tpu.memory_space<vmem>>, vector<16xf32>,
            } else {
            }
            %mul3A_590 = arith.constant 16 : i32
            %mul3A_591 = arith.muli %scan3A_478, %mul3A_590 : i32
            %add3A_592 = arith.constant 6 : i32
            %add3A_593 = arith.addi %mul3A_591, %add3A_592 : i32
            %slice3A_594 = vector.extract_strided_slice %get3A_483 {offsets = [6], sizes = [1], strides = [1]} : vector<16xi32> to vector<1xi32>
            %squeeze3A_595 = vector.extract %slice3A_594[0] : i32 from vector<1xi32>
            %eq3A_596 = arith.constant 400001 : i32
            %eq3A_597 = arith.cmpi eq, %squeeze3A_595, %eq3A_596 : i32
            %convert_element_type3A_598 = arith.extui %eq3A_597 : i1 to i32
            %cond3A_599 = arith.constant 0 : i32
            %cond3A_600 = arith.cmpi ne, %convert_element_type3A_598, %cond3A_599 : i32
            scf.if %cond3A_600 {
              %swap3A = arith.index_cast %add3A_593 : i32 to index
              %swap3A_750 = arith.constant 0 : index
              %swap3A_751 = tpu.vector_load %arg7[%swap3A, %swap3A_750] {strides = array<i32>} : memref<512x64xf32, #tpu.memory_space<vmem>>, vector<16xf32>,
              tpu.vector_store %arg7[%swap3A, %swap3A_750], %get3A_7 {strides = array<i32>} : memref<512x64xf32, #tpu.memory_space<vmem>>, vector<16xf32>,
              %swap3A_752 = arith.index_cast %add3A_593 : i32 to index
              %swap3A_753 = arith.constant 16 : index
              %swap3A_754 = tpu.vector_load %arg7[%swap3A_752, %swap3A_753] {strides = array<i32>} : memref<512x64xf32, #tpu.memory_space<vmem>>, vector<16xf32>,
              tpu.vector_store %arg7[%swap3A_752, %swap3A_753], %get3A_11 {strides = array<i32>} : memref<512x64xf32, #tpu.memory_space<vmem>>, vector<16xf32>,
              %swap3A_755 = arith.index_cast %add3A_593 : i32 to index
              %swap3A_756 = arith.constant 32 : index
              %swap3A_757 = tpu.vector_load %arg7[%swap3A_755, %swap3A_756] {strides = array<i32>} : memref<512x64xf32, #tpu.memory_space<vmem>>, vector<16xf32>,
              tpu.vector_store %arg7[%swap3A_755, %swap3A_756], %get3A_15 {strides = array<i32>} : memref<512x64xf32, #tpu.memory_space<vmem>>, vector<16xf32>,
              %swap3A_758 = arith.index_cast %add3A_593 : i32 to index
              %swap3A_759 = arith.constant 48 : index
              %swap3A_760 = tpu.vector_load %arg7[%swap3A_758, %swap3A_759] {strides = array<i32>} : memref<512x64xf32, #tpu.memory_space<vmem>>, vector<16xf32>,
              tpu.vector_store %arg7[%swap3A_758, %swap3A_759], %get3A_19 {strides = array<i32>} : memref<512x64xf32, #tpu.memory_space<vmem>>, vector<16xf32>,
            } else {
            }
            %eq3A_601 = arith.constant 400002 : i32
            %eq3A_602 = arith.cmpi eq, %squeeze3A_595, %eq3A_601 : i32
            %convert_element_type3A_603 = arith.extui %eq3A_602 : i1 to i32
            %cond3A_604 = arith.constant 0 : i32
            %cond3A_605 = arith.cmpi ne, %convert_element_type3A_603, %cond3A_604 : i32
            scf.if %cond3A_605 {
              %swap3A = arith.index_cast %add3A_593 : i32 to index
              %swap3A_750 = arith.constant 0 : index
              %swap3A_751 = tpu.vector_load %arg7[%swap3A, %swap3A_750] {strides = array<i32>} : memref<512x64xf32, #tpu.memory_space<vmem>>, vector<16xf32>,
              tpu.vector_store %arg7[%swap3A, %swap3A_750], %get3A_23 {strides = array<i32>} : memref<512x64xf32, #tpu.memory_space<vmem>>, vector<16xf32>,
              %swap3A_752 = arith.index_cast %add3A_593 : i32 to index
              %swap3A_753 = arith.constant 16 : index
              %swap3A_754 = tpu.vector_load %arg7[%swap3A_752, %swap3A_753] {strides = array<i32>} : memref<512x64xf32, #tpu.memory_space<vmem>>, vector<16xf32>,
              tpu.vector_store %arg7[%swap3A_752, %swap3A_753], %get3A_27 {strides = array<i32>} : memref<512x64xf32, #tpu.memory_space<vmem>>, vector<16xf32>,
              %swap3A_755 = arith.index_cast %add3A_593 : i32 to index
              %swap3A_756 = arith.constant 32 : index
              %swap3A_757 = tpu.vector_load %arg7[%swap3A_755, %swap3A_756] {strides = array<i32>} : memref<512x64xf32, #tpu.memory_space<vmem>>, vector<16xf32>,
              tpu.vector_store %arg7[%swap3A_755, %swap3A_756], %get3A_31 {strides = array<i32>} : memref<512x64xf32, #tpu.memory_space<vmem>>, vector<16xf32>,
              %swap3A_758 = arith.index_cast %add3A_593 : i32 to index
              %swap3A_759 = arith.constant 48 : index
              %swap3A_760 = tpu.vector_load %arg7[%swap3A_758, %swap3A_759] {strides = array<i32>} : memref<512x64xf32, #tpu.memory_space<vmem>>, vector<16xf32>,
              tpu.vector_store %arg7[%swap3A_758, %swap3A_759], %get3A_35 {strides = array<i32>} : memref<512x64xf32, #tpu.memory_space<vmem>>, vector<16xf32>,
            } else {
            }
            %mul3A_606 = arith.constant 16 : i32
            %mul3A_607 = arith.muli %scan3A_478, %mul3A_606 : i32
            %add3A_608 = arith.constant 7 : i32
            %add3A_609 = arith.addi %mul3A_607, %add3A_608 : i32
            %slice3A_610 = vector.extract_strided_slice %get3A_483 {offsets = [7], sizes = [1], strides = [1]} : vector<16xi32> to vector<1xi32>
            %squeeze3A_611 = vector.extract %slice3A_610[0] : i32 from vector<1xi32>
            %eq3A_612 = arith.constant 400001 : i32
            %eq3A_613 = arith.cmpi eq, %squeeze3A_611, %eq3A_612 : i32
            %convert_element_type3A_614 = arith.extui %eq3A_613 : i1 to i32
            %cond3A_615 = arith.constant 0 : i32
            %cond3A_616 = arith.cmpi ne, %convert_element_type3A_614, %cond3A_615 : i32
            scf.if %cond3A_616 {
              %swap3A = arith.index_cast %add3A_609 : i32 to index
              %swap3A_750 = arith.constant 0 : index
              %swap3A_751 = tpu.vector_load %arg7[%swap3A, %swap3A_750] {strides = array<i32>} : memref<512x64xf32, #tpu.memory_space<vmem>>, vector<16xf32>,
              tpu.vector_store %arg7[%swap3A, %swap3A_750], %get3A_7 {strides = array<i32>} : memref<512x64xf32, #tpu.memory_space<vmem>>, vector<16xf32>,
              %swap3A_752 = arith.index_cast %add3A_609 : i32 to index
              %swap3A_753 = arith.constant 16 : index
              %swap3A_754 = tpu.vector_load %arg7[%swap3A_752, %swap3A_753] {strides = array<i32>} : memref<512x64xf32, #tpu.memory_space<vmem>>, vector<16xf32>,
              tpu.vector_store %arg7[%swap3A_752, %swap3A_753], %get3A_11 {strides = array<i32>} : memref<512x64xf32, #tpu.memory_space<vmem>>, vector<16xf32>,
              %swap3A_755 = arith.index_cast %add3A_609 : i32 to index
              %swap3A_756 = arith.constant 32 : index
              %swap3A_757 = tpu.vector_load %arg7[%swap3A_755, %swap3A_756] {strides = array<i32>} : memref<512x64xf32, #tpu.memory_space<vmem>>, vector<16xf32>,
              tpu.vector_store %arg7[%swap3A_755, %swap3A_756], %get3A_15 {strides = array<i32>} : memref<512x64xf32, #tpu.memory_space<vmem>>, vector<16xf32>,
              %swap3A_758 = arith.index_cast %add3A_609 : i32 to index
              %swap3A_759 = arith.constant 48 : index
              %swap3A_760 = tpu.vector_load %arg7[%swap3A_758, %swap3A_759] {strides = array<i32>} : memref<512x64xf32, #tpu.memory_space<vmem>>, vector<16xf32>,
              tpu.vector_store %arg7[%swap3A_758, %swap3A_759], %get3A_19 {strides = array<i32>} : memref<512x64xf32, #tpu.memory_space<vmem>>, vector<16xf32>,
            } else {
            }
            %eq3A_617 = arith.constant 400002 : i32
            %eq3A_618 = arith.cmpi eq, %squeeze3A_611, %eq3A_617 : i32
            %convert_element_type3A_619 = arith.extui %eq3A_618 : i1 to i32
            %cond3A_620 = arith.constant 0 : i32
            %cond3A_621 = arith.cmpi ne, %convert_element_type3A_619, %cond3A_620 : i32
            scf.if %cond3A_621 {
              %swap3A = arith.index_cast %add3A_609 : i32 to index
              %swap3A_750 = arith.constant 0 : index
              %swap3A_751 = tpu.vector_load %arg7[%swap3A, %swap3A_750] {strides = array<i32>} : memref<512x64xf32, #tpu.memory_space<vmem>>, vector<16xf32>,
              tpu.vector_store %arg7[%swap3A, %swap3A_750], %get3A_23 {strides = array<i32>} : memref<512x64xf32, #tpu.memory_space<vmem>>, vector<16xf32>,
              %swap3A_752 = arith.index_cast %add3A_609 : i32 to index
              %swap3A_753 = arith.constant 16 : index
              %swap3A_754 = tpu.vector_load %arg7[%swap3A_752, %swap3A_753] {strides = array<i32>} : memref<512x64xf32, #tpu.memory_space<vmem>>, vector<16xf32>,
              tpu.vector_store %arg7[%swap3A_752, %swap3A_753], %get3A_27 {strides = array<i32>} : memref<512x64xf32, #tpu.memory_space<vmem>>, vector<16xf32>,
              %swap3A_755 = arith.index_cast %add3A_609 : i32 to index
              %swap3A_756 = arith.constant 32 : index
              %swap3A_757 = tpu.vector_load %arg7[%swap3A_755, %swap3A_756] {strides = array<i32>} : memref<512x64xf32, #tpu.memory_space<vmem>>, vector<16xf32>,
              tpu.vector_store %arg7[%swap3A_755, %swap3A_756], %get3A_31 {strides = array<i32>} : memref<512x64xf32, #tpu.memory_space<vmem>>, vector<16xf32>,
              %swap3A_758 = arith.index_cast %add3A_609 : i32 to index
              %swap3A_759 = arith.constant 48 : index
              %swap3A_760 = tpu.vector_load %arg7[%swap3A_758, %swap3A_759] {strides = array<i32>} : memref<512x64xf32, #tpu.memory_space<vmem>>, vector<16xf32>,
              tpu.vector_store %arg7[%swap3A_758, %swap3A_759], %get3A_35 {strides = array<i32>} : memref<512x64xf32, #tpu.memory_space<vmem>>, vector<16xf32>,
            } else {
            }
            %mul3A_622 = arith.constant 16 : i32
            %mul3A_623 = arith.muli %scan3A_478, %mul3A_622 : i32
            %add3A_624 = arith.constant 8 : i32
            %add3A_625 = arith.addi %mul3A_623, %add3A_624 : i32
            %slice3A_626 = vector.extract_strided_slice %get3A_483 {offsets = [8], sizes = [1], strides = [1]} : vector<16xi32> to vector<1xi32>
            %squeeze3A_627 = vector.extract %slice3A_626[0] : i32 from vector<1xi32>
            %eq3A_628 = arith.constant 400001 : i32
            %eq3A_629 = arith.cmpi eq, %squeeze3A_627, %eq3A_628 : i32
            %convert_element_type3A_630 = arith.extui %eq3A_629 : i1 to i32
            %cond3A_631 = arith.constant 0 : i32
            %cond3A_632 = arith.cmpi ne, %convert_element_type3A_630, %cond3A_631 : i32
            scf.if %cond3A_632 {
              %swap3A = arith.index_cast %add3A_625 : i32 to index
              %swap3A_750 = arith.constant 0 : index
              %swap3A_751 = tpu.vector_load %arg7[%swap3A, %swap3A_750] {strides = array<i32>} : memref<512x64xf32, #tpu.memory_space<vmem>>, vector<16xf32>,
              tpu.vector_store %arg7[%swap3A, %swap3A_750], %get3A_7 {strides = array<i32>} : memref<512x64xf32, #tpu.memory_space<vmem>>, vector<16xf32>,
              %swap3A_752 = arith.index_cast %add3A_625 : i32 to index
              %swap3A_753 = arith.constant 16 : index
              %swap3A_754 = tpu.vector_load %arg7[%swap3A_752, %swap3A_753] {strides = array<i32>} : memref<512x64xf32, #tpu.memory_space<vmem>>, vector<16xf32>,
              tpu.vector_store %arg7[%swap3A_752, %swap3A_753], %get3A_11 {strides = array<i32>} : memref<512x64xf32, #tpu.memory_space<vmem>>, vector<16xf32>,
              %swap3A_755 = arith.index_cast %add3A_625 : i32 to index
              %swap3A_756 = arith.constant 32 : index
              %swap3A_757 = tpu.vector_load %arg7[%swap3A_755, %swap3A_756] {strides = array<i32>} : memref<512x64xf32, #tpu.memory_space<vmem>>, vector<16xf32>,
              tpu.vector_store %arg7[%swap3A_755, %swap3A_756], %get3A_15 {strides = array<i32>} : memref<512x64xf32, #tpu.memory_space<vmem>>, vector<16xf32>,
              %swap3A_758 = arith.index_cast %add3A_625 : i32 to index
              %swap3A_759 = arith.constant 48 : index
              %swap3A_760 = tpu.vector_load %arg7[%swap3A_758, %swap3A_759] {strides = array<i32>} : memref<512x64xf32, #tpu.memory_space<vmem>>, vector<16xf32>,
              tpu.vector_store %arg7[%swap3A_758, %swap3A_759], %get3A_19 {strides = array<i32>} : memref<512x64xf32, #tpu.memory_space<vmem>>, vector<16xf32>,
            } else {
            }
            %eq3A_633 = arith.constant 400002 : i32
            %eq3A_634 = arith.cmpi eq, %squeeze3A_627, %eq3A_633 : i32
            %convert_element_type3A_635 = arith.extui %eq3A_634 : i1 to i32
            %cond3A_636 = arith.constant 0 : i32
            %cond3A_637 = arith.cmpi ne, %convert_element_type3A_635, %cond3A_636 : i32
            scf.if %cond3A_637 {
              %swap3A = arith.index_cast %add3A_625 : i32 to index
              %swap3A_750 = arith.constant 0 : index
              %swap3A_751 = tpu.vector_load %arg7[%swap3A, %swap3A_750] {strides = array<i32>} : memref<512x64xf32, #tpu.memory_space<vmem>>, vector<16xf32>,
              tpu.vector_store %arg7[%swap3A, %swap3A_750], %get3A_23 {strides = array<i32>} : memref<512x64xf32, #tpu.memory_space<vmem>>, vector<16xf32>,
              %swap3A_752 = arith.index_cast %add3A_625 : i32 to index
              %swap3A_753 = arith.constant 16 : index
              %swap3A_754 = tpu.vector_load %arg7[%swap3A_752, %swap3A_753] {strides = array<i32>} : memref<512x64xf32, #tpu.memory_space<vmem>>, vector<16xf32>,
              tpu.vector_store %arg7[%swap3A_752, %swap3A_753], %get3A_27 {strides = array<i32>} : memref<512x64xf32, #tpu.memory_space<vmem>>, vector<16xf32>,
              %swap3A_755 = arith.index_cast %add3A_625 : i32 to index
              %swap3A_756 = arith.constant 32 : index
              %swap3A_757 = tpu.vector_load %arg7[%swap3A_755, %swap3A_756] {strides = array<i32>} : memref<512x64xf32, #tpu.memory_space<vmem>>, vector<16xf32>,
              tpu.vector_store %arg7[%swap3A_755, %swap3A_756], %get3A_31 {strides = array<i32>} : memref<512x64xf32, #tpu.memory_space<vmem>>, vector<16xf32>,
              %swap3A_758 = arith.index_cast %add3A_625 : i32 to index
              %swap3A_759 = arith.constant 48 : index
              %swap3A_760 = tpu.vector_load %arg7[%swap3A_758, %swap3A_759] {strides = array<i32>} : memref<512x64xf32, #tpu.memory_space<vmem>>, vector<16xf32>,
              tpu.vector_store %arg7[%swap3A_758, %swap3A_759], %get3A_35 {strides = array<i32>} : memref<512x64xf32, #tpu.memory_space<vmem>>, vector<16xf32>,
            } else {
            }
            %mul3A_638 = arith.constant 16 : i32
            %mul3A_639 = arith.muli %scan3A_478, %mul3A_638 : i32
            %add3A_640 = arith.constant 9 : i32
            %add3A_641 = arith.addi %mul3A_639, %add3A_640 : i32
            %slice3A_642 = vector.extract_strided_slice %get3A_483 {offsets = [9], sizes = [1], strides = [1]} : vector<16xi32> to vector<1xi32>
            %squeeze3A_643 = vector.extract %slice3A_642[0] : i32 from vector<1xi32>
            %eq3A_644 = arith.constant 400001 : i32
            %eq3A_645 = arith.cmpi eq, %squeeze3A_643, %eq3A_644 : i32
            %convert_element_type3A_646 = arith.extui %eq3A_645 : i1 to i32
            %cond3A_647 = arith.constant 0 : i32
            %cond3A_648 = arith.cmpi ne, %convert_element_type3A_646, %cond3A_647 : i32
            scf.if %cond3A_648 {
              %swap3A = arith.index_cast %add3A_641 : i32 to index
              %swap3A_750 = arith.constant 0 : index
              %swap3A_751 = tpu.vector_load %arg7[%swap3A, %swap3A_750] {strides = array<i32>} : memref<512x64xf32, #tpu.memory_space<vmem>>, vector<16xf32>,
              tpu.vector_store %arg7[%swap3A, %swap3A_750], %get3A_7 {strides = array<i32>} : memref<512x64xf32, #tpu.memory_space<vmem>>, vector<16xf32>,
              %swap3A_752 = arith.index_cast %add3A_641 : i32 to index
              %swap3A_753 = arith.constant 16 : index
              %swap3A_754 = tpu.vector_load %arg7[%swap3A_752, %swap3A_753] {strides = array<i32>} : memref<512x64xf32, #tpu.memory_space<vmem>>, vector<16xf32>,
              tpu.vector_store %arg7[%swap3A_752, %swap3A_753], %get3A_11 {strides = array<i32>} : memref<512x64xf32, #tpu.memory_space<vmem>>, vector<16xf32>,
              %swap3A_755 = arith.index_cast %add3A_641 : i32 to index
              %swap3A_756 = arith.constant 32 : index
              %swap3A_757 = tpu.vector_load %arg7[%swap3A_755, %swap3A_756] {strides = array<i32>} : memref<512x64xf32, #tpu.memory_space<vmem>>, vector<16xf32>,
              tpu.vector_store %arg7[%swap3A_755, %swap3A_756], %get3A_15 {strides = array<i32>} : memref<512x64xf32, #tpu.memory_space<vmem>>, vector<16xf32>,
              %swap3A_758 = arith.index_cast %add3A_641 : i32 to index
              %swap3A_759 = arith.constant 48 : index
              %swap3A_760 = tpu.vector_load %arg7[%swap3A_758, %swap3A_759] {strides = array<i32>} : memref<512x64xf32, #tpu.memory_space<vmem>>, vector<16xf32>,
              tpu.vector_store %arg7[%swap3A_758, %swap3A_759], %get3A_19 {strides = array<i32>} : memref<512x64xf32, #tpu.memory_space<vmem>>, vector<16xf32>,
            } else {
            }
            %eq3A_649 = arith.constant 400002 : i32
            %eq3A_650 = arith.cmpi eq, %squeeze3A_643, %eq3A_649 : i32
            %convert_element_type3A_651 = arith.extui %eq3A_650 : i1 to i32
            %cond3A_652 = arith.constant 0 : i32
            %cond3A_653 = arith.cmpi ne, %convert_element_type3A_651, %cond3A_652 : i32
            scf.if %cond3A_653 {
              %swap3A = arith.index_cast %add3A_641 : i32 to index
              %swap3A_750 = arith.constant 0 : index
              %swap3A_751 = tpu.vector_load %arg7[%swap3A, %swap3A_750] {strides = array<i32>} : memref<512x64xf32, #tpu.memory_space<vmem>>, vector<16xf32>,
              tpu.vector_store %arg7[%swap3A, %swap3A_750], %get3A_23 {strides = array<i32>} : memref<512x64xf32, #tpu.memory_space<vmem>>, vector<16xf32>,
              %swap3A_752 = arith.index_cast %add3A_641 : i32 to index
              %swap3A_753 = arith.constant 16 : index
              %swap3A_754 = tpu.vector_load %arg7[%swap3A_752, %swap3A_753] {strides = array<i32>} : memref<512x64xf32, #tpu.memory_space<vmem>>, vector<16xf32>,
              tpu.vector_store %arg7[%swap3A_752, %swap3A_753], %get3A_27 {strides = array<i32>} : memref<512x64xf32, #tpu.memory_space<vmem>>, vector<16xf32>,
              %swap3A_755 = arith.index_cast %add3A_641 : i32 to index
              %swap3A_756 = arith.constant 32 : index
              %swap3A_757 = tpu.vector_load %arg7[%swap3A_755, %swap3A_756] {strides = array<i32>} : memref<512x64xf32, #tpu.memory_space<vmem>>, vector<16xf32>,
              tpu.vector_store %arg7[%swap3A_755, %swap3A_756], %get3A_31 {strides = array<i32>} : memref<512x64xf32, #tpu.memory_space<vmem>>, vector<16xf32>,
              %swap3A_758 = arith.index_cast %add3A_641 : i32 to index
              %swap3A_759 = arith.constant 48 : index
              %swap3A_760 = tpu.vector_load %arg7[%swap3A_758, %swap3A_759] {strides = array<i32>} : memref<512x64xf32, #tpu.memory_space<vmem>>, vector<16xf32>,
              tpu.vector_store %arg7[%swap3A_758, %swap3A_759], %get3A_35 {strides = array<i32>} : memref<512x64xf32, #tpu.memory_space<vmem>>, vector<16xf32>,
            } else {
            }
            %mul3A_654 = arith.constant 16 : i32
            %mul3A_655 = arith.muli %scan3A_478, %mul3A_654 : i32
            %add3A_656 = arith.constant 10 : i32
            %add3A_657 = arith.addi %mul3A_655, %add3A_656 : i32
            %slice3A_658 = vector.extract_strided_slice %get3A_483 {offsets = [10], sizes = [1], strides = [1]} : vector<16xi32> to vector<1xi32>
            %squeeze3A_659 = vector.extract %slice3A_658[0] : i32 from vector<1xi32>
            %eq3A_660 = arith.constant 400001 : i32
            %eq3A_661 = arith.cmpi eq, %squeeze3A_659, %eq3A_660 : i32
            %convert_element_type3A_662 = arith.extui %eq3A_661 : i1 to i32
            %cond3A_663 = arith.constant 0 : i32
            %cond3A_664 = arith.cmpi ne, %convert_element_type3A_662, %cond3A_663 : i32
            scf.if %cond3A_664 {
              %swap3A = arith.index_cast %add3A_657 : i32 to index
              %swap3A_750 = arith.constant 0 : index
              %swap3A_751 = tpu.vector_load %arg7[%swap3A, %swap3A_750] {strides = array<i32>} : memref<512x64xf32, #tpu.memory_space<vmem>>, vector<16xf32>,
              tpu.vector_store %arg7[%swap3A, %swap3A_750], %get3A_7 {strides = array<i32>} : memref<512x64xf32, #tpu.memory_space<vmem>>, vector<16xf32>,
              %swap3A_752 = arith.index_cast %add3A_657 : i32 to index
              %swap3A_753 = arith.constant 16 : index
              %swap3A_754 = tpu.vector_load %arg7[%swap3A_752, %swap3A_753] {strides = array<i32>} : memref<512x64xf32, #tpu.memory_space<vmem>>, vector<16xf32>,
              tpu.vector_store %arg7[%swap3A_752, %swap3A_753], %get3A_11 {strides = array<i32>} : memref<512x64xf32, #tpu.memory_space<vmem>>, vector<16xf32>,
              %swap3A_755 = arith.index_cast %add3A_657 : i32 to index
              %swap3A_756 = arith.constant 32 : index
              %swap3A_757 = tpu.vector_load %arg7[%swap3A_755, %swap3A_756] {strides = array<i32>} : memref<512x64xf32, #tpu.memory_space<vmem>>, vector<16xf32>,
              tpu.vector_store %arg7[%swap3A_755, %swap3A_756], %get3A_15 {strides = array<i32>} : memref<512x64xf32, #tpu.memory_space<vmem>>, vector<16xf32>,
              %swap3A_758 = arith.index_cast %add3A_657 : i32 to index
              %swap3A_759 = arith.constant 48 : index
              %swap3A_760 = tpu.vector_load %arg7[%swap3A_758, %swap3A_759] {strides = array<i32>} : memref<512x64xf32, #tpu.memory_space<vmem>>, vector<16xf32>,
              tpu.vector_store %arg7[%swap3A_758, %swap3A_759], %get3A_19 {strides = array<i32>} : memref<512x64xf32, #tpu.memory_space<vmem>>, vector<16xf32>,
            } else {
            }
            %eq3A_665 = arith.constant 400002 : i32
            %eq3A_666 = arith.cmpi eq, %squeeze3A_659, %eq3A_665 : i32
            %convert_element_type3A_667 = arith.extui %eq3A_666 : i1 to i32
            %cond3A_668 = arith.constant 0 : i32
            %cond3A_669 = arith.cmpi ne, %convert_element_type3A_667, %cond3A_668 : i32
            scf.if %cond3A_669 {
              %swap3A = arith.index_cast %add3A_657 : i32 to index
              %swap3A_750 = arith.constant 0 : index
              %swap3A_751 = tpu.vector_load %arg7[%swap3A, %swap3A_750] {strides = array<i32>} : memref<512x64xf32, #tpu.memory_space<vmem>>, vector<16xf32>,
              tpu.vector_store %arg7[%swap3A, %swap3A_750], %get3A_23 {strides = array<i32>} : memref<512x64xf32, #tpu.memory_space<vmem>>, vector<16xf32>,
              %swap3A_752 = arith.index_cast %add3A_657 : i32 to index
              %swap3A_753 = arith.constant 16 : index
              %swap3A_754 = tpu.vector_load %arg7[%swap3A_752, %swap3A_753] {strides = array<i32>} : memref<512x64xf32, #tpu.memory_space<vmem>>, vector<16xf32>,
              tpu.vector_store %arg7[%swap3A_752, %swap3A_753], %get3A_27 {strides = array<i32>} : memref<512x64xf32, #tpu.memory_space<vmem>>, vector<16xf32>,
              %swap3A_755 = arith.index_cast %add3A_657 : i32 to index
              %swap3A_756 = arith.constant 32 : index
              %swap3A_757 = tpu.vector_load %arg7[%swap3A_755, %swap3A_756] {strides = array<i32>} : memref<512x64xf32, #tpu.memory_space<vmem>>, vector<16xf32>,
              tpu.vector_store %arg7[%swap3A_755, %swap3A_756], %get3A_31 {strides = array<i32>} : memref<512x64xf32, #tpu.memory_space<vmem>>, vector<16xf32>,
              %swap3A_758 = arith.index_cast %add3A_657 : i32 to index
              %swap3A_759 = arith.constant 48 : index
              %swap3A_760 = tpu.vector_load %arg7[%swap3A_758, %swap3A_759] {strides = array<i32>} : memref<512x64xf32, #tpu.memory_space<vmem>>, vector<16xf32>,
              tpu.vector_store %arg7[%swap3A_758, %swap3A_759], %get3A_35 {strides = array<i32>} : memref<512x64xf32, #tpu.memory_space<vmem>>, vector<16xf32>,
            } else {
            }
            %mul3A_670 = arith.constant 16 : i32
            %mul3A_671 = arith.muli %scan3A_478, %mul3A_670 : i32
            %add3A_672 = arith.constant 11 : i32
            %add3A_673 = arith.addi %mul3A_671, %add3A_672 : i32
            %slice3A_674 = vector.extract_strided_slice %get3A_483 {offsets = [11], sizes = [1], strides = [1]} : vector<16xi32> to vector<1xi32>
            %squeeze3A_675 = vector.extract %slice3A_674[0] : i32 from vector<1xi32>
            %eq3A_676 = arith.constant 400001 : i32
            %eq3A_677 = arith.cmpi eq, %squeeze3A_675, %eq3A_676 : i32
            %convert_element_type3A_678 = arith.extui %eq3A_677 : i1 to i32
            %cond3A_679 = arith.constant 0 : i32
            %cond3A_680 = arith.cmpi ne, %convert_element_type3A_678, %cond3A_679 : i32
            scf.if %cond3A_680 {
              %swap3A = arith.index_cast %add3A_673 : i32 to index
              %swap3A_750 = arith.constant 0 : index
              %swap3A_751 = tpu.vector_load %arg7[%swap3A, %swap3A_750] {strides = array<i32>} : memref<512x64xf32, #tpu.memory_space<vmem>>, vector<16xf32>,
              tpu.vector_store %arg7[%swap3A, %swap3A_750], %get3A_7 {strides = array<i32>} : memref<512x64xf32, #tpu.memory_space<vmem>>, vector<16xf32>,
              %swap3A_752 = arith.index_cast %add3A_673 : i32 to index
              %swap3A_753 = arith.constant 16 : index
              %swap3A_754 = tpu.vector_load %arg7[%swap3A_752, %swap3A_753] {strides = array<i32>} : memref<512x64xf32, #tpu.memory_space<vmem>>, vector<16xf32>,
              tpu.vector_store %arg7[%swap3A_752, %swap3A_753], %get3A_11 {strides = array<i32>} : memref<512x64xf32, #tpu.memory_space<vmem>>, vector<16xf32>,
              %swap3A_755 = arith.index_cast %add3A_673 : i32 to index
              %swap3A_756 = arith.constant 32 : index
              %swap3A_757 = tpu.vector_load %arg7[%swap3A_755, %swap3A_756] {strides = array<i32>} : memref<512x64xf32, #tpu.memory_space<vmem>>, vector<16xf32>,
              tpu.vector_store %arg7[%swap3A_755, %swap3A_756], %get3A_15 {strides = array<i32>} : memref<512x64xf32, #tpu.memory_space<vmem>>, vector<16xf32>,
              %swap3A_758 = arith.index_cast %add3A_673 : i32 to index
              %swap3A_759 = arith.constant 48 : index
              %swap3A_760 = tpu.vector_load %arg7[%swap3A_758, %swap3A_759] {strides = array<i32>} : memref<512x64xf32, #tpu.memory_space<vmem>>, vector<16xf32>,
              tpu.vector_store %arg7[%swap3A_758, %swap3A_759], %get3A_19 {strides = array<i32>} : memref<512x64xf32, #tpu.memory_space<vmem>>, vector<16xf32>,
            } else {
            }
            %eq3A_681 = arith.constant 400002 : i32
            %eq3A_682 = arith.cmpi eq, %squeeze3A_675, %eq3A_681 : i32
            %convert_element_type3A_683 = arith.extui %eq3A_682 : i1 to i32
            %cond3A_684 = arith.constant 0 : i32
            %cond3A_685 = arith.cmpi ne, %convert_element_type3A_683, %cond3A_684 : i32
            scf.if %cond3A_685 {
              %swap3A = arith.index_cast %add3A_673 : i32 to index
              %swap3A_750 = arith.constant 0 : index
              %swap3A_751 = tpu.vector_load %arg7[%swap3A, %swap3A_750] {strides = array<i32>} : memref<512x64xf32, #tpu.memory_space<vmem>>, vector<16xf32>,
              tpu.vector_store %arg7[%swap3A, %swap3A_750], %get3A_23 {strides = array<i32>} : memref<512x64xf32, #tpu.memory_space<vmem>>, vector<16xf32>,
              %swap3A_752 = arith.index_cast %add3A_673 : i32 to index
              %swap3A_753 = arith.constant 16 : index
              %swap3A_754 = tpu.vector_load %arg7[%swap3A_752, %swap3A_753] {strides = array<i32>} : memref<512x64xf32, #tpu.memory_space<vmem>>, vector<16xf32>,
              tpu.vector_store %arg7[%swap3A_752, %swap3A_753], %get3A_27 {strides = array<i32>} : memref<512x64xf32, #tpu.memory_space<vmem>>, vector<16xf32>,
              %swap3A_755 = arith.index_cast %add3A_673 : i32 to index
              %swap3A_756 = arith.constant 32 : index
              %swap3A_757 = tpu.vector_load %arg7[%swap3A_755, %swap3A_756] {strides = array<i32>} : memref<512x64xf32, #tpu.memory_space<vmem>>, vector<16xf32>,
              tpu.vector_store %arg7[%swap3A_755, %swap3A_756], %get3A_31 {strides = array<i32>} : memref<512x64xf32, #tpu.memory_space<vmem>>, vector<16xf32>,
              %swap3A_758 = arith.index_cast %add3A_673 : i32 to index
              %swap3A_759 = arith.constant 48 : index
              %swap3A_760 = tpu.vector_load %arg7[%swap3A_758, %swap3A_759] {strides = array<i32>} : memref<512x64xf32, #tpu.memory_space<vmem>>, vector<16xf32>,
              tpu.vector_store %arg7[%swap3A_758, %swap3A_759], %get3A_35 {strides = array<i32>} : memref<512x64xf32, #tpu.memory_space<vmem>>, vector<16xf32>,
            } else {
            }
            %mul3A_686 = arith.constant 16 : i32
            %mul3A_687 = arith.muli %scan3A_478, %mul3A_686 : i32
            %add3A_688 = arith.constant 12 : i32
            %add3A_689 = arith.addi %mul3A_687, %add3A_688 : i32
            %slice3A_690 = vector.extract_strided_slice %get3A_483 {offsets = [12], sizes = [1], strides = [1]} : vector<16xi32> to vector<1xi32>
            %squeeze3A_691 = vector.extract %slice3A_690[0] : i32 from vector<1xi32>
            %eq3A_692 = arith.constant 400001 : i32
            %eq3A_693 = arith.cmpi eq, %squeeze3A_691, %eq3A_692 : i32
            %convert_element_type3A_694 = arith.extui %eq3A_693 : i1 to i32
            %cond3A_695 = arith.constant 0 : i32
            %cond3A_696 = arith.cmpi ne, %convert_element_type3A_694, %cond3A_695 : i32
            scf.if %cond3A_696 {
              %swap3A = arith.index_cast %add3A_689 : i32 to index
              %swap3A_750 = arith.constant 0 : index
              %swap3A_751 = tpu.vector_load %arg7[%swap3A, %swap3A_750] {strides = array<i32>} : memref<512x64xf32, #tpu.memory_space<vmem>>, vector<16xf32>,
              tpu.vector_store %arg7[%swap3A, %swap3A_750], %get3A_7 {strides = array<i32>} : memref<512x64xf32, #tpu.memory_space<vmem>>, vector<16xf32>,
              %swap3A_752 = arith.index_cast %add3A_689 : i32 to index
              %swap3A_753 = arith.constant 16 : index
              %swap3A_754 = tpu.vector_load %arg7[%swap3A_752, %swap3A_753] {strides = array<i32>} : memref<512x64xf32, #tpu.memory_space<vmem>>, vector<16xf32>,
              tpu.vector_store %arg7[%swap3A_752, %swap3A_753], %get3A_11 {strides = array<i32>} : memref<512x64xf32, #tpu.memory_space<vmem>>, vector<16xf32>,
              %swap3A_755 = arith.index_cast %add3A_689 : i32 to index
              %swap3A_756 = arith.constant 32 : index
              %swap3A_757 = tpu.vector_load %arg7[%swap3A_755, %swap3A_756] {strides = array<i32>} : memref<512x64xf32, #tpu.memory_space<vmem>>, vector<16xf32>,
              tpu.vector_store %arg7[%swap3A_755, %swap3A_756], %get3A_15 {strides = array<i32>} : memref<512x64xf32, #tpu.memory_space<vmem>>, vector<16xf32>,
              %swap3A_758 = arith.index_cast %add3A_689 : i32 to index
              %swap3A_759 = arith.constant 48 : index
              %swap3A_760 = tpu.vector_load %arg7[%swap3A_758, %swap3A_759] {strides = array<i32>} : memref<512x64xf32, #tpu.memory_space<vmem>>, vector<16xf32>,
              tpu.vector_store %arg7[%swap3A_758, %swap3A_759], %get3A_19 {strides = array<i32>} : memref<512x64xf32, #tpu.memory_space<vmem>>, vector<16xf32>,
            } else {
            }
            %eq3A_697 = arith.constant 400002 : i32
            %eq3A_698 = arith.cmpi eq, %squeeze3A_691, %eq3A_697 : i32
            %convert_element_type3A_699 = arith.extui %eq3A_698 : i1 to i32
            %cond3A_700 = arith.constant 0 : i32
            %cond3A_701 = arith.cmpi ne, %convert_element_type3A_699, %cond3A_700 : i32
            scf.if %cond3A_701 {
              %swap3A = arith.index_cast %add3A_689 : i32 to index
              %swap3A_750 = arith.constant 0 : index
              %swap3A_751 = tpu.vector_load %arg7[%swap3A, %swap3A_750] {strides = array<i32>} : memref<512x64xf32, #tpu.memory_space<vmem>>, vector<16xf32>,
              tpu.vector_store %arg7[%swap3A, %swap3A_750], %get3A_23 {strides = array<i32>} : memref<512x64xf32, #tpu.memory_space<vmem>>, vector<16xf32>,
              %swap3A_752 = arith.index_cast %add3A_689 : i32 to index
              %swap3A_753 = arith.constant 16 : index
              %swap3A_754 = tpu.vector_load %arg7[%swap3A_752, %swap3A_753] {strides = array<i32>} : memref<512x64xf32, #tpu.memory_space<vmem>>, vector<16xf32>,
              tpu.vector_store %arg7[%swap3A_752, %swap3A_753], %get3A_27 {strides = array<i32>} : memref<512x64xf32, #tpu.memory_space<vmem>>, vector<16xf32>,
              %swap3A_755 = arith.index_cast %add3A_689 : i32 to index
              %swap3A_756 = arith.constant 32 : index
              %swap3A_757 = tpu.vector_load %arg7[%swap3A_755, %swap3A_756] {strides = array<i32>} : memref<512x64xf32, #tpu.memory_space<vmem>>, vector<16xf32>,
              tpu.vector_store %arg7[%swap3A_755, %swap3A_756], %get3A_31 {strides = array<i32>} : memref<512x64xf32, #tpu.memory_space<vmem>>, vector<16xf32>,
              %swap3A_758 = arith.index_cast %add3A_689 : i32 to index
              %swap3A_759 = arith.constant 48 : index
              %swap3A_760 = tpu.vector_load %arg7[%swap3A_758, %swap3A_759] {strides = array<i32>} : memref<512x64xf32, #tpu.memory_space<vmem>>, vector<16xf32>,
              tpu.vector_store %arg7[%swap3A_758, %swap3A_759], %get3A_35 {strides = array<i32>} : memref<512x64xf32, #tpu.memory_space<vmem>>, vector<16xf32>,
            } else {
            }
            %mul3A_702 = arith.constant 16 : i32
            %mul3A_703 = arith.muli %scan3A_478, %mul3A_702 : i32
            %add3A_704 = arith.constant 13 : i32
            %add3A_705 = arith.addi %mul3A_703, %add3A_704 : i32
            %slice3A_706 = vector.extract_strided_slice %get3A_483 {offsets = [13], sizes = [1], strides = [1]} : vector<16xi32> to vector<1xi32>
            %squeeze3A_707 = vector.extract %slice3A_706[0] : i32 from vector<1xi32>
            %eq3A_708 = arith.constant 400001 : i32
            %eq3A_709 = arith.cmpi eq, %squeeze3A_707, %eq3A_708 : i32
            %convert_element_type3A_710 = arith.extui %eq3A_709 : i1 to i32
            %cond3A_711 = arith.constant 0 : i32
            %cond3A_712 = arith.cmpi ne, %convert_element_type3A_710, %cond3A_711 : i32
            scf.if %cond3A_712 {
              %swap3A = arith.index_cast %add3A_705 : i32 to index
              %swap3A_750 = arith.constant 0 : index
              %swap3A_751 = tpu.vector_load %arg7[%swap3A, %swap3A_750] {strides = array<i32>} : memref<512x64xf32, #tpu.memory_space<vmem>>, vector<16xf32>,
              tpu.vector_store %arg7[%swap3A, %swap3A_750], %get3A_7 {strides = array<i32>} : memref<512x64xf32, #tpu.memory_space<vmem>>, vector<16xf32>,
              %swap3A_752 = arith.index_cast %add3A_705 : i32 to index
              %swap3A_753 = arith.constant 16 : index
              %swap3A_754 = tpu.vector_load %arg7[%swap3A_752, %swap3A_753] {strides = array<i32>} : memref<512x64xf32, #tpu.memory_space<vmem>>, vector<16xf32>,
              tpu.vector_store %arg7[%swap3A_752, %swap3A_753], %get3A_11 {strides = array<i32>} : memref<512x64xf32, #tpu.memory_space<vmem>>, vector<16xf32>,
              %swap3A_755 = arith.index_cast %add3A_705 : i32 to index
              %swap3A_756 = arith.constant 32 : index
              %swap3A_757 = tpu.vector_load %arg7[%swap3A_755, %swap3A_756] {strides = array<i32>} : memref<512x64xf32, #tpu.memory_space<vmem>>, vector<16xf32>,
              tpu.vector_store %arg7[%swap3A_755, %swap3A_756], %get3A_15 {strides = array<i32>} : memref<512x64xf32, #tpu.memory_space<vmem>>, vector<16xf32>,
              %swap3A_758 = arith.index_cast %add3A_705 : i32 to index
              %swap3A_759 = arith.constant 48 : index
              %swap3A_760 = tpu.vector_load %arg7[%swap3A_758, %swap3A_759] {strides = array<i32>} : memref<512x64xf32, #tpu.memory_space<vmem>>, vector<16xf32>,
              tpu.vector_store %arg7[%swap3A_758, %swap3A_759], %get3A_19 {strides = array<i32>} : memref<512x64xf32, #tpu.memory_space<vmem>>, vector<16xf32>,
            } else {
            }
            %eq3A_713 = arith.constant 400002 : i32
            %eq3A_714 = arith.cmpi eq, %squeeze3A_707, %eq3A_713 : i32
            %convert_element_type3A_715 = arith.extui %eq3A_714 : i1 to i32
            %cond3A_716 = arith.constant 0 : i32
            %cond3A_717 = arith.cmpi ne, %convert_element_type3A_715, %cond3A_716 : i32
            scf.if %cond3A_717 {
              %swap3A = arith.index_cast %add3A_705 : i32 to index
              %swap3A_750 = arith.constant 0 : index
              %swap3A_751 = tpu.vector_load %arg7[%swap3A, %swap3A_750] {strides = array<i32>} : memref<512x64xf32, #tpu.memory_space<vmem>>, vector<16xf32>,
              tpu.vector_store %arg7[%swap3A, %swap3A_750], %get3A_23 {strides = array<i32>} : memref<512x64xf32, #tpu.memory_space<vmem>>, vector<16xf32>,
              %swap3A_752 = arith.index_cast %add3A_705 : i32 to index
              %swap3A_753 = arith.constant 16 : index
              %swap3A_754 = tpu.vector_load %arg7[%swap3A_752, %swap3A_753] {strides = array<i32>} : memref<512x64xf32, #tpu.memory_space<vmem>>, vector<16xf32>,
              tpu.vector_store %arg7[%swap3A_752, %swap3A_753], %get3A_27 {strides = array<i32>} : memref<512x64xf32, #tpu.memory_space<vmem>>, vector<16xf32>,
              %swap3A_755 = arith.index_cast %add3A_705 : i32 to index
              %swap3A_756 = arith.constant 32 : index
              %swap3A_757 = tpu.vector_load %arg7[%swap3A_755, %swap3A_756] {strides = array<i32>} : memref<512x64xf32, #tpu.memory_space<vmem>>, vector<16xf32>,
              tpu.vector_store %arg7[%swap3A_755, %swap3A_756], %get3A_31 {strides = array<i32>} : memref<512x64xf32, #tpu.memory_space<vmem>>, vector<16xf32>,
              %swap3A_758 = arith.index_cast %add3A_705 : i32 to index
              %swap3A_759 = arith.constant 48 : index
              %swap3A_760 = tpu.vector_load %arg7[%swap3A_758, %swap3A_759] {strides = array<i32>} : memref<512x64xf32, #tpu.memory_space<vmem>>, vector<16xf32>,
              tpu.vector_store %arg7[%swap3A_758, %swap3A_759], %get3A_35 {strides = array<i32>} : memref<512x64xf32, #tpu.memory_space<vmem>>, vector<16xf32>,
            } else {
            }
            %mul3A_718 = arith.constant 16 : i32
            %mul3A_719 = arith.muli %scan3A_478, %mul3A_718 : i32
            %add3A_720 = arith.constant 14 : i32
            %add3A_721 = arith.addi %mul3A_719, %add3A_720 : i32
            %slice3A_722 = vector.extract_strided_slice %get3A_483 {offsets = [14], sizes = [1], strides = [1]} : vector<16xi32> to vector<1xi32>
            %squeeze3A_723 = vector.extract %slice3A_722[0] : i32 from vector<1xi32>
            %eq3A_724 = arith.constant 400001 : i32
            %eq3A_725 = arith.cmpi eq, %squeeze3A_723, %eq3A_724 : i32
            %convert_element_type3A_726 = arith.extui %eq3A_725 : i1 to i32
            %cond3A_727 = arith.constant 0 : i32
            %cond3A_728 = arith.cmpi ne, %convert_element_type3A_726, %cond3A_727 : i32
            scf.if %cond3A_728 {
              %swap3A = arith.index_cast %add3A_721 : i32 to index
              %swap3A_750 = arith.constant 0 : index
              %swap3A_751 = tpu.vector_load %arg7[%swap3A, %swap3A_750] {strides = array<i32>} : memref<512x64xf32, #tpu.memory_space<vmem>>, vector<16xf32>,
              tpu.vector_store %arg7[%swap3A, %swap3A_750], %get3A_7 {strides = array<i32>} : memref<512x64xf32, #tpu.memory_space<vmem>>, vector<16xf32>,
              %swap3A_752 = arith.index_cast %add3A_721 : i32 to index
              %swap3A_753 = arith.constant 16 : index
              %swap3A_754 = tpu.vector_load %arg7[%swap3A_752, %swap3A_753] {strides = array<i32>} : memref<512x64xf32, #tpu.memory_space<vmem>>, vector<16xf32>,
              tpu.vector_store %arg7[%swap3A_752, %swap3A_753], %get3A_11 {strides = array<i32>} : memref<512x64xf32, #tpu.memory_space<vmem>>, vector<16xf32>,
              %swap3A_755 = arith.index_cast %add3A_721 : i32 to index
              %swap3A_756 = arith.constant 32 : index
              %swap3A_757 = tpu.vector_load %arg7[%swap3A_755, %swap3A_756] {strides = array<i32>} : memref<512x64xf32, #tpu.memory_space<vmem>>, vector<16xf32>,
              tpu.vector_store %arg7[%swap3A_755, %swap3A_756], %get3A_15 {strides = array<i32>} : memref<512x64xf32, #tpu.memory_space<vmem>>, vector<16xf32>,
              %swap3A_758 = arith.index_cast %add3A_721 : i32 to index
              %swap3A_759 = arith.constant 48 : index
              %swap3A_760 = tpu.vector_load %arg7[%swap3A_758, %swap3A_759] {strides = array<i32>} : memref<512x64xf32, #tpu.memory_space<vmem>>, vector<16xf32>,
              tpu.vector_store %arg7[%swap3A_758, %swap3A_759], %get3A_19 {strides = array<i32>} : memref<512x64xf32, #tpu.memory_space<vmem>>, vector<16xf32>,
            } else {
            }
            %eq3A_729 = arith.constant 400002 : i32
            %eq3A_730 = arith.cmpi eq, %squeeze3A_723, %eq3A_729 : i32
            %convert_element_type3A_731 = arith.extui %eq3A_730 : i1 to i32
            %cond3A_732 = arith.constant 0 : i32
            %cond3A_733 = arith.cmpi ne, %convert_element_type3A_731, %cond3A_732 : i32
            scf.if %cond3A_733 {
              %swap3A = arith.index_cast %add3A_721 : i32 to index
              %swap3A_750 = arith.constant 0 : index
              %swap3A_751 = tpu.vector_load %arg7[%swap3A, %swap3A_750] {strides = array<i32>} : memref<512x64xf32, #tpu.memory_space<vmem>>, vector<16xf32>,
              tpu.vector_store %arg7[%swap3A, %swap3A_750], %get3A_23 {strides = array<i32>} : memref<512x64xf32, #tpu.memory_space<vmem>>, vector<16xf32>,
              %swap3A_752 = arith.index_cast %add3A_721 : i32 to index
              %swap3A_753 = arith.constant 16 : index
              %swap3A_754 = tpu.vector_load %arg7[%swap3A_752, %swap3A_753] {strides = array<i32>} : memref<512x64xf32, #tpu.memory_space<vmem>>, vector<16xf32>,
              tpu.vector_store %arg7[%swap3A_752, %swap3A_753], %get3A_27 {strides = array<i32>} : memref<512x64xf32, #tpu.memory_space<vmem>>, vector<16xf32>,
              %swap3A_755 = arith.index_cast %add3A_721 : i32 to index
              %swap3A_756 = arith.constant 32 : index
              %swap3A_757 = tpu.vector_load %arg7[%swap3A_755, %swap3A_756] {strides = array<i32>} : memref<512x64xf32, #tpu.memory_space<vmem>>, vector<16xf32>,
              tpu.vector_store %arg7[%swap3A_755, %swap3A_756], %get3A_31 {strides = array<i32>} : memref<512x64xf32, #tpu.memory_space<vmem>>, vector<16xf32>,
              %swap3A_758 = arith.index_cast %add3A_721 : i32 to index
              %swap3A_759 = arith.constant 48 : index
              %swap3A_760 = tpu.vector_load %arg7[%swap3A_758, %swap3A_759] {strides = array<i32>} : memref<512x64xf32, #tpu.memory_space<vmem>>, vector<16xf32>,
              tpu.vector_store %arg7[%swap3A_758, %swap3A_759], %get3A_35 {strides = array<i32>} : memref<512x64xf32, #tpu.memory_space<vmem>>, vector<16xf32>,
            } else {
            }
            %mul3A_734 = arith.constant 16 : i32
            %mul3A_735 = arith.muli %scan3A_478, %mul3A_734 : i32
            %add3A_736 = arith.constant 15 : i32
            %add3A_737 = arith.addi %mul3A_735, %add3A_736 : i32
            %slice3A_738 = vector.extract_strided_slice %get3A_483 {offsets = [15], sizes = [1], strides = [1]} : vector<16xi32> to vector<1xi32>
            %squeeze3A_739 = vector.extract %slice3A_738[0] : i32 from vector<1xi32>
            %eq3A_740 = arith.constant 400001 : i32
            %eq3A_741 = arith.cmpi eq, %squeeze3A_739, %eq3A_740 : i32
            %convert_element_type3A_742 = arith.extui %eq3A_741 : i1 to i32
            %cond3A_743 = arith.constant 0 : i32
            %cond3A_744 = arith.cmpi ne, %convert_element_type3A_742, %cond3A_743 : i32
            scf.if %cond3A_744 {
              %swap3A = arith.index_cast %add3A_737 : i32 to index
              %swap3A_750 = arith.constant 0 : index
              %swap3A_751 = tpu.vector_load %arg7[%swap3A, %swap3A_750] {strides = array<i32>} : memref<512x64xf32, #tpu.memory_space<vmem>>, vector<16xf32>,
              tpu.vector_store %arg7[%swap3A, %swap3A_750], %get3A_7 {strides = array<i32>} : memref<512x64xf32, #tpu.memory_space<vmem>>, vector<16xf32>,
              %swap3A_752 = arith.index_cast %add3A_737 : i32 to index
              %swap3A_753 = arith.constant 16 : index
              %swap3A_754 = tpu.vector_load %arg7[%swap3A_752, %swap3A_753] {strides = array<i32>} : memref<512x64xf32, #tpu.memory_space<vmem>>, vector<16xf32>,
              tpu.vector_store %arg7[%swap3A_752, %swap3A_753], %get3A_11 {strides = array<i32>} : memref<512x64xf32, #tpu.memory_space<vmem>>, vector<16xf32>,
              %swap3A_755 = arith.index_cast %add3A_737 : i32 to index
              %swap3A_756 = arith.constant 32 : index
              %swap3A_757 = tpu.vector_load %arg7[%swap3A_755, %swap3A_756] {strides = array<i32>} : memref<512x64xf32, #tpu.memory_space<vmem>>, vector<16xf32>,
              tpu.vector_store %arg7[%swap3A_755, %swap3A_756], %get3A_15 {strides = array<i32>} : memref<512x64xf32, #tpu.memory_space<vmem>>, vector<16xf32>,
              %swap3A_758 = arith.index_cast %add3A_737 : i32 to index
              %swap3A_759 = arith.constant 48 : index
              %swap3A_760 = tpu.vector_load %arg7[%swap3A_758, %swap3A_759] {strides = array<i32>} : memref<512x64xf32, #tpu.memory_space<vmem>>, vector<16xf32>,
              tpu.vector_store %arg7[%swap3A_758, %swap3A_759], %get3A_19 {strides = array<i32>} : memref<512x64xf32, #tpu.memory_space<vmem>>, vector<16xf32>,
            } else {
            }
            %eq3A_745 = arith.constant 400002 : i32
            %eq3A_746 = arith.cmpi eq, %squeeze3A_739, %eq3A_745 : i32
            %convert_element_type3A_747 = arith.extui %eq3A_746 : i1 to i32
            %cond3A_748 = arith.constant 0 : i32
            %cond3A_749 = arith.cmpi ne, %convert_element_type3A_747, %cond3A_748 : i32
            scf.if %cond3A_749 {
              %swap3A = arith.index_cast %add3A_737 : i32 to index
              %swap3A_750 = arith.constant 0 : index
              %swap3A_751 = tpu.vector_load %arg7[%swap3A, %swap3A_750] {strides = array<i32>} : memref<512x64xf32, #tpu.memory_space<vmem>>, vector<16xf32>,
              tpu.vector_store %arg7[%swap3A, %swap3A_750], %get3A_23 {strides = array<i32>} : memref<512x64xf32, #tpu.memory_space<vmem>>, vector<16xf32>,
              %swap3A_752 = arith.index_cast %add3A_737 : i32 to index
              %swap3A_753 = arith.constant 16 : index
              %swap3A_754 = tpu.vector_load %arg7[%swap3A_752, %swap3A_753] {strides = array<i32>} : memref<512x64xf32, #tpu.memory_space<vmem>>, vector<16xf32>,
              tpu.vector_store %arg7[%swap3A_752, %swap3A_753], %get3A_27 {strides = array<i32>} : memref<512x64xf32, #tpu.memory_space<vmem>>, vector<16xf32>,
              %swap3A_755 = arith.index_cast %add3A_737 : i32 to index
              %swap3A_756 = arith.constant 32 : index
              %swap3A_757 = tpu.vector_load %arg7[%swap3A_755, %swap3A_756] {strides = array<i32>} : memref<512x64xf32, #tpu.memory_space<vmem>>, vector<16xf32>,
              tpu.vector_store %arg7[%swap3A_755, %swap3A_756], %get3A_31 {strides = array<i32>} : memref<512x64xf32, #tpu.memory_space<vmem>>, vector<16xf32>,
              %swap3A_758 = arith.index_cast %add3A_737 : i32 to index
              %swap3A_759 = arith.constant 48 : index
              %swap3A_760 = tpu.vector_load %arg7[%swap3A_758, %swap3A_759] {strides = array<i32>} : memref<512x64xf32, #tpu.memory_space<vmem>>, vector<16xf32>,
              tpu.vector_store %arg7[%swap3A_758, %swap3A_759], %get3A_35 {strides = array<i32>} : memref<512x64xf32, #tpu.memory_space<vmem>>, vector<16xf32>,
            } else {
            }
          } else {
          }
        }
        %scan3A_477 = arith.constant 32 : i32
      } else {
      }
      %mul3A_267 = arith.constant 512 : i32
      %mul3A_268 = arith.muli %add3A_95, %mul3A_267 : i32
      %add3A_269 = arith.addi %mul3A_4, %mul3A_268 : i32
      %dma_start3A_270 = arith.constant 0 : i32
      %dma_start3A_271 = tpu.memref_slice %arg5[%add3A_269, %dma_start3A_270] : memref<819200x128xf32, #tpu.memory_space<hbm>> -> memref<512x64xf32, #tpu.memory_space<hbm>>
      %dma_start3A_272 = arith.constant 0 : i32
      %dma_start3A_273 = tpu.memref_slice %arg5[%add3A_269, %dma_start3A_272] : memref<819200x128xf32, #tpu.memory_space<hbm>> -> memref<512x64xf32, #tpu.memory_space<hbm>>
      tpu.enqueue_dma source(%arg7 : memref<512x64xf32, #tpu.memory_space<vmem>>) target(%dma_start3A_273 : memref<512x64xf32, #tpu.memory_space<hbm>>) target_semaphore(%arg12 : memref<!tpu.dma_semaphore, #tpu.memory_space<semaphore_mem>>)
      %add3A_274 = arith.constant 1 : i32
      %add3A_275 = arith.addi %add3A_95, %add3A_274 : i32
      %lt3A = arith.constant 50 : i32
      %lt3A_276 = arith.cmpi slt, %add3A_275, %lt3A : i32
      %convert_element_type3A_277 = arith.extui %lt3A_276 : i1 to i32
      %cond3A_278 = arith.constant 0 : i32
      %cond3A_279 = arith.cmpi ne, %convert_element_type3A_277, %cond3A_278 : i32
      scf.if %cond3A_279 {
        %ge3A_472 = arith.constant 1 : i32
        %ge3A_473 = arith.cmpi sge, %add3A_95, %ge3A_472 : i32
        %convert_element_type3A_474 = arith.extui %ge3A_473 : i1 to i32
        %cond3A_475 = arith.constant 0 : i32
        %cond3A_476 = arith.cmpi ne, %convert_element_type3A_474, %cond3A_475 : i32
        scf.if %cond3A_476 {
          %sub3A = arith.constant 1 : i32
          %sub3A_513 = arith.subi %add3A_95, %sub3A : i32
          %mul3A_514 = arith.constant 512 : i32
          %mul3A_515 = arith.muli %sub3A_513, %mul3A_514 : i32
          %add3A_516 = arith.addi %mul3A_4, %mul3A_515 : i32
          %dma_wait3A_517 = arith.constant 0 : i32
          %dma_wait3A_518 = tpu.memref_slice %arg5[%add3A_516, %dma_wait3A_517] : memref<819200x128xf32, #tpu.memory_space<hbm>> -> memref<512x64xf32, #tpu.memory_space<hbm>>
          %dma_wait3A_519 = arith.constant 0 : i32
          %dma_wait3A_520 = tpu.memref_slice %arg5[%add3A_516, %dma_wait3A_519] : memref<819200x128xf32, #tpu.memory_space<hbm>> -> memref<512x64xf32, #tpu.memory_space<hbm>>
          tpu.wait_dma2 semaphore(%arg13 : memref<!tpu.dma_semaphore, #tpu.memory_space<semaphore_mem>>) src(%arg8 : memref<512x64xf32, #tpu.memory_space<vmem>>) dst(%dma_wait3A_520 : memref<512x64xf32, #tpu.memory_space<hbm>>)
        } else {
        }
        %dma_start3A_477 = arith.constant 0 : i32
        %dma_start3A_478 = arith.constant 0 : i32
        %dma_start3A_479 = tpu.memref_slice %arg8[%dma_start3A_477, %dma_start3A_478] : memref<512x64xf32, #tpu.memory_space<vmem>> -> memref<128x64xf32, #tpu.memory_space<vmem>>
        %dma_start3A_480 = arith.constant 0 : i32
        %dma_start3A_481 = tpu.memref_slice %arg6[%add3A_275, %dma_start3A_480] : memref<50x512xi32, #tpu.memory_space<vmem>> -> memref<1x128xi32, #tpu.memory_space<vmem>>
        %dma_start3A_482 = tpu.memref_squeeze %dma_start3A_481 : memref<1x128xi32, #tpu.memory_space<vmem>> -> memref<128xi32, #tpu.memory_space<vmem>>
        %dma_start3A_483 = arith.constant 0 : i32
        %dma_start3A_484 = arith.constant 0 : i32
        %dma_start3A_485 = tpu.memref_slice %arg3[%dma_start3A_483, %dma_start3A_484] : memref<400004x64xf32, #tpu.memory_space<hbm>> -> memref<400004x64xf32, #tpu.memory_space<hbm>>
        tpu.enqueue_indirect_dma source(%dma_start3A_485 : memref<400004x64xf32, #tpu.memory_space<hbm>>) target(%dma_start3A_479 : memref<128x64xf32, #tpu.memory_space<vmem>>) offsets(%dma_start3A_482 : memref<128xi32, #tpu.memory_space<vmem>>) semaphore(%arg11 : memref<!tpu.dma_semaphore, #tpu.memory_space<semaphore_mem>>)
        %dma_start3A_486 = arith.constant 128 : i32
        %dma_start3A_487 = arith.constant 0 : i32
        %dma_start3A_488 = tpu.memref_slice %arg8[%dma_start3A_486, %dma_start3A_487] : memref<512x64xf32, #tpu.memory_space<vmem>> -> memref<128x64xf32, #tpu.memory_space<vmem>>
        %dma_start3A_489 = arith.constant 128 : i32
        %dma_start3A_490 = tpu.memref_slice %arg6[%add3A_275, %dma_start3A_489] : memref<50x512xi32, #tpu.memory_space<vmem>> -> memref<1x128xi32, #tpu.memory_space<vmem>>
        %dma_start3A_491 = tpu.memref_squeeze %dma_start3A_490 : memref<1x128xi32, #tpu.memory_space<vmem>> -> memref<128xi32, #tpu.memory_space<vmem>>
        %dma_start3A_492 = arith.constant 0 : i32
        %dma_start3A_493 = arith.constant 0 : i32
        %dma_start3A_494 = tpu.memref_slice %arg3[%dma_start3A_492, %dma_start3A_493] : memref<400004x64xf32, #tpu.memory_space<hbm>> -> memref<400004x64xf32, #tpu.memory_space<hbm>>
        tpu.enqueue_indirect_dma source(%dma_start3A_494 : memref<400004x64xf32, #tpu.memory_space<hbm>>) target(%dma_start3A_488 : memref<128x64xf32, #tpu.memory_space<vmem>>) offsets(%dma_start3A_491 : memref<128xi32, #tpu.memory_space<vmem>>) semaphore(%arg11 : memref<!tpu.dma_semaphore, #tpu.memory_space<semaphore_mem>>)
        %dma_start3A_495 = arith.constant 256 : i32
        %dma_start3A_496 = arith.constant 0 : i32
        %dma_start3A_497 = tpu.memref_slice %arg8[%dma_start3A_495, %dma_start3A_496] : memref<512x64xf32, #tpu.memory_space<vmem>> -> memref<128x64xf32, #tpu.memory_space<vmem>>
        %dma_start3A_498 = arith.constant 256 : i32
        %dma_start3A_499 = tpu.memref_slice %arg6[%add3A_275, %dma_start3A_498] : memref<50x512xi32, #tpu.memory_space<vmem>> -> memref<1x128xi32, #tpu.memory_space<vmem>>
        %dma_start3A_500 = tpu.memref_squeeze %dma_start3A_499 : memref<1x128xi32, #tpu.memory_space<vmem>> -> memref<128xi32, #tpu.memory_space<vmem>>
        %dma_start3A_501 = arith.constant 0 : i32
        %dma_start3A_502 = arith.constant 0 : i32
        %dma_start3A_503 = tpu.memref_slice %arg3[%dma_start3A_501, %dma_start3A_502] : memref<400004x64xf32, #tpu.memory_space<hbm>> -> memref<400004x64xf32, #tpu.memory_space<hbm>>
        tpu.enqueue_indirect_dma source(%dma_start3A_503 : memref<400004x64xf32, #tpu.memory_space<hbm>>) target(%dma_start3A_497 : memref<128x64xf32, #tpu.memory_space<vmem>>) offsets(%dma_start3A_500 : memref<128xi32, #tpu.memory_space<vmem>>) semaphore(%arg11 : memref<!tpu.dma_semaphore, #tpu.memory_space<semaphore_mem>>)
        %dma_start3A_504 = arith.constant 384 : i32
        %dma_start3A_505 = arith.constant 0 : i32
        %dma_start3A_506 = tpu.memref_slice %arg8[%dma_start3A_504, %dma_start3A_505] : memref<512x64xf32, #tpu.memory_space<vmem>> -> memref<128x64xf32, #tpu.memory_space<vmem>>
        %dma_start3A_507 = arith.constant 384 : i32
        %dma_start3A_508 = tpu.memref_slice %arg6[%add3A_275, %dma_start3A_507] : memref<50x512xi32, #tpu.memory_space<vmem>> -> memref<1x128xi32, #tpu.memory_space<vmem>>
        %dma_start3A_509 = tpu.memref_squeeze %dma_start3A_508 : memref<1x128xi32, #tpu.memory_space<vmem>> -> memref<128xi32, #tpu.memory_space<vmem>>
        %dma_start3A_510 = arith.constant 0 : i32
        %dma_start3A_511 = arith.constant 0 : i32
        %dma_start3A_512 = tpu.memref_slice %arg3[%dma_start3A_510, %dma_start3A_511] : memref<400004x64xf32, #tpu.memory_space<hbm>> -> memref<400004x64xf32, #tpu.memory_space<hbm>>
        tpu.enqueue_indirect_dma source(%dma_start3A_512 : memref<400004x64xf32, #tpu.memory_space<hbm>>) target(%dma_start3A_506 : memref<128x64xf32, #tpu.memory_space<vmem>>) offsets(%dma_start3A_509 : memref<128xi32, #tpu.memory_space<vmem>>) semaphore(%arg11 : memref<!tpu.dma_semaphore, #tpu.memory_space<semaphore_mem>>)
      } else {
      }
      %add3A_280 = arith.constant 1 : i32
      %add3A_281 = arith.addi %mul3A_93, %add3A_280 : i32
      %dma_wait3A_282 = arith.constant 0 : i32
      %dma_wait3A_283 = arith.constant 0 : i32
      %dma_wait3A_284 = tpu.memref_slice %arg8[%dma_wait3A_282, %dma_wait3A_283] : memref<512x64xf32, #tpu.memory_space<vmem>> -> memref<128x64xf32, #tpu.memory_space<vmem>>
      %dma_wait3A_285 = arith.constant 0 : i32
      %dma_wait3A_286 = tpu.memref_slice %arg6[%add3A_281, %dma_wait3A_285] : memref<50x512xi32, #tpu.memory_space<vmem>> -> memref<1x128xi32, #tpu.memory_space<vmem>>
      %dma_wait3A_287 = tpu.memref_squeeze %dma_wait3A_286 : memref<1x128xi32, #tpu.memory_space<vmem>> -> memref<128xi32, #tpu.memory_space<vmem>>
      %dma_wait3A_288 = arith.constant 0 : i32
      %dma_wait3A_289 = arith.constant 0 : i32
      %dma_wait3A_290 = tpu.memref_slice %arg3[%dma_wait3A_288, %dma_wait3A_289] : memref<400004x64xf32, #tpu.memory_space<hbm>> -> memref<400004x64xf32, #tpu.memory_space<hbm>>
      tpu.wait_indirect_dma semaphore(%arg11 : memref<!tpu.dma_semaphore, #tpu.memory_space<semaphore_mem>>) src(%dma_wait3A_290 : memref<400004x64xf32, #tpu.memory_space<hbm>>) dst(%dma_wait3A_284 : memref<128x64xf32, #tpu.memory_space<vmem>>)
      %dma_wait3A_291 = arith.constant 128 : i32
      %dma_wait3A_292 = arith.constant 0 : i32
      %dma_wait3A_293 = tpu.memref_slice %arg8[%dma_wait3A_291, %dma_wait3A_292] : memref<512x64xf32, #tpu.memory_space<vmem>> -> memref<128x64xf32, #tpu.memory_space<vmem>>
      %dma_wait3A_294 = arith.constant 128 : i32
      %dma_wait3A_295 = tpu.memref_slice %arg6[%add3A_281, %dma_wait3A_294] : memref<50x512xi32, #tpu.memory_space<vmem>> -> memref<1x128xi32, #tpu.memory_space<vmem>>
      %dma_wait3A_296 = tpu.memref_squeeze %dma_wait3A_295 : memref<1x128xi32, #tpu.memory_space<vmem>> -> memref<128xi32, #tpu.memory_space<vmem>>
      %dma_wait3A_297 = arith.constant 0 : i32
      %dma_wait3A_298 = arith.constant 0 : i32
      %dma_wait3A_299 = tpu.memref_slice %arg3[%dma_wait3A_297, %dma_wait3A_298] : memref<400004x64xf32, #tpu.memory_space<hbm>> -> memref<400004x64xf32, #tpu.memory_space<hbm>>
      tpu.wait_indirect_dma semaphore(%arg11 : memref<!tpu.dma_semaphore, #tpu.memory_space<semaphore_mem>>) src(%dma_wait3A_299 : memref<400004x64xf32, #tpu.memory_space<hbm>>) dst(%dma_wait3A_293 : memref<128x64xf32, #tpu.memory_space<vmem>>)
      %dma_wait3A_300 = arith.constant 256 : i32
      %dma_wait3A_301 = arith.constant 0 : i32
      %dma_wait3A_302 = tpu.memref_slice %arg8[%dma_wait3A_300, %dma_wait3A_301] : memref<512x64xf32, #tpu.memory_space<vmem>> -> memref<128x64xf32, #tpu.memory_space<vmem>>
      %dma_wait3A_303 = arith.constant 256 : i32
      %dma_wait3A_304 = tpu.memref_slice %arg6[%add3A_281, %dma_wait3A_303] : memref<50x512xi32, #tpu.memory_space<vmem>> -> memref<1x128xi32, #tpu.memory_space<vmem>>
      %dma_wait3A_305 = tpu.memref_squeeze %dma_wait3A_304 : memref<1x128xi32, #tpu.memory_space<vmem>> -> memref<128xi32, #tpu.memory_space<vmem>>
      %dma_wait3A_306 = arith.constant 0 : i32
      %dma_wait3A_307 = arith.constant 0 : i32
      %dma_wait3A_308 = tpu.memref_slice %arg3[%dma_wait3A_306, %dma_wait3A_307] : memref<400004x64xf32, #tpu.memory_space<hbm>> -> memref<400004x64xf32, #tpu.memory_space<hbm>>
      tpu.wait_indirect_dma semaphore(%arg11 : memref<!tpu.dma_semaphore, #tpu.memory_space<semaphore_mem>>) src(%dma_wait3A_308 : memref<400004x64xf32, #tpu.memory_space<hbm>>) dst(%dma_wait3A_302 : memref<128x64xf32, #tpu.memory_space<vmem>>)
      %dma_wait3A_309 = arith.constant 384 : i32
      %dma_wait3A_310 = arith.constant 0 : i32
      %dma_wait3A_311 = tpu.memref_slice %arg8[%dma_wait3A_309, %dma_wait3A_310] : memref<512x64xf32, #tpu.memory_space<vmem>> -> memref<128x64xf32, #tpu.memory_space<vmem>>
      %dma_wait3A_312 = arith.constant 384 : i32
      %dma_wait3A_313 = tpu.memref_slice %arg6[%add3A_281, %dma_wait3A_312] : memref<50x512xi32, #tpu.memory_space<vmem>> -> memref<1x128xi32, #tpu.memory_space<vmem>>
      %dma_wait3A_314 = tpu.memref_squeeze %dma_wait3A_313 : memref<1x128xi32, #tpu.memory_space<vmem>> -> memref<128xi32, #tpu.memory_space<vmem>>
      %dma_wait3A_315 = arith.constant 0 : i32
      %dma_wait3A_316 = arith.constant 0 : i32
      %dma_wait3A_317 = tpu.memref_slice %arg3[%dma_wait3A_315, %dma_wait3A_316] : memref<400004x64xf32, #tpu.memory_space<hbm>> -> memref<400004x64xf32, #tpu.memory_space<hbm>>
      tpu.wait_indirect_dma semaphore(%arg11 : memref<!tpu.dma_semaphore, #tpu.memory_space<semaphore_mem>>) src(%dma_wait3A_317 : memref<400004x64xf32, #tpu.memory_space<hbm>>) dst(%dma_wait3A_311 : memref<128x64xf32, #tpu.memory_space<vmem>>)
      %get3A_318 = arith.index_cast %add3A_281 : i32 to index
      %get3A_319 = arith.constant 0 : index
      %get3A_320 = tpu.vector_load %arg6[%get3A_318, %get3A_319] {strides = array<i32>} : memref<50x512xi32, #tpu.memory_space<vmem>>, vector<16xi32>,
      %get3A_321 = arith.index_cast %add3A_281 : i32 to index
      %get3A_322 = arith.constant 16 : index
      %get3A_323 = tpu.vector_load %arg6[%get3A_321, %get3A_322] {strides = array<i32>} : memref<50x512xi32, #tpu.memory_space<vmem>>, vector<16xi32>,
      %max3A_324 = arith.maxsi %get3A_320, %get3A_323 : vector<16xi32>
      %get3A_325 = arith.index_cast %add3A_281 : i32 to index
      %get3A_326 = arith.constant 32 : index
      %get3A_327 = tpu.vector_load %arg6[%get3A_325, %get3A_326] {strides = array<i32>} : memref<50x512xi32, #tpu.memory_space<vmem>>, vector<16xi32>,
      %max3A_328 = arith.maxsi %max3A_324, %get3A_327 : vector<16xi32>
      %get3A_329 = arith.index_cast %add3A_281 : i32 to index
      %get3A_330 = arith.constant 48 : index
      %get3A_331 = tpu.vector_load %arg6[%get3A_329, %get3A_330] {strides = array<i32>} : memref<50x512xi32, #tpu.memory_space<vmem>>, vector<16xi32>,
      %max3A_332 = arith.maxsi %max3A_328, %get3A_331 : vector<16xi32>
      %get3A_333 = arith.index_cast %add3A_281 : i32 to index
      %get3A_334 = arith.constant 64 : index
      %get3A_335 = tpu.vector_load %arg6[%get3A_333, %get3A_334] {strides = array<i32>} : memref<50x512xi32, #tpu.memory_space<vmem>>, vector<16xi32>,
      %max3A_336 = arith.maxsi %max3A_332, %get3A_335 : vector<16xi32>
      %get3A_337 = arith.index_cast %add3A_281 : i32 to index
      %get3A_338 = arith.constant 80 : index
      %get3A_339 = tpu.vector_load %arg6[%get3A_337, %get3A_338] {strides = array<i32>} : memref<50x512xi32, #tpu.memory_space<vmem>>, vector<16xi32>,
      %max3A_340 = arith.maxsi %max3A_336, %get3A_339 : vector<16xi32>
      %get3A_341 = arith.index_cast %add3A_281 : i32 to index
      %get3A_342 = arith.constant 96 : index
      %get3A_343 = tpu.vector_load %arg6[%get3A_341, %get3A_342] {strides = array<i32>} : memref<50x512xi32, #tpu.memory_space<vmem>>, vector<16xi32>,
      %max3A_344 = arith.maxsi %max3A_340, %get3A_343 : vector<16xi32>
      %get3A_345 = arith.index_cast %add3A_281 : i32 to index
      %get3A_346 = arith.constant 112 : index
      %get3A_347 = tpu.vector_load %arg6[%get3A_345, %get3A_346] {strides = array<i32>} : memref<50x512xi32, #tpu.memory_space<vmem>>, vector<16xi32>,
      %max3A_348 = arith.maxsi %max3A_344, %get3A_347 : vector<16xi32>
      %get3A_349 = arith.index_cast %add3A_281 : i32 to index
      %get3A_350 = arith.constant 128 : index
      %get3A_351 = tpu.vector_load %arg6[%get3A_349, %get3A_350] {strides = array<i32>} : memref<50x512xi32, #tpu.memory_space<vmem>>, vector<16xi32>,
      %max3A_352 = arith.maxsi %max3A_348, %get3A_351 : vector<16xi32>
      %get3A_353 = arith.index_cast %add3A_281 : i32 to index
      %get3A_354 = arith.constant 144 : index
      %get3A_355 = tpu.vector_load %arg6[%get3A_353, %get3A_354] {strides = array<i32>} : memref<50x512xi32, #tpu.memory_space<vmem>>, vector<16xi32>,
      %max3A_356 = arith.maxsi %max3A_352, %get3A_355 : vector<16xi32>
      %get3A_357 = arith.index_cast %add3A_281 : i32 to index
      %get3A_358 = arith.constant 160 : index
      %get3A_359 = tpu.vector_load %arg6[%get3A_357, %get3A_358] {strides = array<i32>} : memref<50x512xi32, #tpu.memory_space<vmem>>, vector<16xi32>,
      %max3A_360 = arith.maxsi %max3A_356, %get3A_359 : vector<16xi32>
      %get3A_361 = arith.index_cast %add3A_281 : i32 to index
      %get3A_362 = arith.constant 176 : index
      %get3A_363 = tpu.vector_load %arg6[%get3A_361, %get3A_362] {strides = array<i32>} : memref<50x512xi32, #tpu.memory_space<vmem>>, vector<16xi32>,
      %max3A_364 = arith.maxsi %max3A_360, %get3A_363 : vector<16xi32>
      %get3A_365 = arith.index_cast %add3A_281 : i32 to index
      %get3A_366 = arith.constant 192 : index
      %get3A_367 = tpu.vector_load %arg6[%get3A_365, %get3A_366] {strides = array<i32>} : memref<50x512xi32, #tpu.memory_space<vmem>>, vector<16xi32>,
      %max3A_368 = arith.maxsi %max3A_364, %get3A_367 : vector<16xi32>
      %get3A_369 = arith.index_cast %add3A_281 : i32 to index
      %get3A_370 = arith.constant 208 : index
      %get3A_371 = tpu.vector_load %arg6[%get3A_369, %get3A_370] {strides = array<i32>} : memref<50x512xi32, #tpu.memory_space<vmem>>, vector<16xi32>,
      %max3A_372 = arith.maxsi %max3A_368, %get3A_371 : vector<16xi32>
      %get3A_373 = arith.index_cast %add3A_281 : i32 to index
      %get3A_374 = arith.constant 224 : index
      %get3A_375 = tpu.vector_load %arg6[%get3A_373, %get3A_374] {strides = array<i32>} : memref<50x512xi32, #tpu.memory_space<vmem>>, vector<16xi32>,
      %max3A_376 = arith.maxsi %max3A_372, %get3A_375 : vector<16xi32>
      %get3A_377 = arith.index_cast %add3A_281 : i32 to index
      %get3A_378 = arith.constant 240 : index
      %get3A_379 = tpu.vector_load %arg6[%get3A_377, %get3A_378] {strides = array<i32>} : memref<50x512xi32, #tpu.memory_space<vmem>>, vector<16xi32>,
      %max3A_380 = arith.maxsi %max3A_376, %get3A_379 : vector<16xi32>
      %get3A_381 = arith.index_cast %add3A_281 : i32 to index
      %get3A_382 = arith.constant 256 : index
      %get3A_383 = tpu.vector_load %arg6[%get3A_381, %get3A_382] {strides = array<i32>} : memref<50x512xi32, #tpu.memory_space<vmem>>, vector<16xi32>,
      %max3A_384 = arith.maxsi %max3A_380, %get3A_383 : vector<16xi32>
      %get3A_385 = arith.index_cast %add3A_281 : i32 to index
      %get3A_386 = arith.constant 272 : index
      %get3A_387 = tpu.vector_load %arg6[%get3A_385, %get3A_386] {strides = array<i32>} : memref<50x512xi32, #tpu.memory_space<vmem>>, vector<16xi32>,
      %max3A_388 = arith.maxsi %max3A_384, %get3A_387 : vector<16xi32>
      %get3A_389 = arith.index_cast %add3A_281 : i32 to index
      %get3A_390 = arith.constant 288 : index
      %get3A_391 = tpu.vector_load %arg6[%get3A_389, %get3A_390] {strides = array<i32>} : memref<50x512xi32, #tpu.memory_space<vmem>>, vector<16xi32>,
      %max3A_392 = arith.maxsi %max3A_388, %get3A_391 : vector<16xi32>
      %get3A_393 = arith.index_cast %add3A_281 : i32 to index
      %get3A_394 = arith.constant 304 : index
      %get3A_395 = tpu.vector_load %arg6[%get3A_393, %get3A_394] {strides = array<i32>} : memref<50x512xi32, #tpu.memory_space<vmem>>, vector<16xi32>,
      %max3A_396 = arith.maxsi %max3A_392, %get3A_395 : vector<16xi32>
      %get3A_397 = arith.index_cast %add3A_281 : i32 to index
      %get3A_398 = arith.constant 320 : index
      %get3A_399 = tpu.vector_load %arg6[%get3A_397, %get3A_398] {strides = array<i32>} : memref<50x512xi32, #tpu.memory_space<vmem>>, vector<16xi32>,
      %max3A_400 = arith.maxsi %max3A_396, %get3A_399 : vector<16xi32>
      %get3A_401 = arith.index_cast %add3A_281 : i32 to index
      %get3A_402 = arith.constant 336 : index
      %get3A_403 = tpu.vector_load %arg6[%get3A_401, %get3A_402] {strides = array<i32>} : memref<50x512xi32, #tpu.memory_space<vmem>>, vector<16xi32>,
      %max3A_404 = arith.maxsi %max3A_400, %get3A_403 : vector<16xi32>
      %get3A_405 = arith.index_cast %add3A_281 : i32 to index
      %get3A_406 = arith.constant 352 : index
      %get3A_407 = tpu.vector_load %arg6[%get3A_405, %get3A_406] {strides = array<i32>} : memref<50x512xi32, #tpu.memory_space<vmem>>, vector<16xi32>,
      %max3A_408 = arith.maxsi %max3A_404, %get3A_407 : vector<16xi32>
      %get3A_409 = arith.index_cast %add3A_281 : i32 to index
      %get3A_410 = arith.constant 368 : index
      %get3A_411 = tpu.vector_load %arg6[%get3A_409, %get3A_410] {strides = array<i32>} : memref<50x512xi32, #tpu.memory_space<vmem>>, vector<16xi32>,
      %max3A_412 = arith.maxsi %max3A_408, %get3A_411 : vector<16xi32>
      %get3A_413 = arith.index_cast %add3A_281 : i32 to index
      %get3A_414 = arith.constant 384 : index
      %get3A_415 = tpu.vector_load %arg6[%get3A_413, %get3A_414] {strides = array<i32>} : memref<50x512xi32, #tpu.memory_space<vmem>>, vector<16xi32>,
      %max3A_416 = arith.maxsi %max3A_412, %get3A_415 : vector<16xi32>
      %get3A_417 = arith.index_cast %add3A_281 : i32 to index
      %get3A_418 = arith.constant 400 : index
      %get3A_419 = tpu.vector_load %arg6[%get3A_417, %get3A_418] {strides = array<i32>} : memref<50x512xi32, #tpu.memory_space<vmem>>, vector<16xi32>,
      %max3A_420 = arith.maxsi %max3A_416, %get3A_419 : vector<16xi32>
      %get3A_421 = arith.index_cast %add3A_281 : i32 to index
      %get3A_422 = arith.constant 416 : index
      %get3A_423 = tpu.vector_load %arg6[%get3A_421, %get3A_422] {strides = array<i32>} : memref<50x512xi32, #tpu.memory_space<vmem>>, vector<16xi32>,
      %max3A_424 = arith.maxsi %max3A_420, %get3A_423 : vector<16xi32>
      %get3A_425 = arith.index_cast %add3A_281 : i32 to index
      %get3A_426 = arith.constant 432 : index
      %get3A_427 = tpu.vector_load %arg6[%get3A_425, %get3A_426] {strides = array<i32>} : memref<50x512xi32, #tpu.memory_space<vmem>>, vector<16xi32>,
      %max3A_428 = arith.maxsi %max3A_424, %get3A_427 : vector<16xi32>
      %get3A_429 = arith.index_cast %add3A_281 : i32 to index
      %get3A_430 = arith.constant 448 : index
      %get3A_431 = tpu.vector_load %arg6[%get3A_429, %get3A_430] {strides = array<i32>} : memref<50x512xi32, #tpu.memory_space<vmem>>, vector<16xi32>,
      %max3A_432 = arith.maxsi %max3A_428, %get3A_431 : vector<16xi32>
      %get3A_433 = arith.index_cast %add3A_281 : i32 to index
      %get3A_434 = arith.constant 464 : index
      %get3A_435 = tpu.vector_load %arg6[%get3A_433, %get3A_434] {strides = array<i32>} : memref<50x512xi32, #tpu.memory_space<vmem>>, vector<16xi32>,
      %max3A_436 = arith.maxsi %max3A_432, %get3A_435 : vector<16xi32>
      %get3A_437 = arith.index_cast %add3A_281 : i32 to index
      %get3A_438 = arith.constant 480 : index
      %get3A_439 = tpu.vector_load %arg6[%get3A_437, %get3A_438] {strides = array<i32>} : memref<50x512xi32, #tpu.memory_space<vmem>>, vector<16xi32>,
      %max3A_440 = arith.maxsi %max3A_436, %get3A_439 : vector<16xi32>
      %get3A_441 = arith.index_cast %add3A_281 : i32 to index
      %get3A_442 = arith.constant 496 : index
      %get3A_443 = tpu.vector_load %arg6[%get3A_441, %get3A_442] {strides = array<i32>} : memref<50x512xi32, #tpu.memory_space<vmem>>, vector<16xi32>,
      %max3A_444 = arith.maxsi %max3A_440, %get3A_443 : vector<16xi32>
      %reduce_max3A_445 = arith.constant true
      %reduce_max3A_446 = vector.broadcast %reduce_max3A_445 : i1 to vector<16xi1>
      %reduce_max3A_447 = arith.constant -2147483648 : i32
      %reduce_max3A_448 = vector.broadcast %reduce_max3A_447 : i32 to vector<16xi32>
      %reduce_max3A_449 = arith.xori %max3A_444, %reduce_max3A_448 : vector<16xi32>
      %reduce_max3A_450 = tpu.scan <max>, %reduce_max3A_449 masked %reduce_max3A_446 : vector<16xi32>, vector<16xi1> -> vector<16xi32>
      %reduce_max3A_451 = arith.xori %reduce_max3A_450, %reduce_max3A_448 : vector<16xi32>
      %reduce_max3A_452 = vector.extract %reduce_max3A_451[15] : i32 from vector<16xi32>
      %ge3A_453 = arith.constant 400001 : i32
      %ge3A_454 = arith.cmpi sge, %reduce_max3A_452, %ge3A_453 : i32
      %convert_element_type3A_455 = arith.extui %ge3A_454 : i1 to i32
      %cond3A_456 = arith.constant 0 : i32
      %cond3A_457 = arith.cmpi ne, %convert_element_type3A_455, %cond3A_456 : i32
      scf.if %cond3A_457 {
        %scan3A_472 = arith.constant 0 : i32
        %scan3A_473 = arith.constant 0 : i32
        %scan3A_474 = arith.constant 32 : i32
        %scan3A_475 = arith.addi %scan3A_473, %scan3A_474 : i32
        %scan3A_476 = arith.constant 1 : i32
        scf.for %scan3A_478 = %scan3A_473 to %scan3A_475 step %scan3A_476  : i32 {
          %mul3A_479 = arith.constant 16 : i32
          %mul3A_480 = arith.muli %scan3A_478, %mul3A_479 : i32
          %get3A_481 = arith.index_cast %add3A_281 : i32 to index
          %get3A_482 = arith.index_cast %mul3A_480 : i32 to index
          %get3A_483 = tpu.vector_load %arg6[%get3A_481, %get3A_482] {strides = array<i32>} : memref<50x512xi32, #tpu.memory_space<vmem>>, vector<16xi32>,
          %reduce_max3A_484 = arith.constant true
          %reduce_max3A_485 = vector.broadcast %reduce_max3A_484 : i1 to vector<16xi1>
          %reduce_max3A_486 = arith.constant -2147483648 : i32
          %reduce_max3A_487 = vector.broadcast %reduce_max3A_486 : i32 to vector<16xi32>
          %reduce_max3A_488 = arith.xori %get3A_483, %reduce_max3A_487 : vector<16xi32>
          %reduce_max3A_489 = tpu.scan <max>, %reduce_max3A_488 masked %reduce_max3A_485 : vector<16xi32>, vector<16xi1> -> vector<16xi32>
          %reduce_max3A_490 = arith.xori %reduce_max3A_489, %reduce_max3A_487 : vector<16xi32>
          %reduce_max3A_491 = vector.extract %reduce_max3A_490[15] : i32 from vector<16xi32>
          %ge3A_492 = arith.constant 400001 : i32
          %ge3A_493 = arith.cmpi sge, %reduce_max3A_491, %ge3A_492 : i32
          %convert_element_type3A_494 = arith.extui %ge3A_493 : i1 to i32
          %cond3A_495 = arith.constant 0 : i32
          %cond3A_496 = arith.cmpi ne, %convert_element_type3A_494, %cond3A_495 : i32
          scf.if %cond3A_496 {
            %mul3A_497 = arith.constant 16 : i32
            %mul3A_498 = arith.muli %scan3A_478, %mul3A_497 : i32
            %add3A_499 = arith.constant 0 : i32
            %add3A_500 = arith.addi %mul3A_498, %add3A_499 : i32
            %slice3A = vector.extract_strided_slice %get3A_483 {offsets = [0], sizes = [1], strides = [1]} : vector<16xi32> to vector<1xi32>
            %squeeze3A = vector.extract %slice3A[0] : i32 from vector<1xi32>
            %eq3A = arith.constant 400001 : i32
            %eq3A_501 = arith.cmpi eq, %squeeze3A, %eq3A : i32
            %convert_element_type3A_502 = arith.extui %eq3A_501 : i1 to i32
            %cond3A_503 = arith.constant 0 : i32
            %cond3A_504 = arith.cmpi ne, %convert_element_type3A_502, %cond3A_503 : i32
            scf.if %cond3A_504 {
              %swap3A = arith.index_cast %add3A_500 : i32 to index
              %swap3A_750 = arith.constant 0 : index
              %swap3A_751 = tpu.vector_load %arg8[%swap3A, %swap3A_750] {strides = array<i32>} : memref<512x64xf32, #tpu.memory_space<vmem>>, vector<16xf32>,
              tpu.vector_store %arg8[%swap3A, %swap3A_750], %get3A_7 {strides = array<i32>} : memref<512x64xf32, #tpu.memory_space<vmem>>, vector<16xf32>,
              %swap3A_752 = arith.index_cast %add3A_500 : i32 to index
              %swap3A_753 = arith.constant 16 : index
              %swap3A_754 = tpu.vector_load %arg8[%swap3A_752, %swap3A_753] {strides = array<i32>} : memref<512x64xf32, #tpu.memory_space<vmem>>, vector<16xf32>,
              tpu.vector_store %arg8[%swap3A_752, %swap3A_753], %get3A_11 {strides = array<i32>} : memref<512x64xf32, #tpu.memory_space<vmem>>, vector<16xf32>,
              %swap3A_755 = arith.index_cast %add3A_500 : i32 to index
              %swap3A_756 = arith.constant 32 : index
              %swap3A_757 = tpu.vector_load %arg8[%swap3A_755, %swap3A_756] {strides = array<i32>} : memref<512x64xf32, #tpu.memory_space<vmem>>, vector<16xf32>,
              tpu.vector_store %arg8[%swap3A_755, %swap3A_756], %get3A_15 {strides = array<i32>} : memref<512x64xf32, #tpu.memory_space<vmem>>, vector<16xf32>,
              %swap3A_758 = arith.index_cast %add3A_500 : i32 to index
              %swap3A_759 = arith.constant 48 : index
              %swap3A_760 = tpu.vector_load %arg8[%swap3A_758, %swap3A_759] {strides = array<i32>} : memref<512x64xf32, #tpu.memory_space<vmem>>, vector<16xf32>,
              tpu.vector_store %arg8[%swap3A_758, %swap3A_759], %get3A_19 {strides = array<i32>} : memref<512x64xf32, #tpu.memory_space<vmem>>, vector<16xf32>,
            } else {
            }
            %eq3A_505 = arith.constant 400002 : i32
            %eq3A_506 = arith.cmpi eq, %squeeze3A, %eq3A_505 : i32
            %convert_element_type3A_507 = arith.extui %eq3A_506 : i1 to i32
            %cond3A_508 = arith.constant 0 : i32
            %cond3A_509 = arith.cmpi ne, %convert_element_type3A_507, %cond3A_508 : i32
            scf.if %cond3A_509 {
              %swap3A = arith.index_cast %add3A_500 : i32 to index
              %swap3A_750 = arith.constant 0 : index
              %swap3A_751 = tpu.vector_load %arg8[%swap3A, %swap3A_750] {strides = array<i32>} : memref<512x64xf32, #tpu.memory_space<vmem>>, vector<16xf32>,
              tpu.vector_store %arg8[%swap3A, %swap3A_750], %get3A_23 {strides = array<i32>} : memref<512x64xf32, #tpu.memory_space<vmem>>, vector<16xf32>,
              %swap3A_752 = arith.index_cast %add3A_500 : i32 to index
              %swap3A_753 = arith.constant 16 : index
              %swap3A_754 = tpu.vector_load %arg8[%swap3A_752, %swap3A_753] {strides = array<i32>} : memref<512x64xf32, #tpu.memory_space<vmem>>, vector<16xf32>,
              tpu.vector_store %arg8[%swap3A_752, %swap3A_753], %get3A_27 {strides = array<i32>} : memref<512x64xf32, #tpu.memory_space<vmem>>, vector<16xf32>,
              %swap3A_755 = arith.index_cast %add3A_500 : i32 to index
              %swap3A_756 = arith.constant 32 : index
              %swap3A_757 = tpu.vector_load %arg8[%swap3A_755, %swap3A_756] {strides = array<i32>} : memref<512x64xf32, #tpu.memory_space<vmem>>, vector<16xf32>,
              tpu.vector_store %arg8[%swap3A_755, %swap3A_756], %get3A_31 {strides = array<i32>} : memref<512x64xf32, #tpu.memory_space<vmem>>, vector<16xf32>,
              %swap3A_758 = arith.index_cast %add3A_500 : i32 to index
              %swap3A_759 = arith.constant 48 : index
              %swap3A_760 = tpu.vector_load %arg8[%swap3A_758, %swap3A_759] {strides = array<i32>} : memref<512x64xf32, #tpu.memory_space<vmem>>, vector<16xf32>,
              tpu.vector_store %arg8[%swap3A_758, %swap3A_759], %get3A_35 {strides = array<i32>} : memref<512x64xf32, #tpu.memory_space<vmem>>, vector<16xf32>,
            } else {
            }
            %mul3A_510 = arith.constant 16 : i32
            %mul3A_511 = arith.muli %scan3A_478, %mul3A_510 : i32
            %add3A_512 = arith.constant 1 : i32
            %add3A_513 = arith.addi %mul3A_511, %add3A_512 : i32
            %slice3A_514 = vector.extract_strided_slice %get3A_483 {offsets = [1], sizes = [1], strides = [1]} : vector<16xi32> to vector<1xi32>
            %squeeze3A_515 = vector.extract %slice3A_514[0] : i32 from vector<1xi32>
            %eq3A_516 = arith.constant 400001 : i32
            %eq3A_517 = arith.cmpi eq, %squeeze3A_515, %eq3A_516 : i32
            %convert_element_type3A_518 = arith.extui %eq3A_517 : i1 to i32
            %cond3A_519 = arith.constant 0 : i32
            %cond3A_520 = arith.cmpi ne, %convert_element_type3A_518, %cond3A_519 : i32
            scf.if %cond3A_520 {
              %swap3A = arith.index_cast %add3A_513 : i32 to index
              %swap3A_750 = arith.constant 0 : index
              %swap3A_751 = tpu.vector_load %arg8[%swap3A, %swap3A_750] {strides = array<i32>} : memref<512x64xf32, #tpu.memory_space<vmem>>, vector<16xf32>,
              tpu.vector_store %arg8[%swap3A, %swap3A_750], %get3A_7 {strides = array<i32>} : memref<512x64xf32, #tpu.memory_space<vmem>>, vector<16xf32>,
              %swap3A_752 = arith.index_cast %add3A_513 : i32 to index
              %swap3A_753 = arith.constant 16 : index
              %swap3A_754 = tpu.vector_load %arg8[%swap3A_752, %swap3A_753] {strides = array<i32>} : memref<512x64xf32, #tpu.memory_space<vmem>>, vector<16xf32>,
              tpu.vector_store %arg8[%swap3A_752, %swap3A_753], %get3A_11 {strides = array<i32>} : memref<512x64xf32, #tpu.memory_space<vmem>>, vector<16xf32>,
              %swap3A_755 = arith.index_cast %add3A_513 : i32 to index
              %swap3A_756 = arith.constant 32 : index
              %swap3A_757 = tpu.vector_load %arg8[%swap3A_755, %swap3A_756] {strides = array<i32>} : memref<512x64xf32, #tpu.memory_space<vmem>>, vector<16xf32>,
              tpu.vector_store %arg8[%swap3A_755, %swap3A_756], %get3A_15 {strides = array<i32>} : memref<512x64xf32, #tpu.memory_space<vmem>>, vector<16xf32>,
              %swap3A_758 = arith.index_cast %add3A_513 : i32 to index
              %swap3A_759 = arith.constant 48 : index
              %swap3A_760 = tpu.vector_load %arg8[%swap3A_758, %swap3A_759] {strides = array<i32>} : memref<512x64xf32, #tpu.memory_space<vmem>>, vector<16xf32>,
              tpu.vector_store %arg8[%swap3A_758, %swap3A_759], %get3A_19 {strides = array<i32>} : memref<512x64xf32, #tpu.memory_space<vmem>>, vector<16xf32>,
            } else {
            }
            %eq3A_521 = arith.constant 400002 : i32
            %eq3A_522 = arith.cmpi eq, %squeeze3A_515, %eq3A_521 : i32
            %convert_element_type3A_523 = arith.extui %eq3A_522 : i1 to i32
            %cond3A_524 = arith.constant 0 : i32
            %cond3A_525 = arith.cmpi ne, %convert_element_type3A_523, %cond3A_524 : i32
            scf.if %cond3A_525 {
              %swap3A = arith.index_cast %add3A_513 : i32 to index
              %swap3A_750 = arith.constant 0 : index
              %swap3A_751 = tpu.vector_load %arg8[%swap3A, %swap3A_750] {strides = array<i32>} : memref<512x64xf32, #tpu.memory_space<vmem>>, vector<16xf32>,
              tpu.vector_store %arg8[%swap3A, %swap3A_750], %get3A_23 {strides = array<i32>} : memref<512x64xf32, #tpu.memory_space<vmem>>, vector<16xf32>,
              %swap3A_752 = arith.index_cast %add3A_513 : i32 to index
              %swap3A_753 = arith.constant 16 : index
              %swap3A_754 = tpu.vector_load %arg8[%swap3A_752, %swap3A_753] {strides = array<i32>} : memref<512x64xf32, #tpu.memory_space<vmem>>, vector<16xf32>,
              tpu.vector_store %arg8[%swap3A_752, %swap3A_753], %get3A_27 {strides = array<i32>} : memref<512x64xf32, #tpu.memory_space<vmem>>, vector<16xf32>,
              %swap3A_755 = arith.index_cast %add3A_513 : i32 to index
              %swap3A_756 = arith.constant 32 : index
              %swap3A_757 = tpu.vector_load %arg8[%swap3A_755, %swap3A_756] {strides = array<i32>} : memref<512x64xf32, #tpu.memory_space<vmem>>, vector<16xf32>,
              tpu.vector_store %arg8[%swap3A_755, %swap3A_756], %get3A_31 {strides = array<i32>} : memref<512x64xf32, #tpu.memory_space<vmem>>, vector<16xf32>,
              %swap3A_758 = arith.index_cast %add3A_513 : i32 to index
              %swap3A_759 = arith.constant 48 : index
              %swap3A_760 = tpu.vector_load %arg8[%swap3A_758, %swap3A_759] {strides = array<i32>} : memref<512x64xf32, #tpu.memory_space<vmem>>, vector<16xf32>,
              tpu.vector_store %arg8[%swap3A_758, %swap3A_759], %get3A_35 {strides = array<i32>} : memref<512x64xf32, #tpu.memory_space<vmem>>, vector<16xf32>,
            } else {
            }
            %mul3A_526 = arith.constant 16 : i32
            %mul3A_527 = arith.muli %scan3A_478, %mul3A_526 : i32
            %add3A_528 = arith.constant 2 : i32
            %add3A_529 = arith.addi %mul3A_527, %add3A_528 : i32
            %slice3A_530 = vector.extract_strided_slice %get3A_483 {offsets = [2], sizes = [1], strides = [1]} : vector<16xi32> to vector<1xi32>
            %squeeze3A_531 = vector.extract %slice3A_530[0] : i32 from vector<1xi32>
            %eq3A_532 = arith.constant 400001 : i32
            %eq3A_533 = arith.cmpi eq, %squeeze3A_531, %eq3A_532 : i32
            %convert_element_type3A_534 = arith.extui %eq3A_533 : i1 to i32
            %cond3A_535 = arith.constant 0 : i32
            %cond3A_536 = arith.cmpi ne, %convert_element_type3A_534, %cond3A_535 : i32
            scf.if %cond3A_536 {
              %swap3A = arith.index_cast %add3A_529 : i32 to index
              %swap3A_750 = arith.constant 0 : index
              %swap3A_751 = tpu.vector_load %arg8[%swap3A, %swap3A_750] {strides = array<i32>} : memref<512x64xf32, #tpu.memory_space<vmem>>, vector<16xf32>,
              tpu.vector_store %arg8[%swap3A, %swap3A_750], %get3A_7 {strides = array<i32>} : memref<512x64xf32, #tpu.memory_space<vmem>>, vector<16xf32>,
              %swap3A_752 = arith.index_cast %add3A_529 : i32 to index
              %swap3A_753 = arith.constant 16 : index
              %swap3A_754 = tpu.vector_load %arg8[%swap3A_752, %swap3A_753] {strides = array<i32>} : memref<512x64xf32, #tpu.memory_space<vmem>>, vector<16xf32>,
              tpu.vector_store %arg8[%swap3A_752, %swap3A_753], %get3A_11 {strides = array<i32>} : memref<512x64xf32, #tpu.memory_space<vmem>>, vector<16xf32>,
              %swap3A_755 = arith.index_cast %add3A_529 : i32 to index
              %swap3A_756 = arith.constant 32 : index
              %swap3A_757 = tpu.vector_load %arg8[%swap3A_755, %swap3A_756] {strides = array<i32>} : memref<512x64xf32, #tpu.memory_space<vmem>>, vector<16xf32>,
              tpu.vector_store %arg8[%swap3A_755, %swap3A_756], %get3A_15 {strides = array<i32>} : memref<512x64xf32, #tpu.memory_space<vmem>>, vector<16xf32>,
              %swap3A_758 = arith.index_cast %add3A_529 : i32 to index
              %swap3A_759 = arith.constant 48 : index
              %swap3A_760 = tpu.vector_load %arg8[%swap3A_758, %swap3A_759] {strides = array<i32>} : memref<512x64xf32, #tpu.memory_space<vmem>>, vector<16xf32>,
              tpu.vector_store %arg8[%swap3A_758, %swap3A_759], %get3A_19 {strides = array<i32>} : memref<512x64xf32, #tpu.memory_space<vmem>>, vector<16xf32>,
            } else {
            }
            %eq3A_537 = arith.constant 400002 : i32
            %eq3A_538 = arith.cmpi eq, %squeeze3A_531, %eq3A_537 : i32
            %convert_element_type3A_539 = arith.extui %eq3A_538 : i1 to i32
            %cond3A_540 = arith.constant 0 : i32
            %cond3A_541 = arith.cmpi ne, %convert_element_type3A_539, %cond3A_540 : i32
            scf.if %cond3A_541 {
              %swap3A = arith.index_cast %add3A_529 : i32 to index
              %swap3A_750 = arith.constant 0 : index
              %swap3A_751 = tpu.vector_load %arg8[%swap3A, %swap3A_750] {strides = array<i32>} : memref<512x64xf32, #tpu.memory_space<vmem>>, vector<16xf32>,
              tpu.vector_store %arg8[%swap3A, %swap3A_750], %get3A_23 {strides = array<i32>} : memref<512x64xf32, #tpu.memory_space<vmem>>, vector<16xf32>,
              %swap3A_752 = arith.index_cast %add3A_529 : i32 to index
              %swap3A_753 = arith.constant 16 : index
              %swap3A_754 = tpu.vector_load %arg8[%swap3A_752, %swap3A_753] {strides = array<i32>} : memref<512x64xf32, #tpu.memory_space<vmem>>, vector<16xf32>,
              tpu.vector_store %arg8[%swap3A_752, %swap3A_753], %get3A_27 {strides = array<i32>} : memref<512x64xf32, #tpu.memory_space<vmem>>, vector<16xf32>,
              %swap3A_755 = arith.index_cast %add3A_529 : i32 to index
              %swap3A_756 = arith.constant 32 : index
              %swap3A_757 = tpu.vector_load %arg8[%swap3A_755, %swap3A_756] {strides = array<i32>} : memref<512x64xf32, #tpu.memory_space<vmem>>, vector<16xf32>,
              tpu.vector_store %arg8[%swap3A_755, %swap3A_756], %get3A_31 {strides = array<i32>} : memref<512x64xf32, #tpu.memory_space<vmem>>, vector<16xf32>,
              %swap3A_758 = arith.index_cast %add3A_529 : i32 to index
              %swap3A_759 = arith.constant 48 : index
              %swap3A_760 = tpu.vector_load %arg8[%swap3A_758, %swap3A_759] {strides = array<i32>} : memref<512x64xf32, #tpu.memory_space<vmem>>, vector<16xf32>,
              tpu.vector_store %arg8[%swap3A_758, %swap3A_759], %get3A_35 {strides = array<i32>} : memref<512x64xf32, #tpu.memory_space<vmem>>, vector<16xf32>,
            } else {
            }
            %mul3A_542 = arith.constant 16 : i32
            %mul3A_543 = arith.muli %scan3A_478, %mul3A_542 : i32
            %add3A_544 = arith.constant 3 : i32
            %add3A_545 = arith.addi %mul3A_543, %add3A_544 : i32
            %slice3A_546 = vector.extract_strided_slice %get3A_483 {offsets = [3], sizes = [1], strides = [1]} : vector<16xi32> to vector<1xi32>
            %squeeze3A_547 = vector.extract %slice3A_546[0] : i32 from vector<1xi32>
            %eq3A_548 = arith.constant 400001 : i32
            %eq3A_549 = arith.cmpi eq, %squeeze3A_547, %eq3A_548 : i32
            %convert_element_type3A_550 = arith.extui %eq3A_549 : i1 to i32
            %cond3A_551 = arith.constant 0 : i32
            %cond3A_552 = arith.cmpi ne, %convert_element_type3A_550, %cond3A_551 : i32
            scf.if %cond3A_552 {
              %swap3A = arith.index_cast %add3A_545 : i32 to index
              %swap3A_750 = arith.constant 0 : index
              %swap3A_751 = tpu.vector_load %arg8[%swap3A, %swap3A_750] {strides = array<i32>} : memref<512x64xf32, #tpu.memory_space<vmem>>, vector<16xf32>,
              tpu.vector_store %arg8[%swap3A, %swap3A_750], %get3A_7 {strides = array<i32>} : memref<512x64xf32, #tpu.memory_space<vmem>>, vector<16xf32>,
              %swap3A_752 = arith.index_cast %add3A_545 : i32 to index
              %swap3A_753 = arith.constant 16 : index
              %swap3A_754 = tpu.vector_load %arg8[%swap3A_752, %swap3A_753] {strides = array<i32>} : memref<512x64xf32, #tpu.memory_space<vmem>>, vector<16xf32>,
              tpu.vector_store %arg8[%swap3A_752, %swap3A_753], %get3A_11 {strides = array<i32>} : memref<512x64xf32, #tpu.memory_space<vmem>>, vector<16xf32>,
              %swap3A_755 = arith.index_cast %add3A_545 : i32 to index
              %swap3A_756 = arith.constant 32 : index
              %swap3A_757 = tpu.vector_load %arg8[%swap3A_755, %swap3A_756] {strides = array<i32>} : memref<512x64xf32, #tpu.memory_space<vmem>>, vector<16xf32>,
              tpu.vector_store %arg8[%swap3A_755, %swap3A_756], %get3A_15 {strides = array<i32>} : memref<512x64xf32, #tpu.memory_space<vmem>>, vector<16xf32>,
              %swap3A_758 = arith.index_cast %add3A_545 : i32 to index
              %swap3A_759 = arith.constant 48 : index
              %swap3A_760 = tpu.vector_load %arg8[%swap3A_758, %swap3A_759] {strides = array<i32>} : memref<512x64xf32, #tpu.memory_space<vmem>>, vector<16xf32>,
              tpu.vector_store %arg8[%swap3A_758, %swap3A_759], %get3A_19 {strides = array<i32>} : memref<512x64xf32, #tpu.memory_space<vmem>>, vector<16xf32>,
            } else {
            }
            %eq3A_553 = arith.constant 400002 : i32
            %eq3A_554 = arith.cmpi eq, %squeeze3A_547, %eq3A_553 : i32
            %convert_element_type3A_555 = arith.extui %eq3A_554 : i1 to i32
            %cond3A_556 = arith.constant 0 : i32
            %cond3A_557 = arith.cmpi ne, %convert_element_type3A_555, %cond3A_556 : i32
            scf.if %cond3A_557 {
              %swap3A = arith.index_cast %add3A_545 : i32 to index
              %swap3A_750 = arith.constant 0 : index
              %swap3A_751 = tpu.vector_load %arg8[%swap3A, %swap3A_750] {strides = array<i32>} : memref<512x64xf32, #tpu.memory_space<vmem>>, vector<16xf32>,
              tpu.vector_store %arg8[%swap3A, %swap3A_750], %get3A_23 {strides = array<i32>} : memref<512x64xf32, #tpu.memory_space<vmem>>, vector<16xf32>,
              %swap3A_752 = arith.index_cast %add3A_545 : i32 to index
              %swap3A_753 = arith.constant 16 : index
              %swap3A_754 = tpu.vector_load %arg8[%swap3A_752, %swap3A_753] {strides = array<i32>} : memref<512x64xf32, #tpu.memory_space<vmem>>, vector<16xf32>,
              tpu.vector_store %arg8[%swap3A_752, %swap3A_753], %get3A_27 {strides = array<i32>} : memref<512x64xf32, #tpu.memory_space<vmem>>, vector<16xf32>,
              %swap3A_755 = arith.index_cast %add3A_545 : i32 to index
              %swap3A_756 = arith.constant 32 : index
              %swap3A_757 = tpu.vector_load %arg8[%swap3A_755, %swap3A_756] {strides = array<i32>} : memref<512x64xf32, #tpu.memory_space<vmem>>, vector<16xf32>,
              tpu.vector_store %arg8[%swap3A_755, %swap3A_756], %get3A_31 {strides = array<i32>} : memref<512x64xf32, #tpu.memory_space<vmem>>, vector<16xf32>,
              %swap3A_758 = arith.index_cast %add3A_545 : i32 to index
              %swap3A_759 = arith.constant 48 : index
              %swap3A_760 = tpu.vector_load %arg8[%swap3A_758, %swap3A_759] {strides = array<i32>} : memref<512x64xf32, #tpu.memory_space<vmem>>, vector<16xf32>,
              tpu.vector_store %arg8[%swap3A_758, %swap3A_759], %get3A_35 {strides = array<i32>} : memref<512x64xf32, #tpu.memory_space<vmem>>, vector<16xf32>,
            } else {
            }
            %mul3A_558 = arith.constant 16 : i32
            %mul3A_559 = arith.muli %scan3A_478, %mul3A_558 : i32
            %add3A_560 = arith.constant 4 : i32
            %add3A_561 = arith.addi %mul3A_559, %add3A_560 : i32
            %slice3A_562 = vector.extract_strided_slice %get3A_483 {offsets = [4], sizes = [1], strides = [1]} : vector<16xi32> to vector<1xi32>
            %squeeze3A_563 = vector.extract %slice3A_562[0] : i32 from vector<1xi32>
            %eq3A_564 = arith.constant 400001 : i32
            %eq3A_565 = arith.cmpi eq, %squeeze3A_563, %eq3A_564 : i32
            %convert_element_type3A_566 = arith.extui %eq3A_565 : i1 to i32
            %cond3A_567 = arith.constant 0 : i32
            %cond3A_568 = arith.cmpi ne, %convert_element_type3A_566, %cond3A_567 : i32
            scf.if %cond3A_568 {
              %swap3A = arith.index_cast %add3A_561 : i32 to index
              %swap3A_750 = arith.constant 0 : index
              %swap3A_751 = tpu.vector_load %arg8[%swap3A, %swap3A_750] {strides = array<i32>} : memref<512x64xf32, #tpu.memory_space<vmem>>, vector<16xf32>,
              tpu.vector_store %arg8[%swap3A, %swap3A_750], %get3A_7 {strides = array<i32>} : memref<512x64xf32, #tpu.memory_space<vmem>>, vector<16xf32>,
              %swap3A_752 = arith.index_cast %add3A_561 : i32 to index
              %swap3A_753 = arith.constant 16 : index
              %swap3A_754 = tpu.vector_load %arg8[%swap3A_752, %swap3A_753] {strides = array<i32>} : memref<512x64xf32, #tpu.memory_space<vmem>>, vector<16xf32>,
              tpu.vector_store %arg8[%swap3A_752, %swap3A_753], %get3A_11 {strides = array<i32>} : memref<512x64xf32, #tpu.memory_space<vmem>>, vector<16xf32>,
              %swap3A_755 = arith.index_cast %add3A_561 : i32 to index
              %swap3A_756 = arith.constant 32 : index
              %swap3A_757 = tpu.vector_load %arg8[%swap3A_755, %swap3A_756] {strides = array<i32>} : memref<512x64xf32, #tpu.memory_space<vmem>>, vector<16xf32>,
              tpu.vector_store %arg8[%swap3A_755, %swap3A_756], %get3A_15 {strides = array<i32>} : memref<512x64xf32, #tpu.memory_space<vmem>>, vector<16xf32>,
              %swap3A_758 = arith.index_cast %add3A_561 : i32 to index
              %swap3A_759 = arith.constant 48 : index
              %swap3A_760 = tpu.vector_load %arg8[%swap3A_758, %swap3A_759] {strides = array<i32>} : memref<512x64xf32, #tpu.memory_space<vmem>>, vector<16xf32>,
              tpu.vector_store %arg8[%swap3A_758, %swap3A_759], %get3A_19 {strides = array<i32>} : memref<512x64xf32, #tpu.memory_space<vmem>>, vector<16xf32>,
            } else {
            }
            %eq3A_569 = arith.constant 400002 : i32
            %eq3A_570 = arith.cmpi eq, %squeeze3A_563, %eq3A_569 : i32
            %convert_element_type3A_571 = arith.extui %eq3A_570 : i1 to i32
            %cond3A_572 = arith.constant 0 : i32
            %cond3A_573 = arith.cmpi ne, %convert_element_type3A_571, %cond3A_572 : i32
            scf.if %cond3A_573 {
              %swap3A = arith.index_cast %add3A_561 : i32 to index
              %swap3A_750 = arith.constant 0 : index
              %swap3A_751 = tpu.vector_load %arg8[%swap3A, %swap3A_750] {strides = array<i32>} : memref<512x64xf32, #tpu.memory_space<vmem>>, vector<16xf32>,
              tpu.vector_store %arg8[%swap3A, %swap3A_750], %get3A_23 {strides = array<i32>} : memref<512x64xf32, #tpu.memory_space<vmem>>, vector<16xf32>,
              %swap3A_752 = arith.index_cast %add3A_561 : i32 to index
              %swap3A_753 = arith.constant 16 : index
              %swap3A_754 = tpu.vector_load %arg8[%swap3A_752, %swap3A_753] {strides = array<i32>} : memref<512x64xf32, #tpu.memory_space<vmem>>, vector<16xf32>,
              tpu.vector_store %arg8[%swap3A_752, %swap3A_753], %get3A_27 {strides = array<i32>} : memref<512x64xf32, #tpu.memory_space<vmem>>, vector<16xf32>,
              %swap3A_755 = arith.index_cast %add3A_561 : i32 to index
              %swap3A_756 = arith.constant 32 : index
              %swap3A_757 = tpu.vector_load %arg8[%swap3A_755, %swap3A_756] {strides = array<i32>} : memref<512x64xf32, #tpu.memory_space<vmem>>, vector<16xf32>,
              tpu.vector_store %arg8[%swap3A_755, %swap3A_756], %get3A_31 {strides = array<i32>} : memref<512x64xf32, #tpu.memory_space<vmem>>, vector<16xf32>,
              %swap3A_758 = arith.index_cast %add3A_561 : i32 to index
              %swap3A_759 = arith.constant 48 : index
              %swap3A_760 = tpu.vector_load %arg8[%swap3A_758, %swap3A_759] {strides = array<i32>} : memref<512x64xf32, #tpu.memory_space<vmem>>, vector<16xf32>,
              tpu.vector_store %arg8[%swap3A_758, %swap3A_759], %get3A_35 {strides = array<i32>} : memref<512x64xf32, #tpu.memory_space<vmem>>, vector<16xf32>,
            } else {
            }
            %mul3A_574 = arith.constant 16 : i32
            %mul3A_575 = arith.muli %scan3A_478, %mul3A_574 : i32
            %add3A_576 = arith.constant 5 : i32
            %add3A_577 = arith.addi %mul3A_575, %add3A_576 : i32
            %slice3A_578 = vector.extract_strided_slice %get3A_483 {offsets = [5], sizes = [1], strides = [1]} : vector<16xi32> to vector<1xi32>
            %squeeze3A_579 = vector.extract %slice3A_578[0] : i32 from vector<1xi32>
            %eq3A_580 = arith.constant 400001 : i32
            %eq3A_581 = arith.cmpi eq, %squeeze3A_579, %eq3A_580 : i32
            %convert_element_type3A_582 = arith.extui %eq3A_581 : i1 to i32
            %cond3A_583 = arith.constant 0 : i32
            %cond3A_584 = arith.cmpi ne, %convert_element_type3A_582, %cond3A_583 : i32
            scf.if %cond3A_584 {
              %swap3A = arith.index_cast %add3A_577 : i32 to index
              %swap3A_750 = arith.constant 0 : index
              %swap3A_751 = tpu.vector_load %arg8[%swap3A, %swap3A_750] {strides = array<i32>} : memref<512x64xf32, #tpu.memory_space<vmem>>, vector<16xf32>,
              tpu.vector_store %arg8[%swap3A, %swap3A_750], %get3A_7 {strides = array<i32>} : memref<512x64xf32, #tpu.memory_space<vmem>>, vector<16xf32>,
              %swap3A_752 = arith.index_cast %add3A_577 : i32 to index
              %swap3A_753 = arith.constant 16 : index
              %swap3A_754 = tpu.vector_load %arg8[%swap3A_752, %swap3A_753] {strides = array<i32>} : memref<512x64xf32, #tpu.memory_space<vmem>>, vector<16xf32>,
              tpu.vector_store %arg8[%swap3A_752, %swap3A_753], %get3A_11 {strides = array<i32>} : memref<512x64xf32, #tpu.memory_space<vmem>>, vector<16xf32>,
              %swap3A_755 = arith.index_cast %add3A_577 : i32 to index
              %swap3A_756 = arith.constant 32 : index
              %swap3A_757 = tpu.vector_load %arg8[%swap3A_755, %swap3A_756] {strides = array<i32>} : memref<512x64xf32, #tpu.memory_space<vmem>>, vector<16xf32>,
              tpu.vector_store %arg8[%swap3A_755, %swap3A_756], %get3A_15 {strides = array<i32>} : memref<512x64xf32, #tpu.memory_space<vmem>>, vector<16xf32>,
              %swap3A_758 = arith.index_cast %add3A_577 : i32 to index
              %swap3A_759 = arith.constant 48 : index
              %swap3A_760 = tpu.vector_load %arg8[%swap3A_758, %swap3A_759] {strides = array<i32>} : memref<512x64xf32, #tpu.memory_space<vmem>>, vector<16xf32>,
              tpu.vector_store %arg8[%swap3A_758, %swap3A_759], %get3A_19 {strides = array<i32>} : memref<512x64xf32, #tpu.memory_space<vmem>>, vector<16xf32>,
            } else {
            }
            %eq3A_585 = arith.constant 400002 : i32
            %eq3A_586 = arith.cmpi eq, %squeeze3A_579, %eq3A_585 : i32
            %convert_element_type3A_587 = arith.extui %eq3A_586 : i1 to i32
            %cond3A_588 = arith.constant 0 : i32
            %cond3A_589 = arith.cmpi ne, %convert_element_type3A_587, %cond3A_588 : i32
            scf.if %cond3A_589 {
              %swap3A = arith.index_cast %add3A_577 : i32 to index
              %swap3A_750 = arith.constant 0 : index
              %swap3A_751 = tpu.vector_load %arg8[%swap3A, %swap3A_750] {strides = array<i32>} : memref<512x64xf32, #tpu.memory_space<vmem>>, vector<16xf32>,
              tpu.vector_store %arg8[%swap3A, %swap3A_750], %get3A_23 {strides = array<i32>} : memref<512x64xf32, #tpu.memory_space<vmem>>, vector<16xf32>,
              %swap3A_752 = arith.index_cast %add3A_577 : i32 to index
              %swap3A_753 = arith.constant 16 : index
              %swap3A_754 = tpu.vector_load %arg8[%swap3A_752, %swap3A_753] {strides = array<i32>} : memref<512x64xf32, #tpu.memory_space<vmem>>, vector<16xf32>,
              tpu.vector_store %arg8[%swap3A_752, %swap3A_753], %get3A_27 {strides = array<i32>} : memref<512x64xf32, #tpu.memory_space<vmem>>, vector<16xf32>,
              %swap3A_755 = arith.index_cast %add3A_577 : i32 to index
              %swap3A_756 = arith.constant 32 : index
              %swap3A_757 = tpu.vector_load %arg8[%swap3A_755, %swap3A_756] {strides = array<i32>} : memref<512x64xf32, #tpu.memory_space<vmem>>, vector<16xf32>,
              tpu.vector_store %arg8[%swap3A_755, %swap3A_756], %get3A_31 {strides = array<i32>} : memref<512x64xf32, #tpu.memory_space<vmem>>, vector<16xf32>,
              %swap3A_758 = arith.index_cast %add3A_577 : i32 to index
              %swap3A_759 = arith.constant 48 : index
              %swap3A_760 = tpu.vector_load %arg8[%swap3A_758, %swap3A_759] {strides = array<i32>} : memref<512x64xf32, #tpu.memory_space<vmem>>, vector<16xf32>,
              tpu.vector_store %arg8[%swap3A_758, %swap3A_759], %get3A_35 {strides = array<i32>} : memref<512x64xf32, #tpu.memory_space<vmem>>, vector<16xf32>,
            } else {
            }
            %mul3A_590 = arith.constant 16 : i32
            %mul3A_591 = arith.muli %scan3A_478, %mul3A_590 : i32
            %add3A_592 = arith.constant 6 : i32
            %add3A_593 = arith.addi %mul3A_591, %add3A_592 : i32
            %slice3A_594 = vector.extract_strided_slice %get3A_483 {offsets = [6], sizes = [1], strides = [1]} : vector<16xi32> to vector<1xi32>
            %squeeze3A_595 = vector.extract %slice3A_594[0] : i32 from vector<1xi32>
            %eq3A_596 = arith.constant 400001 : i32
            %eq3A_597 = arith.cmpi eq, %squeeze3A_595, %eq3A_596 : i32
            %convert_element_type3A_598 = arith.extui %eq3A_597 : i1 to i32
            %cond3A_599 = arith.constant 0 : i32
            %cond3A_600 = arith.cmpi ne, %convert_element_type3A_598, %cond3A_599 : i32
            scf.if %cond3A_600 {
              %swap3A = arith.index_cast %add3A_593 : i32 to index
              %swap3A_750 = arith.constant 0 : index
              %swap3A_751 = tpu.vector_load %arg8[%swap3A, %swap3A_750] {strides = array<i32>} : memref<512x64xf32, #tpu.memory_space<vmem>>, vector<16xf32>,
              tpu.vector_store %arg8[%swap3A, %swap3A_750], %get3A_7 {strides = array<i32>} : memref<512x64xf32, #tpu.memory_space<vmem>>, vector<16xf32>,
              %swap3A_752 = arith.index_cast %add3A_593 : i32 to index
              %swap3A_753 = arith.constant 16 : index
              %swap3A_754 = tpu.vector_load %arg8[%swap3A_752, %swap3A_753] {strides = array<i32>} : memref<512x64xf32, #tpu.memory_space<vmem>>, vector<16xf32>,
              tpu.vector_store %arg8[%swap3A_752, %swap3A_753], %get3A_11 {strides = array<i32>} : memref<512x64xf32, #tpu.memory_space<vmem>>, vector<16xf32>,
              %swap3A_755 = arith.index_cast %add3A_593 : i32 to index
              %swap3A_756 = arith.constant 32 : index
              %swap3A_757 = tpu.vector_load %arg8[%swap3A_755, %swap3A_756] {strides = array<i32>} : memref<512x64xf32, #tpu.memory_space<vmem>>, vector<16xf32>,
              tpu.vector_store %arg8[%swap3A_755, %swap3A_756], %get3A_15 {strides = array<i32>} : memref<512x64xf32, #tpu.memory_space<vmem>>, vector<16xf32>,
              %swap3A_758 = arith.index_cast %add3A_593 : i32 to index
              %swap3A_759 = arith.constant 48 : index
              %swap3A_760 = tpu.vector_load %arg8[%swap3A_758, %swap3A_759] {strides = array<i32>} : memref<512x64xf32, #tpu.memory_space<vmem>>, vector<16xf32>,
              tpu.vector_store %arg8[%swap3A_758, %swap3A_759], %get3A_19 {strides = array<i32>} : memref<512x64xf32, #tpu.memory_space<vmem>>, vector<16xf32>,
            } else {
            }
            %eq3A_601 = arith.constant 400002 : i32
            %eq3A_602 = arith.cmpi eq, %squeeze3A_595, %eq3A_601 : i32
            %convert_element_type3A_603 = arith.extui %eq3A_602 : i1 to i32
            %cond3A_604 = arith.constant 0 : i32
            %cond3A_605 = arith.cmpi ne, %convert_element_type3A_603, %cond3A_604 : i32
            scf.if %cond3A_605 {
              %swap3A = arith.index_cast %add3A_593 : i32 to index
              %swap3A_750 = arith.constant 0 : index
              %swap3A_751 = tpu.vector_load %arg8[%swap3A, %swap3A_750] {strides = array<i32>} : memref<512x64xf32, #tpu.memory_space<vmem>>, vector<16xf32>,
              tpu.vector_store %arg8[%swap3A, %swap3A_750], %get3A_23 {strides = array<i32>} : memref<512x64xf32, #tpu.memory_space<vmem>>, vector<16xf32>,
              %swap3A_752 = arith.index_cast %add3A_593 : i32 to index
              %swap3A_753 = arith.constant 16 : index
              %swap3A_754 = tpu.vector_load %arg8[%swap3A_752, %swap3A_753] {strides = array<i32>} : memref<512x64xf32, #tpu.memory_space<vmem>>, vector<16xf32>,
              tpu.vector_store %arg8[%swap3A_752, %swap3A_753], %get3A_27 {strides = array<i32>} : memref<512x64xf32, #tpu.memory_space<vmem>>, vector<16xf32>,
              %swap3A_755 = arith.index_cast %add3A_593 : i32 to index
              %swap3A_756 = arith.constant 32 : index
              %swap3A_757 = tpu.vector_load %arg8[%swap3A_755, %swap3A_756] {strides = array<i32>} : memref<512x64xf32, #tpu.memory_space<vmem>>, vector<16xf32>,
              tpu.vector_store %arg8[%swap3A_755, %swap3A_756], %get3A_31 {strides = array<i32>} : memref<512x64xf32, #tpu.memory_space<vmem>>, vector<16xf32>,
              %swap3A_758 = arith.index_cast %add3A_593 : i32 to index
              %swap3A_759 = arith.constant 48 : index
              %swap3A_760 = tpu.vector_load %arg8[%swap3A_758, %swap3A_759] {strides = array<i32>} : memref<512x64xf32, #tpu.memory_space<vmem>>, vector<16xf32>,
              tpu.vector_store %arg8[%swap3A_758, %swap3A_759], %get3A_35 {strides = array<i32>} : memref<512x64xf32, #tpu.memory_space<vmem>>, vector<16xf32>,
            } else {
            }
            %mul3A_606 = arith.constant 16 : i32
            %mul3A_607 = arith.muli %scan3A_478, %mul3A_606 : i32
            %add3A_608 = arith.constant 7 : i32
            %add3A_609 = arith.addi %mul3A_607, %add3A_608 : i32
            %slice3A_610 = vector.extract_strided_slice %get3A_483 {offsets = [7], sizes = [1], strides = [1]} : vector<16xi32> to vector<1xi32>
            %squeeze3A_611 = vector.extract %slice3A_610[0] : i32 from vector<1xi32>
            %eq3A_612 = arith.constant 400001 : i32
            %eq3A_613 = arith.cmpi eq, %squeeze3A_611, %eq3A_612 : i32
            %convert_element_type3A_614 = arith.extui %eq3A_613 : i1 to i32
            %cond3A_615 = arith.constant 0 : i32
            %cond3A_616 = arith.cmpi ne, %convert_element_type3A_614, %cond3A_615 : i32
            scf.if %cond3A_616 {
              %swap3A = arith.index_cast %add3A_609 : i32 to index
              %swap3A_750 = arith.constant 0 : index
              %swap3A_751 = tpu.vector_load %arg8[%swap3A, %swap3A_750] {strides = array<i32>} : memref<512x64xf32, #tpu.memory_space<vmem>>, vector<16xf32>,
              tpu.vector_store %arg8[%swap3A, %swap3A_750], %get3A_7 {strides = array<i32>} : memref<512x64xf32, #tpu.memory_space<vmem>>, vector<16xf32>,
              %swap3A_752 = arith.index_cast %add3A_609 : i32 to index
              %swap3A_753 = arith.constant 16 : index
              %swap3A_754 = tpu.vector_load %arg8[%swap3A_752, %swap3A_753] {strides = array<i32>} : memref<512x64xf32, #tpu.memory_space<vmem>>, vector<16xf32>,
              tpu.vector_store %arg8[%swap3A_752, %swap3A_753], %get3A_11 {strides = array<i32>} : memref<512x64xf32, #tpu.memory_space<vmem>>, vector<16xf32>,
              %swap3A_755 = arith.index_cast %add3A_609 : i32 to index
              %swap3A_756 = arith.constant 32 : index
              %swap3A_757 = tpu.vector_load %arg8[%swap3A_755, %swap3A_756] {strides = array<i32>} : memref<512x64xf32, #tpu.memory_space<vmem>>, vector<16xf32>,
              tpu.vector_store %arg8[%swap3A_755, %swap3A_756], %get3A_15 {strides = array<i32>} : memref<512x64xf32, #tpu.memory_space<vmem>>, vector<16xf32>,
              %swap3A_758 = arith.index_cast %add3A_609 : i32 to index
              %swap3A_759 = arith.constant 48 : index
              %swap3A_760 = tpu.vector_load %arg8[%swap3A_758, %swap3A_759] {strides = array<i32>} : memref<512x64xf32, #tpu.memory_space<vmem>>, vector<16xf32>,
              tpu.vector_store %arg8[%swap3A_758, %swap3A_759], %get3A_19 {strides = array<i32>} : memref<512x64xf32, #tpu.memory_space<vmem>>, vector<16xf32>,
            } else {
            }
            %eq3A_617 = arith.constant 400002 : i32
            %eq3A_618 = arith.cmpi eq, %squeeze3A_611, %eq3A_617 : i32
            %convert_element_type3A_619 = arith.extui %eq3A_618 : i1 to i32
            %cond3A_620 = arith.constant 0 : i32
            %cond3A_621 = arith.cmpi ne, %convert_element_type3A_619, %cond3A_620 : i32
            scf.if %cond3A_621 {
              %swap3A = arith.index_cast %add3A_609 : i32 to index
              %swap3A_750 = arith.constant 0 : index
              %swap3A_751 = tpu.vector_load %arg8[%swap3A, %swap3A_750] {strides = array<i32>} : memref<512x64xf32, #tpu.memory_space<vmem>>, vector<16xf32>,
              tpu.vector_store %arg8[%swap3A, %swap3A_750], %get3A_23 {strides = array<i32>} : memref<512x64xf32, #tpu.memory_space<vmem>>, vector<16xf32>,
              %swap3A_752 = arith.index_cast %add3A_609 : i32 to index
              %swap3A_753 = arith.constant 16 : index
              %swap3A_754 = tpu.vector_load %arg8[%swap3A_752, %swap3A_753] {strides = array<i32>} : memref<512x64xf32, #tpu.memory_space<vmem>>, vector<16xf32>,
              tpu.vector_store %arg8[%swap3A_752, %swap3A_753], %get3A_27 {strides = array<i32>} : memref<512x64xf32, #tpu.memory_space<vmem>>, vector<16xf32>,
              %swap3A_755 = arith.index_cast %add3A_609 : i32 to index
              %swap3A_756 = arith.constant 32 : index
              %swap3A_757 = tpu.vector_load %arg8[%swap3A_755, %swap3A_756] {strides = array<i32>} : memref<512x64xf32, #tpu.memory_space<vmem>>, vector<16xf32>,
              tpu.vector_store %arg8[%swap3A_755, %swap3A_756], %get3A_31 {strides = array<i32>} : memref<512x64xf32, #tpu.memory_space<vmem>>, vector<16xf32>,
              %swap3A_758 = arith.index_cast %add3A_609 : i32 to index
              %swap3A_759 = arith.constant 48 : index
              %swap3A_760 = tpu.vector_load %arg8[%swap3A_758, %swap3A_759] {strides = array<i32>} : memref<512x64xf32, #tpu.memory_space<vmem>>, vector<16xf32>,
              tpu.vector_store %arg8[%swap3A_758, %swap3A_759], %get3A_35 {strides = array<i32>} : memref<512x64xf32, #tpu.memory_space<vmem>>, vector<16xf32>,
            } else {
            }
            %mul3A_622 = arith.constant 16 : i32
            %mul3A_623 = arith.muli %scan3A_478, %mul3A_622 : i32
            %add3A_624 = arith.constant 8 : i32
            %add3A_625 = arith.addi %mul3A_623, %add3A_624 : i32
            %slice3A_626 = vector.extract_strided_slice %get3A_483 {offsets = [8], sizes = [1], strides = [1]} : vector<16xi32> to vector<1xi32>
            %squeeze3A_627 = vector.extract %slice3A_626[0] : i32 from vector<1xi32>
            %eq3A_628 = arith.constant 400001 : i32
            %eq3A_629 = arith.cmpi eq, %squeeze3A_627, %eq3A_628 : i32
            %convert_element_type3A_630 = arith.extui %eq3A_629 : i1 to i32
            %cond3A_631 = arith.constant 0 : i32
            %cond3A_632 = arith.cmpi ne, %convert_element_type3A_630, %cond3A_631 : i32
            scf.if %cond3A_632 {
              %swap3A = arith.index_cast %add3A_625 : i32 to index
              %swap3A_750 = arith.constant 0 : index
              %swap3A_751 = tpu.vector_load %arg8[%swap3A, %swap3A_750] {strides = array<i32>} : memref<512x64xf32, #tpu.memory_space<vmem>>, vector<16xf32>,
              tpu.vector_store %arg8[%swap3A, %swap3A_750], %get3A_7 {strides = array<i32>} : memref<512x64xf32, #tpu.memory_space<vmem>>, vector<16xf32>,
              %swap3A_752 = arith.index_cast %add3A_625 : i32 to index
              %swap3A_753 = arith.constant 16 : index
              %swap3A_754 = tpu.vector_load %arg8[%swap3A_752, %swap3A_753] {strides = array<i32>} : memref<512x64xf32, #tpu.memory_space<vmem>>, vector<16xf32>,
              tpu.vector_store %arg8[%swap3A_752, %swap3A_753], %get3A_11 {strides = array<i32>} : memref<512x64xf32, #tpu.memory_space<vmem>>, vector<16xf32>,
              %swap3A_755 = arith.index_cast %add3A_625 : i32 to index
              %swap3A_756 = arith.constant 32 : index
              %swap3A_757 = tpu.vector_load %arg8[%swap3A_755, %swap3A_756] {strides = array<i32>} : memref<512x64xf32, #tpu.memory_space<vmem>>, vector<16xf32>,
              tpu.vector_store %arg8[%swap3A_755, %swap3A_756], %get3A_15 {strides = array<i32>} : memref<512x64xf32, #tpu.memory_space<vmem>>, vector<16xf32>,
              %swap3A_758 = arith.index_cast %add3A_625 : i32 to index
              %swap3A_759 = arith.constant 48 : index
              %swap3A_760 = tpu.vector_load %arg8[%swap3A_758, %swap3A_759] {strides = array<i32>} : memref<512x64xf32, #tpu.memory_space<vmem>>, vector<16xf32>,
              tpu.vector_store %arg8[%swap3A_758, %swap3A_759], %get3A_19 {strides = array<i32>} : memref<512x64xf32, #tpu.memory_space<vmem>>, vector<16xf32>,
            } else {
            }
            %eq3A_633 = arith.constant 400002 : i32
            %eq3A_634 = arith.cmpi eq, %squeeze3A_627, %eq3A_633 : i32
            %convert_element_type3A_635 = arith.extui %eq3A_634 : i1 to i32
            %cond3A_636 = arith.constant 0 : i32
            %cond3A_637 = arith.cmpi ne, %convert_element_type3A_635, %cond3A_636 : i32
            scf.if %cond3A_637 {
              %swap3A = arith.index_cast %add3A_625 : i32 to index
              %swap3A_750 = arith.constant 0 : index
              %swap3A_751 = tpu.vector_load %arg8[%swap3A, %swap3A_750] {strides = array<i32>} : memref<512x64xf32, #tpu.memory_space<vmem>>, vector<16xf32>,
              tpu.vector_store %arg8[%swap3A, %swap3A_750], %get3A_23 {strides = array<i32>} : memref<512x64xf32, #tpu.memory_space<vmem>>, vector<16xf32>,
              %swap3A_752 = arith.index_cast %add3A_625 : i32 to index
              %swap3A_753 = arith.constant 16 : index
              %swap3A_754 = tpu.vector_load %arg8[%swap3A_752, %swap3A_753] {strides = array<i32>} : memref<512x64xf32, #tpu.memory_space<vmem>>, vector<16xf32>,
              tpu.vector_store %arg8[%swap3A_752, %swap3A_753], %get3A_27 {strides = array<i32>} : memref<512x64xf32, #tpu.memory_space<vmem>>, vector<16xf32>,
              %swap3A_755 = arith.index_cast %add3A_625 : i32 to index
              %swap3A_756 = arith.constant 32 : index
              %swap3A_757 = tpu.vector_load %arg8[%swap3A_755, %swap3A_756] {strides = array<i32>} : memref<512x64xf32, #tpu.memory_space<vmem>>, vector<16xf32>,
              tpu.vector_store %arg8[%swap3A_755, %swap3A_756], %get3A_31 {strides = array<i32>} : memref<512x64xf32, #tpu.memory_space<vmem>>, vector<16xf32>,
              %swap3A_758 = arith.index_cast %add3A_625 : i32 to index
              %swap3A_759 = arith.constant 48 : index
              %swap3A_760 = tpu.vector_load %arg8[%swap3A_758, %swap3A_759] {strides = array<i32>} : memref<512x64xf32, #tpu.memory_space<vmem>>, vector<16xf32>,
              tpu.vector_store %arg8[%swap3A_758, %swap3A_759], %get3A_35 {strides = array<i32>} : memref<512x64xf32, #tpu.memory_space<vmem>>, vector<16xf32>,
            } else {
            }
            %mul3A_638 = arith.constant 16 : i32
            %mul3A_639 = arith.muli %scan3A_478, %mul3A_638 : i32
            %add3A_640 = arith.constant 9 : i32
            %add3A_641 = arith.addi %mul3A_639, %add3A_640 : i32
            %slice3A_642 = vector.extract_strided_slice %get3A_483 {offsets = [9], sizes = [1], strides = [1]} : vector<16xi32> to vector<1xi32>
            %squeeze3A_643 = vector.extract %slice3A_642[0] : i32 from vector<1xi32>
            %eq3A_644 = arith.constant 400001 : i32
            %eq3A_645 = arith.cmpi eq, %squeeze3A_643, %eq3A_644 : i32
            %convert_element_type3A_646 = arith.extui %eq3A_645 : i1 to i32
            %cond3A_647 = arith.constant 0 : i32
            %cond3A_648 = arith.cmpi ne, %convert_element_type3A_646, %cond3A_647 : i32
            scf.if %cond3A_648 {
              %swap3A = arith.index_cast %add3A_641 : i32 to index
              %swap3A_750 = arith.constant 0 : index
              %swap3A_751 = tpu.vector_load %arg8[%swap3A, %swap3A_750] {strides = array<i32>} : memref<512x64xf32, #tpu.memory_space<vmem>>, vector<16xf32>,
              tpu.vector_store %arg8[%swap3A, %swap3A_750], %get3A_7 {strides = array<i32>} : memref<512x64xf32, #tpu.memory_space<vmem>>, vector<16xf32>,
              %swap3A_752 = arith.index_cast %add3A_641 : i32 to index
              %swap3A_753 = arith.constant 16 : index
              %swap3A_754 = tpu.vector_load %arg8[%swap3A_752, %swap3A_753] {strides = array<i32>} : memref<512x64xf32, #tpu.memory_space<vmem>>, vector<16xf32>,
              tpu.vector_store %arg8[%swap3A_752, %swap3A_753], %get3A_11 {strides = array<i32>} : memref<512x64xf32, #tpu.memory_space<vmem>>, vector<16xf32>,
              %swap3A_755 = arith.index_cast %add3A_641 : i32 to index
              %swap3A_756 = arith.constant 32 : index
              %swap3A_757 = tpu.vector_load %arg8[%swap3A_755, %swap3A_756] {strides = array<i32>} : memref<512x64xf32, #tpu.memory_space<vmem>>, vector<16xf32>,
              tpu.vector_store %arg8[%swap3A_755, %swap3A_756], %get3A_15 {strides = array<i32>} : memref<512x64xf32, #tpu.memory_space<vmem>>, vector<16xf32>,
              %swap3A_758 = arith.index_cast %add3A_641 : i32 to index
              %swap3A_759 = arith.constant 48 : index
              %swap3A_760 = tpu.vector_load %arg8[%swap3A_758, %swap3A_759] {strides = array<i32>} : memref<512x64xf32, #tpu.memory_space<vmem>>, vector<16xf32>,
              tpu.vector_store %arg8[%swap3A_758, %swap3A_759], %get3A_19 {strides = array<i32>} : memref<512x64xf32, #tpu.memory_space<vmem>>, vector<16xf32>,
            } else {
            }
            %eq3A_649 = arith.constant 400002 : i32
            %eq3A_650 = arith.cmpi eq, %squeeze3A_643, %eq3A_649 : i32
            %convert_element_type3A_651 = arith.extui %eq3A_650 : i1 to i32
            %cond3A_652 = arith.constant 0 : i32
            %cond3A_653 = arith.cmpi ne, %convert_element_type3A_651, %cond3A_652 : i32
            scf.if %cond3A_653 {
              %swap3A = arith.index_cast %add3A_641 : i32 to index
              %swap3A_750 = arith.constant 0 : index
              %swap3A_751 = tpu.vector_load %arg8[%swap3A, %swap3A_750] {strides = array<i32>} : memref<512x64xf32, #tpu.memory_space<vmem>>, vector<16xf32>,
              tpu.vector_store %arg8[%swap3A, %swap3A_750], %get3A_23 {strides = array<i32>} : memref<512x64xf32, #tpu.memory_space<vmem>>, vector<16xf32>,
              %swap3A_752 = arith.index_cast %add3A_641 : i32 to index
              %swap3A_753 = arith.constant 16 : index
              %swap3A_754 = tpu.vector_load %arg8[%swap3A_752, %swap3A_753] {strides = array<i32>} : memref<512x64xf32, #tpu.memory_space<vmem>>, vector<16xf32>,
              tpu.vector_store %arg8[%swap3A_752, %swap3A_753], %get3A_27 {strides = array<i32>} : memref<512x64xf32, #tpu.memory_space<vmem>>, vector<16xf32>,
              %swap3A_755 = arith.index_cast %add3A_641 : i32 to index
              %swap3A_756 = arith.constant 32 : index
              %swap3A_757 = tpu.vector_load %arg8[%swap3A_755, %swap3A_756] {strides = array<i32>} : memref<512x64xf32, #tpu.memory_space<vmem>>, vector<16xf32>,
              tpu.vector_store %arg8[%swap3A_755, %swap3A_756], %get3A_31 {strides = array<i32>} : memref<512x64xf32, #tpu.memory_space<vmem>>, vector<16xf32>,
              %swap3A_758 = arith.index_cast %add3A_641 : i32 to index
              %swap3A_759 = arith.constant 48 : index
              %swap3A_760 = tpu.vector_load %arg8[%swap3A_758, %swap3A_759] {strides = array<i32>} : memref<512x64xf32, #tpu.memory_space<vmem>>, vector<16xf32>,
              tpu.vector_store %arg8[%swap3A_758, %swap3A_759], %get3A_35 {strides = array<i32>} : memref<512x64xf32, #tpu.memory_space<vmem>>, vector<16xf32>,
            } else {
            }
            %mul3A_654 = arith.constant 16 : i32
            %mul3A_655 = arith.muli %scan3A_478, %mul3A_654 : i32
            %add3A_656 = arith.constant 10 : i32
            %add3A_657 = arith.addi %mul3A_655, %add3A_656 : i32
            %slice3A_658 = vector.extract_strided_slice %get3A_483 {offsets = [10], sizes = [1], strides = [1]} : vector<16xi32> to vector<1xi32>
            %squeeze3A_659 = vector.extract %slice3A_658[0] : i32 from vector<1xi32>
            %eq3A_660 = arith.constant 400001 : i32
            %eq3A_661 = arith.cmpi eq, %squeeze3A_659, %eq3A_660 : i32
            %convert_element_type3A_662 = arith.extui %eq3A_661 : i1 to i32
            %cond3A_663 = arith.constant 0 : i32
            %cond3A_664 = arith.cmpi ne, %convert_element_type3A_662, %cond3A_663 : i32
            scf.if %cond3A_664 {
              %swap3A = arith.index_cast %add3A_657 : i32 to index
              %swap3A_750 = arith.constant 0 : index
              %swap3A_751 = tpu.vector_load %arg8[%swap3A, %swap3A_750] {strides = array<i32>} : memref<512x64xf32, #tpu.memory_space<vmem>>, vector<16xf32>,
              tpu.vector_store %arg8[%swap3A, %swap3A_750], %get3A_7 {strides = array<i32>} : memref<512x64xf32, #tpu.memory_space<vmem>>, vector<16xf32>,
              %swap3A_752 = arith.index_cast %add3A_657 : i32 to index
              %swap3A_753 = arith.constant 16 : index
              %swap3A_754 = tpu.vector_load %arg8[%swap3A_752, %swap3A_753] {strides = array<i32>} : memref<512x64xf32, #tpu.memory_space<vmem>>, vector<16xf32>,
              tpu.vector_store %arg8[%swap3A_752, %swap3A_753], %get3A_11 {strides = array<i32>} : memref<512x64xf32, #tpu.memory_space<vmem>>, vector<16xf32>,
              %swap3A_755 = arith.index_cast %add3A_657 : i32 to index
              %swap3A_756 = arith.constant 32 : index
              %swap3A_757 = tpu.vector_load %arg8[%swap3A_755, %swap3A_756] {strides = array<i32>} : memref<512x64xf32, #tpu.memory_space<vmem>>, vector<16xf32>,
              tpu.vector_store %arg8[%swap3A_755, %swap3A_756], %get3A_15 {strides = array<i32>} : memref<512x64xf32, #tpu.memory_space<vmem>>, vector<16xf32>,
              %swap3A_758 = arith.index_cast %add3A_657 : i32 to index
              %swap3A_759 = arith.constant 48 : index
              %swap3A_760 = tpu.vector_load %arg8[%swap3A_758, %swap3A_759] {strides = array<i32>} : memref<512x64xf32, #tpu.memory_space<vmem>>, vector<16xf32>,
              tpu.vector_store %arg8[%swap3A_758, %swap3A_759], %get3A_19 {strides = array<i32>} : memref<512x64xf32, #tpu.memory_space<vmem>>, vector<16xf32>,
            } else {
            }
            %eq3A_665 = arith.constant 400002 : i32
            %eq3A_666 = arith.cmpi eq, %squeeze3A_659, %eq3A_665 : i32
            %convert_element_type3A_667 = arith.extui %eq3A_666 : i1 to i32
            %cond3A_668 = arith.constant 0 : i32
            %cond3A_669 = arith.cmpi ne, %convert_element_type3A_667, %cond3A_668 : i32
            scf.if %cond3A_669 {
              %swap3A = arith.index_cast %add3A_657 : i32 to index
              %swap3A_750 = arith.constant 0 : index
              %swap3A_751 = tpu.vector_load %arg8[%swap3A, %swap3A_750] {strides = array<i32>} : memref<512x64xf32, #tpu.memory_space<vmem>>, vector<16xf32>,
              tpu.vector_store %arg8[%swap3A, %swap3A_750], %get3A_23 {strides = array<i32>} : memref<512x64xf32, #tpu.memory_space<vmem>>, vector<16xf32>,
              %swap3A_752 = arith.index_cast %add3A_657 : i32 to index
              %swap3A_753 = arith.constant 16 : index
              %swap3A_754 = tpu.vector_load %arg8[%swap3A_752, %swap3A_753] {strides = array<i32>} : memref<512x64xf32, #tpu.memory_space<vmem>>, vector<16xf32>,
              tpu.vector_store %arg8[%swap3A_752, %swap3A_753], %get3A_27 {strides = array<i32>} : memref<512x64xf32, #tpu.memory_space<vmem>>, vector<16xf32>,
              %swap3A_755 = arith.index_cast %add3A_657 : i32 to index
              %swap3A_756 = arith.constant 32 : index
              %swap3A_757 = tpu.vector_load %arg8[%swap3A_755, %swap3A_756] {strides = array<i32>} : memref<512x64xf32, #tpu.memory_space<vmem>>, vector<16xf32>,
              tpu.vector_store %arg8[%swap3A_755, %swap3A_756], %get3A_31 {strides = array<i32>} : memref<512x64xf32, #tpu.memory_space<vmem>>, vector<16xf32>,
              %swap3A_758 = arith.index_cast %add3A_657 : i32 to index
              %swap3A_759 = arith.constant 48 : index
              %swap3A_760 = tpu.vector_load %arg8[%swap3A_758, %swap3A_759] {strides = array<i32>} : memref<512x64xf32, #tpu.memory_space<vmem>>, vector<16xf32>,
              tpu.vector_store %arg8[%swap3A_758, %swap3A_759], %get3A_35 {strides = array<i32>} : memref<512x64xf32, #tpu.memory_space<vmem>>, vector<16xf32>,
            } else {
            }
            %mul3A_670 = arith.constant 16 : i32
            %mul3A_671 = arith.muli %scan3A_478, %mul3A_670 : i32
            %add3A_672 = arith.constant 11 : i32
            %add3A_673 = arith.addi %mul3A_671, %add3A_672 : i32
            %slice3A_674 = vector.extract_strided_slice %get3A_483 {offsets = [11], sizes = [1], strides = [1]} : vector<16xi32> to vector<1xi32>
            %squeeze3A_675 = vector.extract %slice3A_674[0] : i32 from vector<1xi32>
            %eq3A_676 = arith.constant 400001 : i32
            %eq3A_677 = arith.cmpi eq, %squeeze3A_675, %eq3A_676 : i32
            %convert_element_type3A_678 = arith.extui %eq3A_677 : i1 to i32
            %cond3A_679 = arith.constant 0 : i32
            %cond3A_680 = arith.cmpi ne, %convert_element_type3A_678, %cond3A_679 : i32
            scf.if %cond3A_680 {
              %swap3A = arith.index_cast %add3A_673 : i32 to index
              %swap3A_750 = arith.constant 0 : index
              %swap3A_751 = tpu.vector_load %arg8[%swap3A, %swap3A_750] {strides = array<i32>} : memref<512x64xf32, #tpu.memory_space<vmem>>, vector<16xf32>,
              tpu.vector_store %arg8[%swap3A, %swap3A_750], %get3A_7 {strides = array<i32>} : memref<512x64xf32, #tpu.memory_space<vmem>>, vector<16xf32>,
              %swap3A_752 = arith.index_cast %add3A_673 : i32 to index
              %swap3A_753 = arith.constant 16 : index
              %swap3A_754 = tpu.vector_load %arg8[%swap3A_752, %swap3A_753] {strides = array<i32>} : memref<512x64xf32, #tpu.memory_space<vmem>>, vector<16xf32>,
              tpu.vector_store %arg8[%swap3A_752, %swap3A_753], %get3A_11 {strides = array<i32>} : memref<512x64xf32, #tpu.memory_space<vmem>>, vector<16xf32>,
              %swap3A_755 = arith.index_cast %add3A_673 : i32 to index
              %swap3A_756 = arith.constant 32 : index
              %swap3A_757 = tpu.vector_load %arg8[%swap3A_755, %swap3A_756] {strides = array<i32>} : memref<512x64xf32, #tpu.memory_space<vmem>>, vector<16xf32>,
              tpu.vector_store %arg8[%swap3A_755, %swap3A_756], %get3A_15 {strides = array<i32>} : memref<512x64xf32, #tpu.memory_space<vmem>>, vector<16xf32>,
              %swap3A_758 = arith.index_cast %add3A_673 : i32 to index
              %swap3A_759 = arith.constant 48 : index
              %swap3A_760 = tpu.vector_load %arg8[%swap3A_758, %swap3A_759] {strides = array<i32>} : memref<512x64xf32, #tpu.memory_space<vmem>>, vector<16xf32>,
              tpu.vector_store %arg8[%swap3A_758, %swap3A_759], %get3A_19 {strides = array<i32>} : memref<512x64xf32, #tpu.memory_space<vmem>>, vector<16xf32>,
            } else {
            }
            %eq3A_681 = arith.constant 400002 : i32
            %eq3A_682 = arith.cmpi eq, %squeeze3A_675, %eq3A_681 : i32
            %convert_element_type3A_683 = arith.extui %eq3A_682 : i1 to i32
            %cond3A_684 = arith.constant 0 : i32
            %cond3A_685 = arith.cmpi ne, %convert_element_type3A_683, %cond3A_684 : i32
            scf.if %cond3A_685 {
              %swap3A = arith.index_cast %add3A_673 : i32 to index
              %swap3A_750 = arith.constant 0 : index
              %swap3A_751 = tpu.vector_load %arg8[%swap3A, %swap3A_750] {strides = array<i32>} : memref<512x64xf32, #tpu.memory_space<vmem>>, vector<16xf32>,
              tpu.vector_store %arg8[%swap3A, %swap3A_750], %get3A_23 {strides = array<i32>} : memref<512x64xf32, #tpu.memory_space<vmem>>, vector<16xf32>,
              %swap3A_752 = arith.index_cast %add3A_673 : i32 to index
              %swap3A_753 = arith.constant 16 : index
              %swap3A_754 = tpu.vector_load %arg8[%swap3A_752, %swap3A_753] {strides = array<i32>} : memref<512x64xf32, #tpu.memory_space<vmem>>, vector<16xf32>,
              tpu.vector_store %arg8[%swap3A_752, %swap3A_753], %get3A_27 {strides = array<i32>} : memref<512x64xf32, #tpu.memory_space<vmem>>, vector<16xf32>,
              %swap3A_755 = arith.index_cast %add3A_673 : i32 to index
              %swap3A_756 = arith.constant 32 : index
              %swap3A_757 = tpu.vector_load %arg8[%swap3A_755, %swap3A_756] {strides = array<i32>} : memref<512x64xf32, #tpu.memory_space<vmem>>, vector<16xf32>,
              tpu.vector_store %arg8[%swap3A_755, %swap3A_756], %get3A_31 {strides = array<i32>} : memref<512x64xf32, #tpu.memory_space<vmem>>, vector<16xf32>,
              %swap3A_758 = arith.index_cast %add3A_673 : i32 to index
              %swap3A_759 = arith.constant 48 : index
              %swap3A_760 = tpu.vector_load %arg8[%swap3A_758, %swap3A_759] {strides = array<i32>} : memref<512x64xf32, #tpu.memory_space<vmem>>, vector<16xf32>,
              tpu.vector_store %arg8[%swap3A_758, %swap3A_759], %get3A_35 {strides = array<i32>} : memref<512x64xf32, #tpu.memory_space<vmem>>, vector<16xf32>,
            } else {
            }
            %mul3A_686 = arith.constant 16 : i32
            %mul3A_687 = arith.muli %scan3A_478, %mul3A_686 : i32
            %add3A_688 = arith.constant 12 : i32
            %add3A_689 = arith.addi %mul3A_687, %add3A_688 : i32
            %slice3A_690 = vector.extract_strided_slice %get3A_483 {offsets = [12], sizes = [1], strides = [1]} : vector<16xi32> to vector<1xi32>
            %squeeze3A_691 = vector.extract %slice3A_690[0] : i32 from vector<1xi32>
            %eq3A_692 = arith.constant 400001 : i32
            %eq3A_693 = arith.cmpi eq, %squeeze3A_691, %eq3A_692 : i32
            %convert_element_type3A_694 = arith.extui %eq3A_693 : i1 to i32
            %cond3A_695 = arith.constant 0 : i32
            %cond3A_696 = arith.cmpi ne, %convert_element_type3A_694, %cond3A_695 : i32
            scf.if %cond3A_696 {
              %swap3A = arith.index_cast %add3A_689 : i32 to index
              %swap3A_750 = arith.constant 0 : index
              %swap3A_751 = tpu.vector_load %arg8[%swap3A, %swap3A_750] {strides = array<i32>} : memref<512x64xf32, #tpu.memory_space<vmem>>, vector<16xf32>,
              tpu.vector_store %arg8[%swap3A, %swap3A_750], %get3A_7 {strides = array<i32>} : memref<512x64xf32, #tpu.memory_space<vmem>>, vector<16xf32>,
              %swap3A_752 = arith.index_cast %add3A_689 : i32 to index
              %swap3A_753 = arith.constant 16 : index
              %swap3A_754 = tpu.vector_load %arg8[%swap3A_752, %swap3A_753] {strides = array<i32>} : memref<512x64xf32, #tpu.memory_space<vmem>>, vector<16xf32>,
              tpu.vector_store %arg8[%swap3A_752, %swap3A_753], %get3A_11 {strides = array<i32>} : memref<512x64xf32, #tpu.memory_space<vmem>>, vector<16xf32>,
              %swap3A_755 = arith.index_cast %add3A_689 : i32 to index
              %swap3A_756 = arith.constant 32 : index
              %swap3A_757 = tpu.vector_load %arg8[%swap3A_755, %swap3A_756] {strides = array<i32>} : memref<512x64xf32, #tpu.memory_space<vmem>>, vector<16xf32>,
              tpu.vector_store %arg8[%swap3A_755, %swap3A_756], %get3A_15 {strides = array<i32>} : memref<512x64xf32, #tpu.memory_space<vmem>>, vector<16xf32>,
              %swap3A_758 = arith.index_cast %add3A_689 : i32 to index
              %swap3A_759 = arith.constant 48 : index
              %swap3A_760 = tpu.vector_load %arg8[%swap3A_758, %swap3A_759] {strides = array<i32>} : memref<512x64xf32, #tpu.memory_space<vmem>>, vector<16xf32>,
              tpu.vector_store %arg8[%swap3A_758, %swap3A_759], %get3A_19 {strides = array<i32>} : memref<512x64xf32, #tpu.memory_space<vmem>>, vector<16xf32>,
            } else {
            }
            %eq3A_697 = arith.constant 400002 : i32
            %eq3A_698 = arith.cmpi eq, %squeeze3A_691, %eq3A_697 : i32
            %convert_element_type3A_699 = arith.extui %eq3A_698 : i1 to i32
            %cond3A_700 = arith.constant 0 : i32
            %cond3A_701 = arith.cmpi ne, %convert_element_type3A_699, %cond3A_700 : i32
            scf.if %cond3A_701 {
              %swap3A = arith.index_cast %add3A_689 : i32 to index
              %swap3A_750 = arith.constant 0 : index
              %swap3A_751 = tpu.vector_load %arg8[%swap3A, %swap3A_750] {strides = array<i32>} : memref<512x64xf32, #tpu.memory_space<vmem>>, vector<16xf32>,
              tpu.vector_store %arg8[%swap3A, %swap3A_750], %get3A_23 {strides = array<i32>} : memref<512x64xf32, #tpu.memory_space<vmem>>, vector<16xf32>,
              %swap3A_752 = arith.index_cast %add3A_689 : i32 to index
              %swap3A_753 = arith.constant 16 : index
              %swap3A_754 = tpu.vector_load %arg8[%swap3A_752, %swap3A_753] {strides = array<i32>} : memref<512x64xf32, #tpu.memory_space<vmem>>, vector<16xf32>,
              tpu.vector_store %arg8[%swap3A_752, %swap3A_753], %get3A_27 {strides = array<i32>} : memref<512x64xf32, #tpu.memory_space<vmem>>, vector<16xf32>,
              %swap3A_755 = arith.index_cast %add3A_689 : i32 to index
              %swap3A_756 = arith.constant 32 : index
              %swap3A_757 = tpu.vector_load %arg8[%swap3A_755, %swap3A_756] {strides = array<i32>} : memref<512x64xf32, #tpu.memory_space<vmem>>, vector<16xf32>,
              tpu.vector_store %arg8[%swap3A_755, %swap3A_756], %get3A_31 {strides = array<i32>} : memref<512x64xf32, #tpu.memory_space<vmem>>, vector<16xf32>,
              %swap3A_758 = arith.index_cast %add3A_689 : i32 to index
              %swap3A_759 = arith.constant 48 : index
              %swap3A_760 = tpu.vector_load %arg8[%swap3A_758, %swap3A_759] {strides = array<i32>} : memref<512x64xf32, #tpu.memory_space<vmem>>, vector<16xf32>,
              tpu.vector_store %arg8[%swap3A_758, %swap3A_759], %get3A_35 {strides = array<i32>} : memref<512x64xf32, #tpu.memory_space<vmem>>, vector<16xf32>,
            } else {
            }
            %mul3A_702 = arith.constant 16 : i32
            %mul3A_703 = arith.muli %scan3A_478, %mul3A_702 : i32
            %add3A_704 = arith.constant 13 : i32
            %add3A_705 = arith.addi %mul3A_703, %add3A_704 : i32
            %slice3A_706 = vector.extract_strided_slice %get3A_483 {offsets = [13], sizes = [1], strides = [1]} : vector<16xi32> to vector<1xi32>
            %squeeze3A_707 = vector.extract %slice3A_706[0] : i32 from vector<1xi32>
            %eq3A_708 = arith.constant 400001 : i32
            %eq3A_709 = arith.cmpi eq, %squeeze3A_707, %eq3A_708 : i32
            %convert_element_type3A_710 = arith.extui %eq3A_709 : i1 to i32
            %cond3A_711 = arith.constant 0 : i32
            %cond3A_712 = arith.cmpi ne, %convert_element_type3A_710, %cond3A_711 : i32
            scf.if %cond3A_712 {
              %swap3A = arith.index_cast %add3A_705 : i32 to index
              %swap3A_750 = arith.constant 0 : index
              %swap3A_751 = tpu.vector_load %arg8[%swap3A, %swap3A_750] {strides = array<i32>} : memref<512x64xf32, #tpu.memory_space<vmem>>, vector<16xf32>,
              tpu.vector_store %arg8[%swap3A, %swap3A_750], %get3A_7 {strides = array<i32>} : memref<512x64xf32, #tpu.memory_space<vmem>>, vector<16xf32>,
              %swap3A_752 = arith.index_cast %add3A_705 : i32 to index
              %swap3A_753 = arith.constant 16 : index
              %swap3A_754 = tpu.vector_load %arg8[%swap3A_752, %swap3A_753] {strides = array<i32>} : memref<512x64xf32, #tpu.memory_space<vmem>>, vector<16xf32>,
              tpu.vector_store %arg8[%swap3A_752, %swap3A_753], %get3A_11 {strides = array<i32>} : memref<512x64xf32, #tpu.memory_space<vmem>>, vector<16xf32>,
              %swap3A_755 = arith.index_cast %add3A_705 : i32 to index
              %swap3A_756 = arith.constant 32 : index
              %swap3A_757 = tpu.vector_load %arg8[%swap3A_755, %swap3A_756] {strides = array<i32>} : memref<512x64xf32, #tpu.memory_space<vmem>>, vector<16xf32>,
              tpu.vector_store %arg8[%swap3A_755, %swap3A_756], %get3A_15 {strides = array<i32>} : memref<512x64xf32, #tpu.memory_space<vmem>>, vector<16xf32>,
              %swap3A_758 = arith.index_cast %add3A_705 : i32 to index
              %swap3A_759 = arith.constant 48 : index
              %swap3A_760 = tpu.vector_load %arg8[%swap3A_758, %swap3A_759] {strides = array<i32>} : memref<512x64xf32, #tpu.memory_space<vmem>>, vector<16xf32>,
              tpu.vector_store %arg8[%swap3A_758, %swap3A_759], %get3A_19 {strides = array<i32>} : memref<512x64xf32, #tpu.memory_space<vmem>>, vector<16xf32>,
            } else {
            }
            %eq3A_713 = arith.constant 400002 : i32
            %eq3A_714 = arith.cmpi eq, %squeeze3A_707, %eq3A_713 : i32
            %convert_element_type3A_715 = arith.extui %eq3A_714 : i1 to i32
            %cond3A_716 = arith.constant 0 : i32
            %cond3A_717 = arith.cmpi ne, %convert_element_type3A_715, %cond3A_716 : i32
            scf.if %cond3A_717 {
              %swap3A = arith.index_cast %add3A_705 : i32 to index
              %swap3A_750 = arith.constant 0 : index
              %swap3A_751 = tpu.vector_load %arg8[%swap3A, %swap3A_750] {strides = array<i32>} : memref<512x64xf32, #tpu.memory_space<vmem>>, vector<16xf32>,
              tpu.vector_store %arg8[%swap3A, %swap3A_750], %get3A_23 {strides = array<i32>} : memref<512x64xf32, #tpu.memory_space<vmem>>, vector<16xf32>,
              %swap3A_752 = arith.index_cast %add3A_705 : i32 to index
              %swap3A_753 = arith.constant 16 : index
              %swap3A_754 = tpu.vector_load %arg8[%swap3A_752, %swap3A_753] {strides = array<i32>} : memref<512x64xf32, #tpu.memory_space<vmem>>, vector<16xf32>,
              tpu.vector_store %arg8[%swap3A_752, %swap3A_753], %get3A_27 {strides = array<i32>} : memref<512x64xf32, #tpu.memory_space<vmem>>, vector<16xf32>,
              %swap3A_755 = arith.index_cast %add3A_705 : i32 to index
              %swap3A_756 = arith.constant 32 : index
              %swap3A_757 = tpu.vector_load %arg8[%swap3A_755, %swap3A_756] {strides = array<i32>} : memref<512x64xf32, #tpu.memory_space<vmem>>, vector<16xf32>,
              tpu.vector_store %arg8[%swap3A_755, %swap3A_756], %get3A_31 {strides = array<i32>} : memref<512x64xf32, #tpu.memory_space<vmem>>, vector<16xf32>,
              %swap3A_758 = arith.index_cast %add3A_705 : i32 to index
              %swap3A_759 = arith.constant 48 : index
              %swap3A_760 = tpu.vector_load %arg8[%swap3A_758, %swap3A_759] {strides = array<i32>} : memref<512x64xf32, #tpu.memory_space<vmem>>, vector<16xf32>,
              tpu.vector_store %arg8[%swap3A_758, %swap3A_759], %get3A_35 {strides = array<i32>} : memref<512x64xf32, #tpu.memory_space<vmem>>, vector<16xf32>,
            } else {
            }
            %mul3A_718 = arith.constant 16 : i32
            %mul3A_719 = arith.muli %scan3A_478, %mul3A_718 : i32
            %add3A_720 = arith.constant 14 : i32
            %add3A_721 = arith.addi %mul3A_719, %add3A_720 : i32
            %slice3A_722 = vector.extract_strided_slice %get3A_483 {offsets = [14], sizes = [1], strides = [1]} : vector<16xi32> to vector<1xi32>
            %squeeze3A_723 = vector.extract %slice3A_722[0] : i32 from vector<1xi32>
            %eq3A_724 = arith.constant 400001 : i32
            %eq3A_725 = arith.cmpi eq, %squeeze3A_723, %eq3A_724 : i32
            %convert_element_type3A_726 = arith.extui %eq3A_725 : i1 to i32
            %cond3A_727 = arith.constant 0 : i32
            %cond3A_728 = arith.cmpi ne, %convert_element_type3A_726, %cond3A_727 : i32
            scf.if %cond3A_728 {
              %swap3A = arith.index_cast %add3A_721 : i32 to index
              %swap3A_750 = arith.constant 0 : index
              %swap3A_751 = tpu.vector_load %arg8[%swap3A, %swap3A_750] {strides = array<i32>} : memref<512x64xf32, #tpu.memory_space<vmem>>, vector<16xf32>,
              tpu.vector_store %arg8[%swap3A, %swap3A_750], %get3A_7 {strides = array<i32>} : memref<512x64xf32, #tpu.memory_space<vmem>>, vector<16xf32>,
              %swap3A_752 = arith.index_cast %add3A_721 : i32 to index
              %swap3A_753 = arith.constant 16 : index
              %swap3A_754 = tpu.vector_load %arg8[%swap3A_752, %swap3A_753] {strides = array<i32>} : memref<512x64xf32, #tpu.memory_space<vmem>>, vector<16xf32>,
              tpu.vector_store %arg8[%swap3A_752, %swap3A_753], %get3A_11 {strides = array<i32>} : memref<512x64xf32, #tpu.memory_space<vmem>>, vector<16xf32>,
              %swap3A_755 = arith.index_cast %add3A_721 : i32 to index
              %swap3A_756 = arith.constant 32 : index
              %swap3A_757 = tpu.vector_load %arg8[%swap3A_755, %swap3A_756] {strides = array<i32>} : memref<512x64xf32, #tpu.memory_space<vmem>>, vector<16xf32>,
              tpu.vector_store %arg8[%swap3A_755, %swap3A_756], %get3A_15 {strides = array<i32>} : memref<512x64xf32, #tpu.memory_space<vmem>>, vector<16xf32>,
              %swap3A_758 = arith.index_cast %add3A_721 : i32 to index
              %swap3A_759 = arith.constant 48 : index
              %swap3A_760 = tpu.vector_load %arg8[%swap3A_758, %swap3A_759] {strides = array<i32>} : memref<512x64xf32, #tpu.memory_space<vmem>>, vector<16xf32>,
              tpu.vector_store %arg8[%swap3A_758, %swap3A_759], %get3A_19 {strides = array<i32>} : memref<512x64xf32, #tpu.memory_space<vmem>>, vector<16xf32>,
            } else {
            }
            %eq3A_729 = arith.constant 400002 : i32
            %eq3A_730 = arith.cmpi eq, %squeeze3A_723, %eq3A_729 : i32
            %convert_element_type3A_731 = arith.extui %eq3A_730 : i1 to i32
            %cond3A_732 = arith.constant 0 : i32
            %cond3A_733 = arith.cmpi ne, %convert_element_type3A_731, %cond3A_732 : i32
            scf.if %cond3A_733 {
              %swap3A = arith.index_cast %add3A_721 : i32 to index
              %swap3A_750 = arith.constant 0 : index
              %swap3A_751 = tpu.vector_load %arg8[%swap3A, %swap3A_750] {strides = array<i32>} : memref<512x64xf32, #tpu.memory_space<vmem>>, vector<16xf32>,
              tpu.vector_store %arg8[%swap3A, %swap3A_750], %get3A_23 {strides = array<i32>} : memref<512x64xf32, #tpu.memory_space<vmem>>, vector<16xf32>,
              %swap3A_752 = arith.index_cast %add3A_721 : i32 to index
              %swap3A_753 = arith.constant 16 : index
              %swap3A_754 = tpu.vector_load %arg8[%swap3A_752, %swap3A_753] {strides = array<i32>} : memref<512x64xf32, #tpu.memory_space<vmem>>, vector<16xf32>,
              tpu.vector_store %arg8[%swap3A_752, %swap3A_753], %get3A_27 {strides = array<i32>} : memref<512x64xf32, #tpu.memory_space<vmem>>, vector<16xf32>,
              %swap3A_755 = arith.index_cast %add3A_721 : i32 to index
              %swap3A_756 = arith.constant 32 : index
              %swap3A_757 = tpu.vector_load %arg8[%swap3A_755, %swap3A_756] {strides = array<i32>} : memref<512x64xf32, #tpu.memory_space<vmem>>, vector<16xf32>,
              tpu.vector_store %arg8[%swap3A_755, %swap3A_756], %get3A_31 {strides = array<i32>} : memref<512x64xf32, #tpu.memory_space<vmem>>, vector<16xf32>,
              %swap3A_758 = arith.index_cast %add3A_721 : i32 to index
              %swap3A_759 = arith.constant 48 : index
              %swap3A_760 = tpu.vector_load %arg8[%swap3A_758, %swap3A_759] {strides = array<i32>} : memref<512x64xf32, #tpu.memory_space<vmem>>, vector<16xf32>,
              tpu.vector_store %arg8[%swap3A_758, %swap3A_759], %get3A_35 {strides = array<i32>} : memref<512x64xf32, #tpu.memory_space<vmem>>, vector<16xf32>,
            } else {
            }
            %mul3A_734 = arith.constant 16 : i32
            %mul3A_735 = arith.muli %scan3A_478, %mul3A_734 : i32
            %add3A_736 = arith.constant 15 : i32
            %add3A_737 = arith.addi %mul3A_735, %add3A_736 : i32
            %slice3A_738 = vector.extract_strided_slice %get3A_483 {offsets = [15], sizes = [1], strides = [1]} : vector<16xi32> to vector<1xi32>
            %squeeze3A_739 = vector.extract %slice3A_738[0] : i32 from vector<1xi32>
            %eq3A_740 = arith.constant 400001 : i32
            %eq3A_741 = arith.cmpi eq, %squeeze3A_739, %eq3A_740 : i32
            %convert_element_type3A_742 = arith.extui %eq3A_741 : i1 to i32
            %cond3A_743 = arith.constant 0 : i32
            %cond3A_744 = arith.cmpi ne, %convert_element_type3A_742, %cond3A_743 : i32
            scf.if %cond3A_744 {
              %swap3A = arith.index_cast %add3A_737 : i32 to index
              %swap3A_750 = arith.constant 0 : index
              %swap3A_751 = tpu.vector_load %arg8[%swap3A, %swap3A_750] {strides = array<i32>} : memref<512x64xf32, #tpu.memory_space<vmem>>, vector<16xf32>,
              tpu.vector_store %arg8[%swap3A, %swap3A_750], %get3A_7 {strides = array<i32>} : memref<512x64xf32, #tpu.memory_space<vmem>>, vector<16xf32>,
              %swap3A_752 = arith.index_cast %add3A_737 : i32 to index
              %swap3A_753 = arith.constant 16 : index
              %swap3A_754 = tpu.vector_load %arg8[%swap3A_752, %swap3A_753] {strides = array<i32>} : memref<512x64xf32, #tpu.memory_space<vmem>>, vector<16xf32>,
              tpu.vector_store %arg8[%swap3A_752, %swap3A_753], %get3A_11 {strides = array<i32>} : memref<512x64xf32, #tpu.memory_space<vmem>>, vector<16xf32>,
              %swap3A_755 = arith.index_cast %add3A_737 : i32 to index
              %swap3A_756 = arith.constant 32 : index
              %swap3A_757 = tpu.vector_load %arg8[%swap3A_755, %swap3A_756] {strides = array<i32>} : memref<512x64xf32, #tpu.memory_space<vmem>>, vector<16xf32>,
              tpu.vector_store %arg8[%swap3A_755, %swap3A_756], %get3A_15 {strides = array<i32>} : memref<512x64xf32, #tpu.memory_space<vmem>>, vector<16xf32>,
              %swap3A_758 = arith.index_cast %add3A_737 : i32 to index
              %swap3A_759 = arith.constant 48 : index
              %swap3A_760 = tpu.vector_load %arg8[%swap3A_758, %swap3A_759] {strides = array<i32>} : memref<512x64xf32, #tpu.memory_space<vmem>>, vector<16xf32>,
              tpu.vector_store %arg8[%swap3A_758, %swap3A_759], %get3A_19 {strides = array<i32>} : memref<512x64xf32, #tpu.memory_space<vmem>>, vector<16xf32>,
            } else {
            }
            %eq3A_745 = arith.constant 400002 : i32
            %eq3A_746 = arith.cmpi eq, %squeeze3A_739, %eq3A_745 : i32
            %convert_element_type3A_747 = arith.extui %eq3A_746 : i1 to i32
            %cond3A_748 = arith.constant 0 : i32
            %cond3A_749 = arith.cmpi ne, %convert_element_type3A_747, %cond3A_748 : i32
            scf.if %cond3A_749 {
              %swap3A = arith.index_cast %add3A_737 : i32 to index
              %swap3A_750 = arith.constant 0 : index
              %swap3A_751 = tpu.vector_load %arg8[%swap3A, %swap3A_750] {strides = array<i32>} : memref<512x64xf32, #tpu.memory_space<vmem>>, vector<16xf32>,
              tpu.vector_store %arg8[%swap3A, %swap3A_750], %get3A_23 {strides = array<i32>} : memref<512x64xf32, #tpu.memory_space<vmem>>, vector<16xf32>,
              %swap3A_752 = arith.index_cast %add3A_737 : i32 to index
              %swap3A_753 = arith.constant 16 : index
              %swap3A_754 = tpu.vector_load %arg8[%swap3A_752, %swap3A_753] {strides = array<i32>} : memref<512x64xf32, #tpu.memory_space<vmem>>, vector<16xf32>,
              tpu.vector_store %arg8[%swap3A_752, %swap3A_753], %get3A_27 {strides = array<i32>} : memref<512x64xf32, #tpu.memory_space<vmem>>, vector<16xf32>,
              %swap3A_755 = arith.index_cast %add3A_737 : i32 to index
              %swap3A_756 = arith.constant 32 : index
              %swap3A_757 = tpu.vector_load %arg8[%swap3A_755, %swap3A_756] {strides = array<i32>} : memref<512x64xf32, #tpu.memory_space<vmem>>, vector<16xf32>,
              tpu.vector_store %arg8[%swap3A_755, %swap3A_756], %get3A_31 {strides = array<i32>} : memref<512x64xf32, #tpu.memory_space<vmem>>, vector<16xf32>,
              %swap3A_758 = arith.index_cast %add3A_737 : i32 to index
              %swap3A_759 = arith.constant 48 : index
              %swap3A_760 = tpu.vector_load %arg8[%swap3A_758, %swap3A_759] {strides = array<i32>} : memref<512x64xf32, #tpu.memory_space<vmem>>, vector<16xf32>,
              tpu.vector_store %arg8[%swap3A_758, %swap3A_759], %get3A_35 {strides = array<i32>} : memref<512x64xf32, #tpu.memory_space<vmem>>, vector<16xf32>,
            } else {
            }
          } else {
          }
        }
        %scan3A_477 = arith.constant 32 : i32
      } else {
      }
      %mul3A_458 = arith.constant 512 : i32
      %mul3A_459 = arith.muli %add3A_281, %mul3A_458 : i32
      %add3A_460 = arith.addi %mul3A_4, %mul3A_459 : i32
      %dma_start3A_461 = arith.constant 0 : i32
      %dma_start3A_462 = tpu.memref_slice %arg5[%add3A_460, %dma_start3A_461] : memref<819200x128xf32, #tpu.memory_space<hbm>> -> memref<512x64xf32, #tpu.memory_space<hbm>>
      %dma_start3A_463 = arith.constant 0 : i32
      %dma_start3A_464 = tpu.memref_slice %arg5[%add3A_460, %dma_start3A_463] : memref<819200x128xf32, #tpu.memory_space<hbm>> -> memref<512x64xf32, #tpu.memory_space<hbm>>
      tpu.enqueue_dma source(%arg8 : memref<512x64xf32, #tpu.memory_space<vmem>>) target(%dma_start3A_464 : memref<512x64xf32, #tpu.memory_space<hbm>>) target_semaphore(%arg13 : memref<!tpu.dma_semaphore, #tpu.memory_space<semaphore_mem>>)
      %add3A_465 = arith.constant 1 : i32
      %add3A_466 = arith.addi %add3A_281, %add3A_465 : i32
      %lt3A_467 = arith.constant 50 : i32
      %lt3A_468 = arith.cmpi slt, %add3A_466, %lt3A_467 : i32
      %convert_element_type3A_469 = arith.extui %lt3A_468 : i1 to i32
      %cond3A_470 = arith.constant 0 : i32
      %cond3A_471 = arith.cmpi ne, %convert_element_type3A_469, %cond3A_470 : i32
      scf.if %cond3A_471 {
        %ge3A_472 = arith.constant 1 : i32
        %ge3A_473 = arith.cmpi sge, %add3A_281, %ge3A_472 : i32
        %convert_element_type3A_474 = arith.extui %ge3A_473 : i1 to i32
        %cond3A_475 = arith.constant 0 : i32
        %cond3A_476 = arith.cmpi ne, %convert_element_type3A_474, %cond3A_475 : i32
        scf.if %cond3A_476 {
          %sub3A = arith.constant 1 : i32
          %sub3A_513 = arith.subi %add3A_281, %sub3A : i32
          %mul3A_514 = arith.constant 512 : i32
          %mul3A_515 = arith.muli %sub3A_513, %mul3A_514 : i32
          %add3A_516 = arith.addi %mul3A_4, %mul3A_515 : i32
          %dma_wait3A_517 = arith.constant 0 : i32
          %dma_wait3A_518 = tpu.memref_slice %arg5[%add3A_516, %dma_wait3A_517] : memref<819200x128xf32, #tpu.memory_space<hbm>> -> memref<512x64xf32, #tpu.memory_space<hbm>>
          %dma_wait3A_519 = arith.constant 0 : i32
          %dma_wait3A_520 = tpu.memref_slice %arg5[%add3A_516, %dma_wait3A_519] : memref<819200x128xf32, #tpu.memory_space<hbm>> -> memref<512x64xf32, #tpu.memory_space<hbm>>
          tpu.wait_dma2 semaphore(%arg12 : memref<!tpu.dma_semaphore, #tpu.memory_space<semaphore_mem>>) src(%arg7 : memref<512x64xf32, #tpu.memory_space<vmem>>) dst(%dma_wait3A_520 : memref<512x64xf32, #tpu.memory_space<hbm>>)
        } else {
        }
        %dma_start3A_477 = arith.constant 0 : i32
        %dma_start3A_478 = arith.constant 0 : i32
        %dma_start3A_479 = tpu.memref_slice %arg7[%dma_start3A_477, %dma_start3A_478] : memref<512x64xf32, #tpu.memory_space<vmem>> -> memref<128x64xf32, #tpu.memory_space<vmem>>
        %dma_start3A_480 = arith.constant 0 : i32
        %dma_start3A_481 = tpu.memref_slice %arg6[%add3A_466, %dma_start3A_480] : memref<50x512xi32, #tpu.memory_space<vmem>> -> memref<1x128xi32, #tpu.memory_space<vmem>>
        %dma_start3A_482 = tpu.memref_squeeze %dma_start3A_481 : memref<1x128xi32, #tpu.memory_space<vmem>> -> memref<128xi32, #tpu.memory_space<vmem>>
        %dma_start3A_483 = arith.constant 0 : i32
        %dma_start3A_484 = arith.constant 0 : i32
        %dma_start3A_485 = tpu.memref_slice %arg3[%dma_start3A_483, %dma_start3A_484] : memref<400004x64xf32, #tpu.memory_space<hbm>> -> memref<400004x64xf32, #tpu.memory_space<hbm>>
        tpu.enqueue_indirect_dma source(%dma_start3A_485 : memref<400004x64xf32, #tpu.memory_space<hbm>>) target(%dma_start3A_479 : memref<128x64xf32, #tpu.memory_space<vmem>>) offsets(%dma_start3A_482 : memref<128xi32, #tpu.memory_space<vmem>>) semaphore(%arg10 : memref<!tpu.dma_semaphore, #tpu.memory_space<semaphore_mem>>)
        %dma_start3A_486 = arith.constant 128 : i32
        %dma_start3A_487 = arith.constant 0 : i32
        %dma_start3A_488 = tpu.memref_slice %arg7[%dma_start3A_486, %dma_start3A_487] : memref<512x64xf32, #tpu.memory_space<vmem>> -> memref<128x64xf32, #tpu.memory_space<vmem>>
        %dma_start3A_489 = arith.constant 128 : i32
        %dma_start3A_490 = tpu.memref_slice %arg6[%add3A_466, %dma_start3A_489] : memref<50x512xi32, #tpu.memory_space<vmem>> -> memref<1x128xi32, #tpu.memory_space<vmem>>
        %dma_start3A_491 = tpu.memref_squeeze %dma_start3A_490 : memref<1x128xi32, #tpu.memory_space<vmem>> -> memref<128xi32, #tpu.memory_space<vmem>>
        %dma_start3A_492 = arith.constant 0 : i32
        %dma_start3A_493 = arith.constant 0 : i32
        %dma_start3A_494 = tpu.memref_slice %arg3[%dma_start3A_492, %dma_start3A_493] : memref<400004x64xf32, #tpu.memory_space<hbm>> -> memref<400004x64xf32, #tpu.memory_space<hbm>>
        tpu.enqueue_indirect_dma source(%dma_start3A_494 : memref<400004x64xf32, #tpu.memory_space<hbm>>) target(%dma_start3A_488 : memref<128x64xf32, #tpu.memory_space<vmem>>) offsets(%dma_start3A_491 : memref<128xi32, #tpu.memory_space<vmem>>) semaphore(%arg10 : memref<!tpu.dma_semaphore, #tpu.memory_space<semaphore_mem>>)
        %dma_start3A_495 = arith.constant 256 : i32
        %dma_start3A_496 = arith.constant 0 : i32
        %dma_start3A_497 = tpu.memref_slice %arg7[%dma_start3A_495, %dma_start3A_496] : memref<512x64xf32, #tpu.memory_space<vmem>> -> memref<128x64xf32, #tpu.memory_space<vmem>>
        %dma_start3A_498 = arith.constant 256 : i32
        %dma_start3A_499 = tpu.memref_slice %arg6[%add3A_466, %dma_start3A_498] : memref<50x512xi32, #tpu.memory_space<vmem>> -> memref<1x128xi32, #tpu.memory_space<vmem>>
        %dma_start3A_500 = tpu.memref_squeeze %dma_start3A_499 : memref<1x128xi32, #tpu.memory_space<vmem>> -> memref<128xi32, #tpu.memory_space<vmem>>
        %dma_start3A_501 = arith.constant 0 : i32
        %dma_start3A_502 = arith.constant 0 : i32
        %dma_start3A_503 = tpu.memref_slice %arg3[%dma_start3A_501, %dma_start3A_502] : memref<400004x64xf32, #tpu.memory_space<hbm>> -> memref<400004x64xf32, #tpu.memory_space<hbm>>
        tpu.enqueue_indirect_dma source(%dma_start3A_503 : memref<400004x64xf32, #tpu.memory_space<hbm>>) target(%dma_start3A_497 : memref<128x64xf32, #tpu.memory_space<vmem>>) offsets(%dma_start3A_500 : memref<128xi32, #tpu.memory_space<vmem>>) semaphore(%arg10 : memref<!tpu.dma_semaphore, #tpu.memory_space<semaphore_mem>>)
        %dma_start3A_504 = arith.constant 384 : i32
        %dma_start3A_505 = arith.constant 0 : i32
        %dma_start3A_506 = tpu.memref_slice %arg7[%dma_start3A_504, %dma_start3A_505] : memref<512x64xf32, #tpu.memory_space<vmem>> -> memref<128x64xf32, #tpu.memory_space<vmem>>
        %dma_start3A_507 = arith.constant 384 : i32
        %dma_start3A_508 = tpu.memref_slice %arg6[%add3A_466, %dma_start3A_507] : memref<50x512xi32, #tpu.memory_space<vmem>> -> memref<1x128xi32, #tpu.memory_space<vmem>>
        %dma_start3A_509 = tpu.memref_squeeze %dma_start3A_508 : memref<1x128xi32, #tpu.memory_space<vmem>> -> memref<128xi32, #tpu.memory_space<vmem>>
        %dma_start3A_510 = arith.constant 0 : i32
        %dma_start3A_511 = arith.constant 0 : i32
        %dma_start3A_512 = tpu.memref_slice %arg3[%dma_start3A_510, %dma_start3A_511] : memref<400004x64xf32, #tpu.memory_space<hbm>> -> memref<400004x64xf32, #tpu.memory_space<hbm>>
        tpu.enqueue_indirect_dma source(%dma_start3A_512 : memref<400004x64xf32, #tpu.memory_space<hbm>>) target(%dma_start3A_506 : memref<128x64xf32, #tpu.memory_space<vmem>>) offsets(%dma_start3A_509 : memref<128xi32, #tpu.memory_space<vmem>>) semaphore(%arg10 : memref<!tpu.dma_semaphore, #tpu.memory_space<semaphore_mem>>)
      } else {
      }
    }
    %scan3A_79 = arith.constant 25 : i32
    %add3A_80 = arith.constant 24576 : i32
    %add3A_81 = arith.addi %mul3A_4, %add3A_80 : i32
    %dma_wait3A = arith.constant 0 : i32
    %dma_wait3A_82 = tpu.memref_slice %arg5[%add3A_81, %dma_wait3A] : memref<819200x128xf32, #tpu.memory_space<hbm>> -> memref<512x64xf32, #tpu.memory_space<hbm>>
    %dma_wait3A_83 = arith.constant 0 : i32
    %dma_wait3A_84 = tpu.memref_slice %arg5[%add3A_81, %dma_wait3A_83] : memref<819200x128xf32, #tpu.memory_space<hbm>> -> memref<512x64xf32, #tpu.memory_space<hbm>>
    tpu.wait_dma2 semaphore(%arg12 : memref<!tpu.dma_semaphore, #tpu.memory_space<semaphore_mem>>) src(%arg7 : memref<512x64xf32, #tpu.memory_space<vmem>>) dst(%dma_wait3A_84 : memref<512x64xf32, #tpu.memory_space<hbm>>)
    %add3A_85 = arith.constant 25088 : i32
    %add3A_86 = arith.addi %mul3A_4, %add3A_85 : i32
    %dma_wait3A_87 = arith.constant 0 : i32
    %dma_wait3A_88 = tpu.memref_slice %arg5[%add3A_86, %dma_wait3A_87] : memref<819200x128xf32, #tpu.memory_space<hbm>> -> memref<512x64xf32, #tpu.memory_space<hbm>>
    %dma_wait3A_89 = arith.constant 0 : i32
    %dma_wait3A_90 = tpu.memref_slice %arg5[%add3A_86, %dma_wait3A_89] : memref<819200x128xf32, #tpu.memory_space<hbm>> -> memref<512x64xf32, #tpu.memory_space<hbm>>
    tpu.wait_dma2 semaphore(%arg13 : memref<!tpu.dma_semaphore, #tpu.memory_space<semaphore_mem>>) src(%arg8 : memref<512x64xf32, #tpu.memory_space<vmem>>) dst(%dma_wait3A_90 : memref<512x64xf32, #tpu.memory_space<hbm>>)
    return
  }
}

</mosaic_0001>

<sc_bundles>
// kernel: kernel.3.cloned.1.call-start
scs
__scs_entry_jumppad:
0x0: {  	(pc) =	sbr.rel $0x88, $3  }
0x1: {  	(tag) =	ssettag $0x0;
	lr =	simm.s32 $0x1  }
0x2: {  	[smem:$0x3F9E] =	sst lr;
	_ =	strace $0xD0000000  }
0x3: {  	_ = 	snop  }
0x4: {  	_ = 	snop  }
0x5: {  	_ = 	snop  }
0x6: {  	_ = 	snop  }
0x7: {  	_ = 	snop  }
__scs_overlays_trampoline_lowered:
0x8: {  	[smem:$0x3FAD] =	sst s0  }
0x9: {  	[smem:$0x3FAE] =	sst s1  }
0xa: {  	[smem:$0x3FAF] =	sst s2  }
0xb: {  	[smem:$0x3FB0] =	sst s3  }
0xc: {  	[smem:$0x3FB1] =	sst s4  }
0xd: {  	[smem:$0x3FB2] =	sst s5  }
0xe: {  	[smem:$0x3FB3] =	sst s6  }
0xf: {  	[smem:$0x3FB4] =	sst s7  }
0x10: {  	[smem:$0x3FB5] =	sst s8  }
0x11: {  	[smem:$0x3FB6] =	sst s9;
	s0 =	simm.s32 @!p0 $0x0  }
0x12: {  	s1 =	sld [smem:$0x3F9C];
	s0 =	simm.s32 @p0 $0x1  }
0x13: {  	[smem:$0x3FB7] =	sst s0;
	s0 =	simm.s32 @!p1 $0x0  }
0x14: {  	s2 =	sld [smem:$0x3F9B];
	s0 =	simm.s32 @p1 $0x1  }
0x15: {  	[smem:$0x3FB8] =	sst s0;
	s0 =	simm.s32 @!p2 $0x0  }
0x16: {  	s3 =	sld [smem:$0x3FDB];
	s0 =	simm.s32 @p2 $0x1  }
0x17: {  	s4 =	simm.s32 $0x1BF5;
	[smem:$0x3FBA] =	sst s0  }
0x18: {  	s0 =	sld [smem:$0x3F9D];
	_ =	swait.ge [sflag:s4], $0x0  }
0x19: {  	s7 =	sld [smem:$0x3F9E]  }
0x1a: {  	s8 =	sadd.s32 $0xFFFFE003, lr  }
0x1b: {  	s9 =	sadd.s32 $0xFFFFFEF7, lr;
	s5 =	simm.s32 $0xFFFFFFFF;
	p2 =	slt.u32 s8, $0xFFFFF086  }
0x1c: {  	p1 =	slt.u32 s9, $0xF7A;
	s5 =	simm.s32 @!p2 $0x0  }
0x1d: {  	s5 =	simm.s32 @p1 $0x1;
	p0 =	seq.s32 s7, s2  }
0x1e: {  	s7 =	smul.u32 @!p0 $0xF7A, s2;
	p2 =	seq.s32 @!p0 s5, $0x0  }
0x1f: {  	s9 =	smul.u32 $0xF7A, s1;
	s8 =	simm.s32 @!p0 $0x1BF5;
	p2 =	por !p2, p0  }
0x20: {  	[sflag:s8] =	ssyncset.s32 @!p0 $0xFFFFF086;
	s6 =	sadd.s32 @!p0 s3, s7;
	s7 =	simm.s32 @!p0 $0x108  }
0x21: {  	s3 =	sadd.s32 s3, s9;
	s6 =	sadd.s32 @!p0 $0x88, s6;
	s7 =	simm.s32 @p2 $0x1082  }
0x22: {  	[simem:s7], [sflag:s8] =	dma.local @!p0 [hbm:s6], $0xF7A  }
0x23: {  	s9 =	sor.u32 $0xD0000000, s2;
	s6 =	simm.s32 $0x108;
	_ =	swait.ge @!p0 [sflag:s8], $0x0  }
0x24: {  	s3 =	sadd.s32 $0x88, s3;
	s6 =	simm.s32 @!p1 $0x1082;
	[sflag:s4] =	ssyncset.s32 $0xFFFFF086  }
0x25: {  	[simem:s6], [sflag:s4] =	dma.local [hbm:s3], $0xF7A  }
0x26: {  	[smem:$0x3F9E] =	sst s1;
	(tag) =	ssettag s2;
	_ =	strace s9  }
0x27: {  	s1 =	sld [smem:$0x3FAE]  }
0x28: {  	s2 =	sld [smem:$0x3FAF]  }
0x29: {  	s4 =	sld [smem:$0x3FB1]  }
0x2a: {  	p0 =	seq.s32 s5, $0x0;
	s5 =	sld [smem:$0x3FB2]  }
0x2b: {  	s6 =	sld [smem:$0x3FB3]  }
0x2c: {  	s7 =	sld [smem:$0x3FB4]  }
0x2d: {  	s3 =	simm.s32 $0x108;
	s8 =	sld [smem:$0x3FB5]  }
0x2e: {  	s3 =	simm.s32 @!p0 $0x1082;
	s9 =	sld [smem:$0x3FB6]  }
0x2f: {  	lr =	sadd.s32 s0, s3;
	s0 =	sld [smem:$0x3FAD]  }
0x30: {  	s3 =	sld [smem:$0x3FB0]  }
0x31: {  	[smem:$0x3FB9] =	sst s10  }
0x32: {  	s10 =	sld [smem:$0x3FB7];
	_ =	sdelay $0x3  }
0x33: {  	p0 =	seq.s32 s10, $0x1;
	s10 =	sld [smem:$0x3FB9];
	_ =	sdelay $0x3  }
0x34: {  	[smem:$0x3FB9] =	sst s10  }
0x35: {  	s10 =	sld [smem:$0x3FB8];
	_ =	sdelay $0x3  }
0x36: {  	p1 =	seq.s32 s10, $0x1;
	s10 =	sld [smem:$0x3FB9];
	_ =	sdelay $0x3  }
0x37: {  	[smem:$0x3FB9] =	sst s10  }
0x38: {  	s10 =	sld [smem:$0x3FBA]  }
0x39: {  	_ = 	snop;
	(pc) =	sbr.ind lr, $3  }
0x3a: {  	_ = 	snop  }
0x3b: {  	_ = 	snop  }
0x3c: {  	p2 =	seq.s32 s10, $0x1;
	s10 =	sld [smem:$0x3FB9]  }
0x3d: {  	_ =	shalt  }
0x3e: {  	_ =	shalt  }
0x3f: {  	_ =	shalt  }
0x40: {  	_ =	shalt  }
0x41: {  	_ =	shalt  }
0x42: {  	_ =	shalt  }
0x43: {  	_ =	shalt  }
0x44: {  	_ =	shalt  }
0x45: {  	_ =	shalt  }
0x46: {  	_ =	shalt  }
0x47: {  	_ =	shalt  }
0x48: {  	_ =	shalt  }
0x49: {  	_ =	shalt  }
0x4a: {  	_ =	shalt  }
0x4b: {  	_ =	shalt  }
0x4c: {  	_ =	shalt  }
0x4d: {  	_ =	shalt  }
0x4e: {  	_ =	shalt  }
0x4f: {  	_ =	shalt  }
0x50: {  	_ =	shalt  }
0x51: {  	_ =	shalt  }
0x52: {  	_ =	shalt  }
0x53: {  	_ =	shalt  }
0x54: {  	_ =	shalt  }
0x55: {  	_ =	shalt  }
0x56: {  	_ =	shalt  }
0x57: {  	_ =	shalt  }
0x58: {  	_ =	shalt  }
0x59: {  	_ =	shalt  }
0x5a: {  	_ =	shalt  }
0x5b: {  	_ =	shalt  }
0x5c: {  	_ =	shalt  }
0x5d: {  	_ =	shalt  }
0x5e: {  	_ =	shalt  }
0x5f: {  	_ =	shalt  }
0x60: {  	_ =	shalt  }
0x61: {  	_ =	shalt  }
0x62: {  	_ =	shalt  }
0x63: {  	_ =	shalt  }
0x64: {  	_ =	shalt  }
0x65: {  	_ =	shalt  }
0x66: {  	_ =	shalt  }
0x67: {  	_ =	shalt  }
0x68: {  	_ =	shalt  }
0x69: {  	_ =	shalt  }
0x6a: {  	_ =	shalt  }
0x6b: {  	_ =	shalt  }
0x6c: {  	_ =	shalt  }
0x6d: {  	_ =	shalt  }
0x6e: {  	_ =	shalt  }
0x6f: {  	_ =	shalt  }
0x70: {  	_ =	shalt  }
0x71: {  	_ =	shalt  }
0x72: {  	_ =	shalt  }
0x73: {  	_ =	shalt  }
0x74: {  	_ =	shalt  }
0x75: {  	_ =	shalt  }
0x76: {  	_ =	shalt  }
0x77: {  	_ =	shalt  }
0x78: {  	_ =	shalt  }
0x79: {  	_ =	shalt  }
0x7a: {  	_ =	shalt  }
0x7b: {  	_ =	shalt  }
0x7c: {  	_ =	shalt  }
0x7d: {  	_ =	shalt  }
0x7e: {  	_ =	shalt  }
0x7f: {  	_ =	shalt  }
0x80: {  	_ =	shalt  }
0x81: {  	_ =	shalt  }
0x82: {  	_ =	shalt  }
0x83: {  	_ =	shalt  }
0x84: {  	_ =	shalt  }
0x85: {  	_ =	shalt  }
0x86: {  	_ =	shalt  }
0x87: {  	_ =	shalt  }
.Lfunc_end0:
.L_simem_size_0:
called_computation.1_lowered:
.L_overlay_start_0:
0x88: {  	s2 =	sld [smem:$0x3FD9]  }
0x89: {  	s3 =	sld [smem:$0x3FFE];
	_ =	sdelay $0x1  }
0x8a: {  	s1 =	srdreg.scid  }
0x8b: {  	s0 =	sand.u32 $0x1, s1  }
0x8c: {  	s16 =	sshll.u32 s0, $0xA;
	s2 =	sadd.s32 s3, s2  }
0x8d: {  	s2 =	sadd.s32 s2, s16  }
0x8e: {  	[smem:$0x3FC5] =	sst s2  }
0x8f: {  	_ = 	snop  }
0x90: {  	(tm) =	ssettm $0x1  }
0x91: {  	s17 =	sld [smem:$0x3FFB];
	_ =	sdelay $0x3  }
0x92: {  	_ =	strace s17  }
0x93: {  	s2 =	sld [smem:$0x3FFC];
	_ =	sdelay $0x3  }
0x94: {  	_ =	strace s2  }
0x95: {  	s2 =	sld [smem:$0x3FFD];
	_ =	sdelay $0x3  }
0x96: {  	_ =	strace s2  }
0x97: {  	_ =	strace $0x8FFFFFFF  }
0x98: {  	s18 =	sld [smem:$0x3FDB];
	_ =	sdelay $0x1  }
0x99: {  	s19 =	simm.s32 $_scs_section_size  }
0x9a: {  	s4 =	simm.s32 $_size__tile_overlayer_lowered;
	s5 =	simm.s32 $_tile_overlayer_lowered  }
0x9b: {  	s22 =	simm.s32 $0x1BFF;
	s21 =	sshll.u32 s5, $0x1;
	s2 =	sadd.s32 s19, s18  }
0x9c: {  	s6 =	simm.s32 $0x0;
	s20 =	sshll.u32 s4, $0x1;
	s4 =	sadd.s32 s21, s2  }
0x9d: {  	[timem:s6], [sflag:s22] =	dma.local [hbm:s4], s20  }
0x9e: {  	_ =	swait.ge [sflag:s22], s20  }
0x9f: {  	s3 =	ssub.s32 $0x0, s20;
	[sflag:s22] =	ssyncset.done $0x0  }
0xa0: {  	[sflag:s22] =	ssyncadd.s32 s3;
	_ =	sdelay $0x1  }
0xa1: {  	s23 =	simm.s32 $0x1B8B  }
0xa2: {  	_ =	swait.ge [sflag:s23], $0x1  }
0xa3: {  	[sflag:s23] =	ssyncset.done $0x0  }
0xa4: {  	s25 =	simm.s32 $0x1B8E;
	s24 =	sld [smem:$0x3FFE];
	[sflag:s23] =	ssyncadd.s32 $0xFFFFFFFF  }
0xa5: {  	s26 =	simm.s32 $execute0_lowered;
	[smem:$0x3FD2] =	sst s25  }
0xa6: {  	s4 =	sshll.u32 s26, $0x1;
	_ =	strace $0x80000046;
	[dreg:$0x1] =	wrdreg $0xFFFFFFFF  }
0xa7: {  	s28 =	simm.s32 $_size_execute0_lowered;
	s2 =	sadd.s32 s2, s4;
	[dreg:$0x0] =	wrdreg $0x0  }
0xa8: {  	s4 =	sshll.u32 s28, $0x1;
	[dreg:$0x2] =	wrdreg s2  }
0xa9: {  	[dreg:$0x3] =	wrdreg s4  }
0xaa: {  	[dreg:$0x4] =	wrdreg $0xC0  }
0xab: {  	_ =	task [dreg:s6], $0x5FFFF  }
0xac: {  	[dreg:$0x1] =	wrdreg $0xFFFFFFFF  }
0xad: {  	[dreg:$0x0] =	wrdreg $0x60  }
0xae: {  	[dreg:$0x2] =	wrdreg s24  }
0xaf: {  	[dreg:$0x3] =	wrdreg $0x9  }
0xb0: {  	_ =	task.clear_ibuf [dreg:s6], $0x4FFFF;
	_ =	strace $0x90000046  }
0xb1: {  	s29 =	simm.s32 $0x9;
	_ =	strace $0x80000048  }
0xb2: {  	_ =	swait.ge [sflag:s29], $0x1  }
0xb3: {  	[sflag:s29] =	ssyncadd.s32 $0xFFFFFFFF  }
0xb4: {  	_ =	strace $0x90000048  }
0xb5: {  	_ =	sfence  }
0xb6: {  	s30 =	sld [smem:$0x0];
	_ =	sdelay $0x2  }
0xb7: {  	s31 =	sshll.u32 s1, $0xD;
	s1 =	sshrl.u32 s1, $0x2  }
0xb8: {  	s3 =	sand.u32 $0x4000, s31;
	s1 =	sadd.s32 s1, s30  }
0xb9: {  	s0 =	sor.u32 s3, s0;
	s1 =	sshll.u32 s1, $0x11  }
0xba: {  	s0 =	sor.u32 s1, s0  }
0xbb: {  	s0 =	sadd.s32 $0x8F2B, s0  }
0xbc: {  	[sflag:s0] =	ssyncadd.remote.s32 $0x1  }
0xbd: {  	_ =	sfence.sel $0xFFFF  }
0xbe: {  	[dreg:$0x0] =	wrdreg $0xFFFFFFFF;
	(pc) =	sbr.abs _section_cstart, $3  }
0xbf: {  	[dreg:$0x1] =	wrdreg $0xFFFFFFFF  }
0xc0: {  	_ =	task.clear_ibuf [dreg:s6], $0x2FFFF;
	_ =	strace $0x9FFFFFFF  }
0xc1: {  	(tm) =	ssettm $0x7FFFFFFF  }
tec
execute0_lowered:
.L_overlay_start_1:
0x0: {  	(tag) =	ssettag $0x1  }
0x1: {  	s0 =	srdreg.scid  }
0x2: {  	s2 =	stileid.u32;
	s1 =	rddreg [dreg:$0x0]  }
0x3: {  	s10 =	simm.s32 $0x5;
	s12 =	simm.s32 $0x80;
	s13 =	simm.s32 $0x6400  }
0x4: {  	s14 =	simm.s32 $0x8400;
	s16 =	simm.s32 $0xA400;
	s18 =	simm.s32 $0xC400  }
0x5: {  	s19 =	simm.s32 $0x1;
	s20 =	simm.s32 $0x40;
	s21 =	simm.s32 $0xE400  }
0x6: {  	s22 =	simm.s32 $0x10400;
	s23 =	simm.s32 $0x12400;
	s24 =	simm.s32 $0x14400  }
0x7: {  	s25 =	simm.s32 $0x2;
	s26 =	simm.s32 $0x3;
	s28 =	simm.s32 $0x4  }
0x8: {  	s29 =	simm.s32 $0x0;
	s0 =	sand.u32 $0x1, s0;
	s3 =	sshll.u32 s2, $0x1  }
0x9: {  	s2 =	simm.s32 $0x0;
	s5 =	sadd.s32 $0x800, s1;
	s4 =	sor.u32 s0, s3  }
.Ltmp0:
0xa: {  	[smem:$0x7FF] =	sst s2;
	s0 =	ssub.s32 $0x2, s0;
	(pc) =	sbr.rel .LBB2_1-.Ltmp0, $4  }
0xb: {  	s3 =	smul.u32 $0xC80, s4;
	_ =	strace $0x80000047;
	[dreg:$0x2] =	wrdreg s5  }
0xc: {  	s5 =	sadd.s32 $0x327000, s1;
	s31 =	sshrl.u32 s0, $0x1;
	s6 =	smul.u32 $0x6400, s4  }
0xd: {  	s8 =	smul.u32 $0x320000, s4;
	s0 =	ssub.s32 s0, s31;
	s7 =	sadd.s32 s3, s1  }
0xe: {  	s3 =	sadd.s32 $0x19A00, s1;
	s9 =	smax.u32 s0, $0x1;
	s7 =	sadd.s32 $0xA00, s7  }
.LBB2_140:
0xf: {  	s29 =	sadd.s32 $0x1, s29  }
0x10: {  	p0 =	sne.s32 s29, s9  }
.Ltmp1:
0x11: {  	_ = 	snop;
	(pc) =	sbr.rel @!p0 .LBB2_141-.Ltmp1, $4  }
0x12: {  	_ = 	snop  }
0x13: {  	_ =	swait.ge [sflag:s28], $0x8000  }
0x14: {  	[sflag:s28] =	ssyncset.done $0x0  }
0x15: {  	[sflag:s28] =	ssyncadd.s32 $0xFFFF8000  }
.LBB2_1:
0x16: {  	[tilespmem:s2], [sflag:$0x5] =	stream.linear.gather [hbm4b:s7+s2], $0x6400, $0x38;
	[tilespmem:$0x16480] =	vst v63  }
0x17: {  	_ =	swait.ge [sflag:s10], $0x6400  }
0x18: {  	[sflag:s10] =	ssyncset.done $0x0  }
0x19: {  	s1 =	simm.s32 $0x16400;
	s0 =	rddreg [dreg:$0x2];
	[sflag:s10] =	ssyncadd.s32 $0xFFFF9C00  }
0x1a: {  	[tilespmem:s1], [sflag:$0x5] =	stream.linear.gather [hbm4b:s0+s2], $0x80, $0x38;
	[tilespmem:$0x16480] =	vst v63  }
0x1b: {  	_ =	swait.ge [sflag:s10], $0x80  }
0x1c: {  	[sflag:s10] =	ssyncset.done $0x0  }
0x1d: {  	[sflag:s10] =	ssyncadd.s32 $0xFFFFFF80  }
0x1e: {  	v0 =	vld [tilespmem:$0x16400]  }
0x1f: {  	v1 =	vld [tilespmem:$0x16410]  }
0x20: {  	v2 =	vld [tilespmem:$0x16420]  }
0x21: {  	v3 =	vld [tilespmem:$0x16430]  }
0x22: {  	v4 =	vld [tilespmem:$0x16440]  }
0x23: {  	v5 =	vld [tilespmem:$0x16450]  }
0x24: {  	v6 =	vld [tilespmem:$0x16460]  }
0x25: {  	v7 =	vld [tilespmem:$0x16470];
	[tilespmem:s13], [sflag:$0x1] =	stream.indirect.gather [hbm4b:s3+s12], $0x40, s2, s12, $0xb8  }
0x26: {  	_ = 	snop  }
0x27: {  	[tilespmem:s14], [sflag:$0x1] =	stream.indirect.gather [hbm4b:s3+s12], $0x40, s12, s12, $0xb8;
	[tilespmem:$0x16480] =	vst v63  }
0x28: {  	s15 =	simm.s32 $0x100;
	s17 =	simm.s32 $0x180  }
0x29: {  	[tilespmem:s16], [sflag:$0x1] =	stream.indirect.gather [hbm4b:s3+s12], $0x40, s15, s12, $0xb8;
	[tilespmem:$0x16480] =	vst v63  }
0x2a: {  	s30 =	simm.s32 $0x200;
	s31 =	simm.s32 $0x0;
	s1 =	simm.s32 $0x0  }
0x2b: {  	[tilespmem:s18], [sflag:$0x1] =	stream.indirect.gather [hbm4b:s3+s12], $0x40, s17, s12, $0xb8;
	[tilespmem:$0x16480] =	vst v63  }
.LBB2_2:
0x2c: {  	_ =	swait.ge [sflag:s19], $0x2000  }
0x2d: {  	[sflag:s19] =	ssyncset.done $0x0  }
0x2e: {  	[sflag:s19] =	ssyncadd.s32 $0xFFFFE000  }
0x2f: {  	_ =	swait.ge [sflag:s19], $0x2000  }
0x30: {  	[sflag:s19] =	ssyncset.done $0x0  }
0x31: {  	[sflag:s19] =	ssyncadd.s32 $0xFFFFE000  }
0x32: {  	_ =	swait.ge [sflag:s19], $0x2000  }
0x33: {  	[sflag:s19] =	ssyncset.done $0x0  }
0x34: {  	[sflag:s19] =	ssyncadd.s32 $0xFFFFE000  }
0x35: {  	_ =	swait.ge [sflag:s19], $0x2000  }
0x36: {  	[sflag:s19] =	ssyncset.done $0x0  }
0x37: {  	s0 =	sshll.u32 s1, $0xA;
	[sflag:s19] =	ssyncadd.s32 $0xFFFFE000  }
0x38: {  	v8 =	vld [tilespmem:s0+$0x0]  }
0x39: {  	v9 =	vld [tilespmem:s0+$0x10];
	_ =	sdelay $0x1  }
0x3a: {  	v10 =	vld [tilespmem:s0+$0x20];
	_ =	sdelay $0x1  }
0x3b: {  	v11 =	vld [tilespmem:s0+$0x30]  }
0x3c: {  	vm0 =	vgt.s32 v8, v9  }
0x3d: {  	v36 =	vld [tilespmem:s0+$0x40];
	v8 =	vsel vm0, v8, v9  }
0x3e: {  	vm0 =	vgt.s32 v8, v10  }
0x3f: {  	v37 =	vld [tilespmem:s0+$0x50];
	v8 =	vsel vm0, v8, v10  }
0x40: {  	vm0 =	vgt.s32 v8, v11  }
0x41: {  	v38 =	vld [tilespmem:s0+$0x60];
	v8 =	vsel vm0, v8, v11  }
0x42: {  	vm0 =	vgt.s32 v8, v36  }
0x43: {  	v39 =	vld [tilespmem:s0+$0x70];
	v8 =	vsel vm0, v8, v36  }
0x44: {  	vm0 =	vgt.s32 v8, v37  }
0x45: {  	v40 =	vld [tilespmem:s0+$0x80];
	v8 =	vsel vm0, v8, v37  }
0x46: {  	vm0 =	vgt.s32 v8, v38  }
0x47: {  	v41 =	vld [tilespmem:s0+$0x90];
	v8 =	vsel vm0, v8, v38  }
0x48: {  	vm0 =	vgt.s32 v8, v39  }
0x49: {  	v42 =	vld [tilespmem:s0+$0xA0];
	v8 =	vsel vm0, v8, v39  }
0x4a: {  	vm0 =	vgt.s32 v8, v40  }
0x4b: {  	v43 =	vld [tilespmem:s0+$0xB0];
	v8 =	vsel vm0, v8, v40  }
0x4c: {  	vm0 =	vgt.s32 v8, v41  }
0x4d: {  	v44 =	vld [tilespmem:s0+$0xC0];
	v8 =	vsel vm0, v8, v41  }
0x4e: {  	vm0 =	vgt.s32 v8, v42  }
0x4f: {  	v45 =	vld [tilespmem:s0+$0xD0];
	v8 =	vsel vm0, v8, v42  }
0x50: {  	vm0 =	vgt.s32 v8, v43  }
0x51: {  	v46 =	vld [tilespmem:s0+$0xE0];
	v8 =	vsel vm0, v8, v43  }
0x52: {  	vm0 =	vgt.s32 v8, v44  }
0x53: {  	v47 =	vld [tilespmem:s0+$0xF0];
	v8 =	vsel vm0, v8, v44  }
0x54: {  	vm0 =	vgt.s32 v8, v45  }
0x55: {  	v48 =	vld [tilespmem:s0+$0x100];
	v8 =	vsel vm0, v8, v45  }
0x56: {  	vm0 =	vgt.s32 v8, v46  }
0x57: {  	v49 =	vld [tilespmem:s0+$0x110];
	v8 =	vsel vm0, v8, v46  }
0x58: {  	vm0 =	vgt.s32 v8, v47  }
0x59: {  	v50 =	vld [tilespmem:s0+$0x120];
	v8 =	vsel vm0, v8, v47  }
0x5a: {  	vm0 =	vgt.s32 v8, v48  }
0x5b: {  	v51 =	vld [tilespmem:s0+$0x130];
	v8 =	vsel vm0, v8, v48  }
0x5c: {  	vm0 =	vgt.s32 v8, v49  }
0x5d: {  	v52 =	vld [tilespmem:s0+$0x140];
	v8 =	vsel vm0, v8, v49  }
0x5e: {  	vm0 =	vgt.s32 v8, v50  }
0x5f: {  	v53 =	vld [tilespmem:s0+$0x150];
	v8 =	vsel vm0, v8, v50  }
0x60: {  	vm0 =	vgt.s32 v8, v51  }
0x61: {  	v54 =	vld [tilespmem:s0+$0x160];
	v8 =	vsel vm0, v8, v51  }
0x62: {  	vm0 =	vgt.s32 v8, v52  }
0x63: {  	v55 =	vld [tilespmem:s0+$0x170];
	v8 =	vsel vm0, v8, v52  }
0x64: {  	vm0 =	vgt.s32 v8, v53  }
0x65: {  	v56 =	vld [tilespmem:s0+$0x180];
	v8 =	vsel vm0, v8, v53  }
0x66: {  	vm0 =	vgt.s32 v8, v54  }
0x67: {  	v57 =	vld [tilespmem:s0+$0x190];
	v8 =	vsel vm0, v8, v54  }
0x68: {  	vm0 =	vgt.s32 v8, v55  }
0x69: {  	v58 =	vld [tilespmem:s0+$0x1A0];
	v8 =	vsel vm0, v8, v55  }
0x6a: {  	vm0 =	vgt.s32 v8, v56  }
0x6b: {  	v59 =	vld [tilespmem:s0+$0x1B0];
	v8 =	vsel vm0, v8, v56  }
0x6c: {  	vm0 =	vgt.s32 v8, v57  }
0x6d: {  	v60 =	vld [tilespmem:s0+$0x1C0];
	v8 =	vsel vm0, v8, v57  }
0x6e: {  	vm0 =	vgt.s32 v8, v58  }
0x6f: {  	v61 =	vld [tilespmem:s0+$0x1D0];
	v8 =	vsel vm0, v8, v58  }
0x70: {  	vm0 =	vgt.s32 v8, v59  }
0x71: {  	v62 =	vld [tilespmem:s0+$0x1E0];
	v8 =	vsel vm0, v8, v59  }
0x72: {  	vm0 =	vgt.s32 v8, v60  }
0x73: {  	v63 =	vld [tilespmem:s0+$0x1F0];
	v8 =	vsel vm0, v8, v60  }
0x74: {  	vm0 =	vgt.s32 v8, v61  }
0x75: {  	v8 =	vsel vm0, v8, v61  }
0x76: {  	vm0 =	vgt.s32 v8, v62  }
0x77: {  	v8 =	vsel vm0, v8, v62  }
0x78: {  	vm0 =	vgt.s32 v8, v63  }
0x79: {  	v8 =	vsel vm0, v8, v63  }
0x7a: {  	v8 =	vxor.u32 $0x80000000, v8  }
0x7b: {  	(xrf0) =	vmax.scan.msk.u32 $0xffff, v8;
	_ =	sdelay $0x5  }
0x7c: {  	v8, _, _ =	vpop (xrf0)  }
0x7d: {  	(v2sf) =	vpush v8, $0xF;
	_ =	sdelay $0xe  }
0x7e: {  	s4 =	spop (v2sf)  }
0x7f: {  	p0 =	slt.u32 s4, $0x80061A81  }
.Ltmp2:
0x80: {  	_ = 	snop;
	(pc) =	sbr.rel @p0 .LBB2_70-.Ltmp2, $1  }
0x81: {  	_ =	sdelay $0x3  }
.Ltmp3:
0x82: {  	(pc) =	sbr.rel .LBB2_4-.Ltmp3, $2  }
0x83: {  	_ =	sdelay $0x2  }
0x84: {  	s11 =	simm.s32 $0x0;
	s15 =	simm.s32 $0x6600;
	v8 =	vmov s31  }
.LBB2_68:
0x85: {  	[tilespmem:s15+$0x1C0] =	vst v9  }
0x86: {  	[tilespmem:s15+$0x1D0] =	vst v10  }
0x87: {  	[tilespmem:s15+$0x1E0] =	vst v11  }
0x88: {  	[tilespmem:s15+$0x1F0] =	vst v12  }
.LBB2_69:
0x89: {  	s11 =	sadd.s32 $0x40, s11  }
0x8a: {  	p0 =	sne.s32 s11, $0x800  }
.Ltmp4:
0x8b: {  	_ = 	snop;
	(pc) =	sbr.rel @!p0 .LBB2_70-.Ltmp4, $2  }
0x8c: {  	_ =	sdelay $0x2  }
0x8d: {  	s15 =	sadd.s32 $0x400, s15  }
.LBB2_4:
0x8e: {  	_ =	sdelay $0x2  }
0x8f: {  	s4 =	sshra.s32 s11, $0x2  }
0x90: {  	v9 =	vld.idx.msk [tilespmem:v8+s4+$0x0 ss:$0x1], $0xffff;
	_ =	sdelay $0x4  }
0x91: {  	v10 =	vxor.u32 $0x80000000, v9  }
0x92: {  	(xrf0) =	vmax.scan.msk.u32 $0xffff, v10;
	_ =	sdelay $0x5  }
0x93: {  	v10, _, _ =	vpop (xrf0)  }
0x94: {  	(v2sf) =	vpush v10, $0xF;
	_ =	sdelay $0xe  }
0x95: {  	s17 =	spop (v2sf)  }
0x96: {  	p0 =	slt.u32 s17, $0x80061A81  }
.Ltmp5:
0x97: {  	_ = 	snop;
	(pc) =	sbr.rel @p0 .LBB2_69-.Ltmp5, $1  }
0x98: {  	_ =	sdelay $0x3  }
0x99: {  	(v2sf) =	vpush v9, $0x0;
	_ =	sdelay $0xe  }
0x9a: {  	s17 =	spop (v2sf)  }
0x9b: {  	p0 =	seq.s32 s17, $0x61A81  }
.Ltmp6:
0x9c: {  	_ = 	snop;
	(pc) =	sbr.rel @p0 .LBB2_8-.Ltmp6, $2  }
0x9d: {  	_ =	sdelay $0x2  }
0x9e: {  	v10 =	vmovc v0;
	v11 =	vmov v1;
	v12 =	vmov v2;
	v13 =	vmov v3  }
0x9f: {  	p0 =	sne.s32 s17, $0x61A82  }
.Ltmp7:
0xa0: {  	_ = 	snop;
	(pc) =	sbr.rel @p0 .LBB2_9-.Ltmp7, $1  }
0xa1: {  	_ =	sdelay $0x3  }
0xa2: {  	v10 =	vmovc v4;
	v11 =	vmov v5;
	v12 =	vmov v6;
	v13 =	vmov v7  }
.LBB2_8:
0xa3: {  	[tilespmem:s15+$0xFFFFFE00] =	vst v10  }
0xa4: {  	[tilespmem:s15+$0xFFFFFE10] =	vst v11  }
0xa5: {  	[tilespmem:s15+$0xFFFFFE20] =	vst v12  }
0xa6: {  	[tilespmem:s15+$0xFFFFFE30] =	vst v13  }
.LBB2_9:
0xa7: {  	(v2sf) =	vpush v9, $0x1;
	_ =	sdelay $0xe  }
0xa8: {  	s17 =	spop (v2sf)  }
0xa9: {  	p0 =	seq.s32 s17, $0x61A81  }
.Ltmp8:
0xaa: {  	_ = 	snop;
	(pc) =	sbr.rel @p0 .LBB2_12-.Ltmp8, $2  }
0xab: {  	_ =	sdelay $0x2  }
0xac: {  	v10 =	vmovc v0;
	v11 =	vmov v1;
	v12 =	vmov v2;
	v13 =	vmov v3  }
0xad: {  	p0 =	sne.s32 s17, $0x61A82  }
.Ltmp9:
0xae: {  	_ = 	snop;
	(pc) =	sbr.rel @p0 .LBB2_13-.Ltmp9, $1  }
0xaf: {  	_ =	sdelay $0x3  }
0xb0: {  	v10 =	vmovc v4;
	v11 =	vmov v5;
	v12 =	vmov v6;
	v13 =	vmov v7  }
.LBB2_12:
0xb1: {  	[tilespmem:s15+$0xFFFFFE40] =	vst v10  }
0xb2: {  	[tilespmem:s15+$0xFFFFFE50] =	vst v11  }
0xb3: {  	[tilespmem:s15+$0xFFFFFE60] =	vst v12  }
0xb4: {  	[tilespmem:s15+$0xFFFFFE70] =	vst v13  }
.LBB2_13:
0xb5: {  	(v2sf) =	vpush v9, $0x2;
	_ =	sdelay $0xe  }
0xb6: {  	s17 =	spop (v2sf)  }
0xb7: {  	p0 =	seq.s32 s17, $0x61A81  }
.Ltmp10:
0xb8: {  	_ = 	snop;
	(pc) =	sbr.rel @p0 .LBB2_16-.Ltmp10, $2  }
0xb9: {  	_ =	sdelay $0x2  }
0xba: {  	v10 =	vmovc v0;
	v11 =	vmov v1;
	v12 =	vmov v2;
	v13 =	vmov v3  }
0xbb: {  	p0 =	sne.s32 s17, $0x61A82  }
.Ltmp11:
0xbc: {  	_ = 	snop;
	(pc) =	sbr.rel @p0 .LBB2_17-.Ltmp11, $1  }
0xbd: {  	_ =	sdelay $0x3  }
0xbe: {  	v10 =	vmovc v4;
	v11 =	vmov v5;
	v12 =	vmov v6;
	v13 =	vmov v7  }
.LBB2_16:
0xbf: {  	[tilespmem:s15+$0xFFFFFE80] =	vst v10  }
0xc0: {  	[tilespmem:s15+$0xFFFFFE90] =	vst v11  }
0xc1: {  	[tilespmem:s15+$0xFFFFFEA0] =	vst v12  }
0xc2: {  	[tilespmem:s15+$0xFFFFFEB0] =	vst v13  }
.LBB2_17:
0xc3: {  	(v2sf) =	vpush v9, $0x3;
	_ =	sdelay $0xe  }
0xc4: {  	s17 =	spop (v2sf)  }
0xc5: {  	p0 =	seq.s32 s17, $0x61A81  }
.Ltmp12:
0xc6: {  	_ = 	snop;
	(pc) =	sbr.rel @p0 .LBB2_20-.Ltmp12, $2  }
0xc7: {  	_ =	sdelay $0x2  }
0xc8: {  	v10 =	vmovc v0;
	v11 =	vmov v1;
	v12 =	vmov v2;
	v13 =	vmov v3  }
0xc9: {  	p0 =	sne.s32 s17, $0x61A82  }
.Ltmp13:
0xca: {  	_ = 	snop;
	(pc) =	sbr.rel @p0 .LBB2_21-.Ltmp13, $1  }
0xcb: {  	_ =	sdelay $0x3  }
0xcc: {  	v10 =	vmovc v4;
	v11 =	vmov v5;
	v12 =	vmov v6;
	v13 =	vmov v7  }
.LBB2_20:
0xcd: {  	[tilespmem:s15+$0xFFFFFEC0] =	vst v10  }
0xce: {  	[tilespmem:s15+$0xFFFFFED0] =	vst v11  }
0xcf: {  	[tilespmem:s15+$0xFFFFFEE0] =	vst v12  }
0xd0: {  	[tilespmem:s15+$0xFFFFFEF0] =	vst v13  }
.LBB2_21:
0xd1: {  	(v2sf) =	vpush v9, $0x4;
	_ =	sdelay $0xe  }
0xd2: {  	s17 =	spop (v2sf)  }
0xd3: {  	p0 =	seq.s32 s17, $0x61A81  }
.Ltmp14:
0xd4: {  	_ = 	snop;
	(pc) =	sbr.rel @p0 .LBB2_24-.Ltmp14, $2  }
0xd5: {  	_ =	sdelay $0x2  }
0xd6: {  	v10 =	vmovc v0;
	v11 =	vmov v1;
	v12 =	vmov v2;
	v13 =	vmov v3  }
0xd7: {  	p0 =	sne.s32 s17, $0x61A82  }
.Ltmp15:
0xd8: {  	_ = 	snop;
	(pc) =	sbr.rel @p0 .LBB2_25-.Ltmp15, $1  }
0xd9: {  	_ =	sdelay $0x3  }
0xda: {  	v10 =	vmovc v4;
	v11 =	vmov v5;
	v12 =	vmov v6;
	v13 =	vmov v7  }
.LBB2_24:
0xdb: {  	[tilespmem:s15+$0xFFFFFF00] =	vst v10  }
0xdc: {  	[tilespmem:s15+$0xFFFFFF10] =	vst v11  }
0xdd: {  	[tilespmem:s15+$0xFFFFFF20] =	vst v12  }
0xde: {  	[tilespmem:s15+$0xFFFFFF30] =	vst v13  }
.LBB2_25:
0xdf: {  	(v2sf) =	vpush v9, $0x5;
	_ =	sdelay $0xe  }
0xe0: {  	s17 =	spop (v2sf)  }
0xe1: {  	p0 =	seq.s32 s17, $0x61A81  }
.Ltmp16:
0xe2: {  	_ = 	snop;
	(pc) =	sbr.rel @p0 .LBB2_28-.Ltmp16, $2  }
0xe3: {  	_ =	sdelay $0x2  }
0xe4: {  	v10 =	vmovc v0;
	v11 =	vmov v1;
	v12 =	vmov v2;
	v13 =	vmov v3  }
0xe5: {  	p0 =	sne.s32 s17, $0x61A82  }
.Ltmp17:
0xe6: {  	_ = 	snop;
	(pc) =	sbr.rel @p0 .LBB2_29-.Ltmp17, $1  }
0xe7: {  	_ =	sdelay $0x3  }
0xe8: {  	v10 =	vmovc v4;
	v11 =	vmov v5;
	v12 =	vmov v6;
	v13 =	vmov v7  }
.LBB2_28:
0xe9: {  	[tilespmem:s15+$0xFFFFFF40] =	vst v10  }
0xea: {  	[tilespmem:s15+$0xFFFFFF50] =	vst v11  }
0xeb: {  	[tilespmem:s15+$0xFFFFFF60] =	vst v12  }
0xec: {  	[tilespmem:s15+$0xFFFFFF70] =	vst v13  }
.LBB2_29:
0xed: {  	(v2sf) =	vpush v9, $0x6;
	_ =	sdelay $0xe  }
0xee: {  	s17 =	spop (v2sf)  }
0xef: {  	p0 =	seq.s32 s17, $0x61A81  }
.Ltmp18:
0xf0: {  	_ = 	snop;
	(pc) =	sbr.rel @p0 .LBB2_32-.Ltmp18, $2  }
0xf1: {  	_ =	sdelay $0x2  }
0xf2: {  	v10 =	vmovc v0;
	v11 =	vmov v1;
	v12 =	vmov v2;
	v13 =	vmov v3  }
0xf3: {  	p0 =	sne.s32 s17, $0x61A82  }
.Ltmp19:
0xf4: {  	_ = 	snop;
	(pc) =	sbr.rel @p0 .LBB2_33-.Ltmp19, $1  }
0xf5: {  	_ =	sdelay $0x3  }
0xf6: {  	v10 =	vmovc v4;
	v11 =	vmov v5;
	v12 =	vmov v6;
	v13 =	vmov v7  }
.LBB2_32:
0xf7: {  	[tilespmem:s15+$0xFFFFFF80] =	vst v10  }
0xf8: {  	[tilespmem:s15+$0xFFFFFF90] =	vst v11  }
0xf9: {  	[tilespmem:s15+$0xFFFFFFA0] =	vst v12  }
0xfa: {  	[tilespmem:s15+$0xFFFFFFB0] =	vst v13  }
.LBB2_33:
0xfb: {  	(v2sf) =	vpush v9, $0x7;
	_ =	sdelay $0xe  }
0xfc: {  	s17 =	spop (v2sf)  }
0xfd: {  	p0 =	seq.s32 s17, $0x61A81  }
.Ltmp20:
0xfe: {  	_ = 	snop;
	(pc) =	sbr.rel @p0 .LBB2_36-.Ltmp20, $2  }
0xff: {  	_ =	sdelay $0x2  }
0x100: {  	v10 =	vmovc v0;
	v11 =	vmov v1;
	v12 =	vmov v2;
	v13 =	vmov v3  }
0x101: {  	p0 =	sne.s32 s17, $0x61A82  }
.Ltmp21:
0x102: {  	_ = 	snop;
	(pc) =	sbr.rel @p0 .LBB2_37-.Ltmp21, $1  }
0x103: {  	_ =	sdelay $0x3  }
0x104: {  	v10 =	vmovc v4;
	v11 =	vmov v5;
	v12 =	vmov v6;
	v13 =	vmov v7  }
.LBB2_36:
0x105: {  	[tilespmem:s15+$0xFFFFFFC0] =	vst v10  }
0x106: {  	[tilespmem:s15+$0xFFFFFFD0] =	vst v11  }
0x107: {  	[tilespmem:s15+$0xFFFFFFE0] =	vst v12  }
0x108: {  	[tilespmem:s15+$0xFFFFFFF0] =	vst v13  }
.LBB2_37:
0x109: {  	(v2sf) =	vpush v9, $0x8;
	_ =	sdelay $0xe  }
0x10a: {  	s17 =	spop (v2sf)  }
0x10b: {  	p0 =	seq.s32 s17, $0x61A81  }
.Ltmp22:
0x10c: {  	_ = 	snop;
	(pc) =	sbr.rel @p0 .LBB2_40-.Ltmp22, $2  }
0x10d: {  	_ =	sdelay $0x2  }
0x10e: {  	v10 =	vmovc v0;
	v11 =	vmov v1;
	v12 =	vmov v2;
	v13 =	vmov v3  }
0x10f: {  	p0 =	sne.s32 s17, $0x61A82  }
.Ltmp23:
0x110: {  	_ = 	snop;
	(pc) =	sbr.rel @p0 .LBB2_41-.Ltmp23, $1  }
0x111: {  	_ =	sdelay $0x3  }
0x112: {  	v10 =	vmovc v4;
	v11 =	vmov v5;
	v12 =	vmov v6;
	v13 =	vmov v7  }
.LBB2_40:
0x113: {  	[tilespmem:s15+$0x0] =	vst v10  }
0x114: {  	[tilespmem:s15+$0x10] =	vst v11  }
0x115: {  	[tilespmem:s15+$0x20] =	vst v12  }
0x116: {  	[tilespmem:s15+$0x30] =	vst v13  }
.LBB2_41:
0x117: {  	(v2sf) =	vpush v9, $0x9;
	_ =	sdelay $0xe  }
0x118: {  	s17 =	spop (v2sf)  }
0x119: {  	p0 =	seq.s32 s17, $0x61A81  }
.Ltmp24:
0x11a: {  	_ = 	snop;
	(pc) =	sbr.rel @p0 .LBB2_44-.Ltmp24, $2  }
0x11b: {  	_ =	sdelay $0x2  }
0x11c: {  	v10 =	vmovc v0;
	v11 =	vmov v1;
	v12 =	vmov v2;
	v13 =	vmov v3  }
0x11d: {  	p0 =	sne.s32 s17, $0x61A82  }
.Ltmp25:
0x11e: {  	_ = 	snop;
	(pc) =	sbr.rel @p0 .LBB2_45-.Ltmp25, $1  }
0x11f: {  	_ =	sdelay $0x3  }
0x120: {  	v10 =	vmovc v4;
	v11 =	vmov v5;
	v12 =	vmov v6;
	v13 =	vmov v7  }
.LBB2_44:
0x121: {  	[tilespmem:s15+$0x40] =	vst v10  }
0x122: {  	[tilespmem:s15+$0x50] =	vst v11  }
0x123: {  	[tilespmem:s15+$0x60] =	vst v12  }
0x124: {  	[tilespmem:s15+$0x70] =	vst v13  }
.LBB2_45:
0x125: {  	(v2sf) =	vpush v9, $0xA;
	_ =	sdelay $0xe  }
0x126: {  	s17 =	spop (v2sf)  }
0x127: {  	p0 =	seq.s32 s17, $0x61A81  }
.Ltmp26:
0x128: {  	_ = 	snop;
	(pc) =	sbr.rel @p0 .LBB2_48-.Ltmp26, $2  }
0x129: {  	_ =	sdelay $0x2  }
0x12a: {  	v10 =	vmovc v0;
	v11 =	vmov v1;
	v12 =	vmov v2;
	v13 =	vmov v3  }
0x12b: {  	p0 =	sne.s32 s17, $0x61A82  }
.Ltmp27:
0x12c: {  	_ = 	snop;
	(pc) =	sbr.rel @p0 .LBB2_49-.Ltmp27, $1  }
0x12d: {  	_ =	sdelay $0x3  }
0x12e: {  	v10 =	vmovc v4;
	v11 =	vmov v5;
	v12 =	vmov v6;
	v13 =	vmov v7  }
.LBB2_48:
0x12f: {  	[tilespmem:s15+$0x80] =	vst v10  }
0x130: {  	[tilespmem:s15+$0x90] =	vst v11  }
0x131: {  	[tilespmem:s15+$0xA0] =	vst v12  }
0x132: {  	[tilespmem:s15+$0xB0] =	vst v13  }
.LBB2_49:
0x133: {  	(v2sf) =	vpush v9, $0xB;
	_ =	sdelay $0xe  }
0x134: {  	s17 =	spop (v2sf)  }
0x135: {  	p0 =	seq.s32 s17, $0x61A81  }
.Ltmp28:
0x136: {  	_ = 	snop;
	(pc) =	sbr.rel @p0 .LBB2_52-.Ltmp28, $2  }
0x137: {  	_ =	sdelay $0x2  }
0x138: {  	v10 =	vmovc v0;
	v11 =	vmov v1;
	v12 =	vmov v2;
	v13 =	vmov v3  }
0x139: {  	p0 =	sne.s32 s17, $0x61A82  }
.Ltmp29:
0x13a: {  	_ = 	snop;
	(pc) =	sbr.rel @p0 .LBB2_53-.Ltmp29, $1  }
0x13b: {  	_ =	sdelay $0x3  }
0x13c: {  	v10 =	vmovc v4;
	v11 =	vmov v5;
	v12 =	vmov v6;
	v13 =	vmov v7  }
.LBB2_52:
0x13d: {  	[tilespmem:s15+$0xC0] =	vst v10  }
0x13e: {  	[tilespmem:s15+$0xD0] =	vst v11  }
0x13f: {  	[tilespmem:s15+$0xE0] =	vst v12  }
0x140: {  	[tilespmem:s15+$0xF0] =	vst v13  }
.LBB2_53:
0x141: {  	(v2sf) =	vpush v9, $0xC;
	_ =	sdelay $0xe  }
0x142: {  	s17 =	spop (v2sf)  }
0x143: {  	p0 =	seq.s32 s17, $0x61A81  }
.Ltmp30:
0x144: {  	_ = 	snop;
	(pc) =	sbr.rel @p0 .LBB2_56-.Ltmp30, $2  }
0x145: {  	_ =	sdelay $0x2  }
0x146: {  	v10 =	vmovc v0;
	v11 =	vmov v1;
	v12 =	vmov v2;
	v13 =	vmov v3  }
0x147: {  	p0 =	sne.s32 s17, $0x61A82  }
.Ltmp31:
0x148: {  	_ = 	snop;
	(pc) =	sbr.rel @p0 .LBB2_57-.Ltmp31, $1  }
0x149: {  	_ =	sdelay $0x3  }
0x14a: {  	v10 =	vmovc v4;
	v11 =	vmov v5;
	v12 =	vmov v6;
	v13 =	vmov v7  }
.LBB2_56:
0x14b: {  	[tilespmem:s15+$0x100] =	vst v10  }
0x14c: {  	[tilespmem:s15+$0x110] =	vst v11  }
0x14d: {  	[tilespmem:s15+$0x120] =	vst v12  }
0x14e: {  	[tilespmem:s15+$0x130] =	vst v13  }
.LBB2_57:
0x14f: {  	(v2sf) =	vpush v9, $0xD;
	_ =	sdelay $0xe  }
0x150: {  	s17 =	spop (v2sf)  }
0x151: {  	p0 =	seq.s32 s17, $0x61A81  }
.Ltmp32:
0x152: {  	_ = 	snop;
	(pc) =	sbr.rel @p0 .LBB2_60-.Ltmp32, $2  }
0x153: {  	_ =	sdelay $0x2  }
0x154: {  	v10 =	vmovc v0;
	v11 =	vmov v1;
	v12 =	vmov v2;
	v13 =	vmov v3  }
0x155: {  	p0 =	sne.s32 s17, $0x61A82  }
.Ltmp33:
0x156: {  	_ = 	snop;
	(pc) =	sbr.rel @p0 .LBB2_61-.Ltmp33, $1  }
0x157: {  	_ =	sdelay $0x3  }
0x158: {  	v10 =	vmovc v4;
	v11 =	vmov v5;
	v12 =	vmov v6;
	v13 =	vmov v7  }
.LBB2_60:
0x159: {  	[tilespmem:s15+$0x140] =	vst v10  }
0x15a: {  	[tilespmem:s15+$0x150] =	vst v11  }
0x15b: {  	[tilespmem:s15+$0x160] =	vst v12  }
0x15c: {  	[tilespmem:s15+$0x170] =	vst v13  }
.LBB2_61:
0x15d: {  	(v2sf) =	vpush v9, $0xE;
	_ =	sdelay $0xe  }
0x15e: {  	s17 =	spop (v2sf)  }
0x15f: {  	p0 =	seq.s32 s17, $0x61A81  }
.Ltmp34:
0x160: {  	_ = 	snop;
	(pc) =	sbr.rel @p0 .LBB2_64-.Ltmp34, $2  }
0x161: {  	_ =	sdelay $0x2  }
0x162: {  	v10 =	vmovc v0;
	v11 =	vmov v1;
	v12 =	vmov v2;
	v13 =	vmov v3  }
0x163: {  	p0 =	sne.s32 s17, $0x61A82  }
.Ltmp35:
0x164: {  	_ = 	snop;
	(pc) =	sbr.rel @p0 .LBB2_65-.Ltmp35, $1  }
0x165: {  	_ =	sdelay $0x3  }
0x166: {  	v10 =	vmovc v4;
	v11 =	vmov v5;
	v12 =	vmov v6;
	v13 =	vmov v7  }
.LBB2_64:
0x167: {  	[tilespmem:s15+$0x180] =	vst v10  }
0x168: {  	[tilespmem:s15+$0x190] =	vst v11  }
0x169: {  	[tilespmem:s15+$0x1A0] =	vst v12  }
0x16a: {  	[tilespmem:s15+$0x1B0] =	vst v13  }
.LBB2_65:
0x16b: {  	(v2sf) =	vpush v9, $0xF;
	_ =	sdelay $0xe  }
0x16c: {  	s17 =	spop (v2sf)  }
0x16d: {  	p0 =	seq.s32 s17, $0x61A81  }
.Ltmp36:
0x16e: {  	_ = 	snop;
	(pc) =	sbr.rel @p0 .LBB2_68-.Ltmp36, $2  }
0x16f: {  	_ =	sdelay $0x2  }
0x170: {  	v9 =	vmovc v0;
	v10 =	vmov v1;
	v11 =	vmov v2;
	v12 =	vmov v3  }
0x171: {  	p0 =	sne.s32 s17, $0x61A82  }
.Ltmp37:
0x172: {  	_ = 	snop;
	(pc) =	sbr.rel @p0 .LBB2_69-.Ltmp37, $1  }
0x173: {  	_ =	sdelay $0x3  }
.Ltmp38:
0x174: {  	(pc) =	sbr.rel .LBB2_68-.Ltmp38, $2  }
0x175: {  	_ =	sdelay $0x2  }
0x176: {  	v9 =	vmovc v4;
	v10 =	vmov v5;
	v11 =	vmov v6;
	v12 =	vmov v7  }
.LBB2_70:
0x177: {  	s4 =	sshll.u32 s1, $0x11  }
0x178: {  	s4 =	sadd.s32 s8, s4  }
0x179: {  	s4 =	sshrl.u32 s4, $0x3  }
0x17a: {  	p0 =	seq.s32 s1, $0x0;
	s4 =	sadd.s32 s5, s4  }
0x17b: {  	[hbm4b:s4+s20] =	stream.strided.scatter [tilespmem:s13], [sflag:$0x3], $0x8000, s12, s20, $0x38;
	[tilespmem:$0x16480] =	vst v63  }
0x17c: {  	s4 =	simm.s32 @!p0 $0x4  }
0x17d: {  	_ =	swait.ge @!p0 [sflag:s4], $0x8000  }
0x17e: {  	[sflag:s4] =	ssyncset.done @!p0 $0x0  }
0x17f: {  	s11 =	sor.u32 $0x200, s0;
	[sflag:s4] =	ssyncadd.s32 @!p0 $0xFFFF8000  }
0x180: {  	[tilespmem:s21], [sflag:$0x2] =	stream.indirect.gather [hbm4b:s3+s12], $0x40, s11, s12, $0xb8;
	[tilespmem:$0x16480] =	vst v63  }
0x181: {  	s15 =	sadd.s32 $0x80, s11  }
0x182: {  	[tilespmem:s22], [sflag:$0x2] =	stream.indirect.gather [hbm4b:s3+s12], $0x40, s15, s12, $0xb8;
	[tilespmem:$0x16480] =	vst v63  }
0x183: {  	s17 =	sadd.s32 $0x100, s11  }
0x184: {  	[tilespmem:s23], [sflag:$0x2] =	stream.indirect.gather [hbm4b:s3+s12], $0x40, s17, s12, $0xb8;
	[tilespmem:$0x16480] =	vst v63  }
0x185: {  	s15 =	sadd.s32 $0x180, s11  }
0x186: {  	[tilespmem:s24], [sflag:$0x2] =	stream.indirect.gather [hbm4b:s3+s12], $0x40, s15, s12, $0xb8;
	[tilespmem:$0x16480] =	vst v63  }
0x187: {  	_ =	swait.ge [sflag:s25], $0x2000  }
0x188: {  	[sflag:s25] =	ssyncset.done $0x0  }
0x189: {  	[sflag:s25] =	ssyncadd.s32 $0xFFFFE000  }
0x18a: {  	_ =	swait.ge [sflag:s25], $0x2000  }
0x18b: {  	[sflag:s25] =	ssyncset.done $0x0  }
0x18c: {  	[sflag:s25] =	ssyncadd.s32 $0xFFFFE000  }
0x18d: {  	_ =	swait.ge [sflag:s25], $0x2000  }
0x18e: {  	[sflag:s25] =	ssyncset.done $0x0  }
0x18f: {  	[sflag:s25] =	ssyncadd.s32 $0xFFFFE000  }
0x190: {  	_ =	swait.ge [sflag:s25], $0x2000  }
0x191: {  	[sflag:s25] =	ssyncset.done $0x0  }
0x192: {  	[sflag:s25] =	ssyncadd.s32 $0xFFFFE000  }
0x193: {  	v8 =	vld [tilespmem:s11+$0x0]  }
0x194: {  	v9 =	vld [tilespmem:s11+$0x10];
	_ =	sdelay $0x1  }
0x195: {  	v10 =	vld [tilespmem:s11+$0x20];
	_ =	sdelay $0x1  }
0x196: {  	v11 =	vld [tilespmem:s11+$0x30]  }
0x197: {  	vm0 =	vgt.s32 v8, v9  }
0x198: {  	v36 =	vld [tilespmem:s11+$0x40];
	v8 =	vsel vm0, v8, v9  }
0x199: {  	vm0 =	vgt.s32 v8, v10  }
0x19a: {  	v37 =	vld [tilespmem:s11+$0x50];
	v8 =	vsel vm0, v8, v10  }
0x19b: {  	vm0 =	vgt.s32 v8, v11  }
0x19c: {  	v38 =	vld [tilespmem:s11+$0x60];
	v8 =	vsel vm0, v8, v11  }
0x19d: {  	vm0 =	vgt.s32 v8, v36  }
0x19e: {  	v39 =	vld [tilespmem:s11+$0x70];
	v8 =	vsel vm0, v8, v36  }
0x19f: {  	vm0 =	vgt.s32 v8, v37  }
0x1a0: {  	v40 =	vld [tilespmem:s11+$0x80];
	v8 =	vsel vm0, v8, v37  }
0x1a1: {  	vm0 =	vgt.s32 v8, v38  }
0x1a2: {  	v41 =	vld [tilespmem:s11+$0x90];
	v8 =	vsel vm0, v8, v38  }
0x1a3: {  	vm0 =	vgt.s32 v8, v39  }
0x1a4: {  	v42 =	vld [tilespmem:s11+$0xA0];
	v8 =	vsel vm0, v8, v39  }
0x1a5: {  	vm0 =	vgt.s32 v8, v40  }
0x1a6: {  	v43 =	vld [tilespmem:s11+$0xB0];
	v8 =	vsel vm0, v8, v40  }
0x1a7: {  	vm0 =	vgt.s32 v8, v41  }
0x1a8: {  	v44 =	vld [tilespmem:s11+$0xC0];
	v8 =	vsel vm0, v8, v41  }
0x1a9: {  	vm0 =	vgt.s32 v8, v42  }
0x1aa: {  	v45 =	vld [tilespmem:s11+$0xD0];
	v8 =	vsel vm0, v8, v42  }
0x1ab: {  	vm0 =	vgt.s32 v8, v43  }
0x1ac: {  	v46 =	vld [tilespmem:s11+$0xE0];
	v8 =	vsel vm0, v8, v43  }
0x1ad: {  	vm0 =	vgt.s32 v8, v44  }
0x1ae: {  	v47 =	vld [tilespmem:s11+$0xF0];
	v8 =	vsel vm0, v8, v44  }
0x1af: {  	vm0 =	vgt.s32 v8, v45  }
0x1b0: {  	v48 =	vld [tilespmem:s11+$0x100];
	v8 =	vsel vm0, v8, v45  }
0x1b1: {  	vm0 =	vgt.s32 v8, v46  }
0x1b2: {  	v49 =	vld [tilespmem:s11+$0x110];
	v8 =	vsel vm0, v8, v46  }
0x1b3: {  	vm0 =	vgt.s32 v8, v47  }
0x1b4: {  	v50 =	vld [tilespmem:s11+$0x120];
	v8 =	vsel vm0, v8, v47  }
0x1b5: {  	vm0 =	vgt.s32 v8, v48  }
0x1b6: {  	v51 =	vld [tilespmem:s11+$0x130];
	v8 =	vsel vm0, v8, v48  }
0x1b7: {  	vm0 =	vgt.s32 v8, v49  }
0x1b8: {  	v52 =	vld [tilespmem:s11+$0x140];
	v8 =	vsel vm0, v8, v49  }
0x1b9: {  	vm0 =	vgt.s32 v8, v50  }
0x1ba: {  	v53 =	vld [tilespmem:s11+$0x150];
	v8 =	vsel vm0, v8, v50  }
0x1bb: {  	vm0 =	vgt.s32 v8, v51  }
0x1bc: {  	v54 =	vld [tilespmem:s11+$0x160];
	v8 =	vsel vm0, v8, v51  }
0x1bd: {  	vm0 =	vgt.s32 v8, v52  }
0x1be: {  	v55 =	vld [tilespmem:s11+$0x170];
	v8 =	vsel vm0, v8, v52  }
0x1bf: {  	vm0 =	vgt.s32 v8, v53  }
0x1c0: {  	v56 =	vld [tilespmem:s11+$0x180];
	v8 =	vsel vm0, v8, v53  }
0x1c1: {  	vm0 =	vgt.s32 v8, v54  }
0x1c2: {  	v57 =	vld [tilespmem:s11+$0x190];
	v8 =	vsel vm0, v8, v54  }
0x1c3: {  	vm0 =	vgt.s32 v8, v55  }
0x1c4: {  	v58 =	vld [tilespmem:s11+$0x1A0];
	v8 =	vsel vm0, v8, v55  }
0x1c5: {  	vm0 =	vgt.s32 v8, v56  }
0x1c6: {  	v59 =	vld [tilespmem:s11+$0x1B0];
	v8 =	vsel vm0, v8, v56  }
0x1c7: {  	vm0 =	vgt.s32 v8, v57  }
0x1c8: {  	v60 =	vld [tilespmem:s11+$0x1C0];
	v8 =	vsel vm0, v8, v57  }
0x1c9: {  	vm0 =	vgt.s32 v8, v58  }
0x1ca: {  	v61 =	vld [tilespmem:s11+$0x1D0];
	v8 =	vsel vm0, v8, v58  }
0x1cb: {  	vm0 =	vgt.s32 v8, v59  }
0x1cc: {  	v62 =	vld [tilespmem:s11+$0x1E0];
	v8 =	vsel vm0, v8, v59  }
0x1cd: {  	vm0 =	vgt.s32 v8, v60  }
0x1ce: {  	v63 =	vld [tilespmem:s11+$0x1F0];
	v8 =	vsel vm0, v8, v60  }
0x1cf: {  	vm0 =	vgt.s32 v8, v61  }
0x1d0: {  	v8 =	vsel vm0, v8, v61  }
0x1d1: {  	vm0 =	vgt.s32 v8, v62  }
0x1d2: {  	v8 =	vsel vm0, v8, v62  }
0x1d3: {  	vm0 =	vgt.s32 v8, v63  }
0x1d4: {  	v8 =	vsel vm0, v8, v63  }
0x1d5: {  	v8 =	vxor.u32 $0x80000000, v8  }
0x1d6: {  	(xrf0) =	vmax.scan.msk.u32 $0xffff, v8;
	_ =	sdelay $0x5  }
0x1d7: {  	v8, _, _ =	vpop (xrf0)  }
0x1d8: {  	(v2sf) =	vpush v8, $0xF;
	_ =	sdelay $0xe  }
0x1d9: {  	s17 =	spop (v2sf)  }
0x1da: {  	p0 =	slt.u32 s17, $0x80061A81  }
.Ltmp39:
0x1db: {  	_ = 	snop;
	(pc) =	sbr.rel @p0 .LBB2_138-.Ltmp39, $1  }
0x1dc: {  	_ =	sdelay $0x3  }
.Ltmp40:
0x1dd: {  	(pc) =	sbr.rel .LBB2_72-.Ltmp40, $2  }
0x1de: {  	_ =	sdelay $0x2  }
0x1df: {  	s15 =	simm.s32 $0x0;
	s17 =	simm.s32 $0xE600;
	v8 =	vmov s30  }
.LBB2_136:
0x1e0: {  	[tilespmem:s17+$0x1C0] =	vst v9  }
0x1e1: {  	[tilespmem:s17+$0x1D0] =	vst v10  }
0x1e2: {  	[tilespmem:s17+$0x1E0] =	vst v11  }
0x1e3: {  	[tilespmem:s17+$0x1F0] =	vst v12  }
.LBB2_137:
0x1e4: {  	s15 =	sadd.s32 $0x40, s15  }
0x1e5: {  	p0 =	sne.s32 s15, $0x800  }
.Ltmp41:
0x1e6: {  	_ = 	snop;
	(pc) =	sbr.rel @!p0 .LBB2_138-.Ltmp41, $2  }
0x1e7: {  	_ =	sdelay $0x2  }
0x1e8: {  	s17 =	sadd.s32 $0x400, s17  }
.LBB2_72:
0x1e9: {  	_ =	sdelay $0x2  }
0x1ea: {  	s4 =	sshra.s32 s15, $0x2  }
0x1eb: {  	v9 =	vld.idx.msk [tilespmem:v8+s4+$0x0 ss:$0x1], $0xffff;
	_ =	sdelay $0x4  }
0x1ec: {  	v10 =	vxor.u32 $0x80000000, v9  }
0x1ed: {  	(xrf0) =	vmax.scan.msk.u32 $0xffff, v10;
	_ =	sdelay $0x5  }
0x1ee: {  	v10, _, _ =	vpop (xrf0)  }
0x1ef: {  	(v2sf) =	vpush v10, $0xF;
	_ =	sdelay $0xe  }
0x1f0: {  	s4 =	spop (v2sf)  }
0x1f1: {  	p0 =	slt.u32 s4, $0x80061A81  }
.Ltmp42:
0x1f2: {  	_ = 	snop;
	(pc) =	sbr.rel @p0 .LBB2_137-.Ltmp42, $1  }
0x1f3: {  	_ =	sdelay $0x3  }
0x1f4: {  	(v2sf) =	vpush v9, $0x0;
	_ =	sdelay $0xe  }
0x1f5: {  	s4 =	spop (v2sf)  }
0x1f6: {  	p0 =	seq.s32 s4, $0x61A81  }
.Ltmp43:
0x1f7: {  	_ = 	snop;
	(pc) =	sbr.rel @p0 .LBB2_76-.Ltmp43, $2  }
0x1f8: {  	_ =	sdelay $0x2  }
0x1f9: {  	v10 =	vmovc v0;
	v11 =	vmov v1;
	v12 =	vmov v2;
	v13 =	vmov v3  }
0x1fa: {  	p0 =	sne.s32 s4, $0x61A82  }
.Ltmp44:
0x1fb: {  	_ = 	snop;
	(pc) =	sbr.rel @p0 .LBB2_77-.Ltmp44, $1  }
0x1fc: {  	_ =	sdelay $0x3  }
0x1fd: {  	v10 =	vmovc v4;
	v11 =	vmov v5;
	v12 =	vmov v6;
	v13 =	vmov v7  }
.LBB2_76:
0x1fe: {  	[tilespmem:s17+$0xFFFFFE00] =	vst v10  }
0x1ff: {  	[tilespmem:s17+$0xFFFFFE10] =	vst v11  }
0x200: {  	[tilespmem:s17+$0xFFFFFE20] =	vst v12  }
0x201: {  	[tilespmem:s17+$0xFFFFFE30] =	vst v13  }
.LBB2_77:
0x202: {  	(v2sf) =	vpush v9, $0x1;
	_ =	sdelay $0xe  }
0x203: {  	s4 =	spop (v2sf)  }
0x204: {  	p0 =	seq.s32 s4, $0x61A81  }
.Ltmp45:
0x205: {  	_ = 	snop;
	(pc) =	sbr.rel @p0 .LBB2_80-.Ltmp45, $2  }
0x206: {  	_ =	sdelay $0x2  }
0x207: {  	v10 =	vmovc v0;
	v11 =	vmov v1;
	v12 =	vmov v2;
	v13 =	vmov v3  }
0x208: {  	p0 =	sne.s32 s4, $0x61A82  }
.Ltmp46:
0x209: {  	_ = 	snop;
	(pc) =	sbr.rel @p0 .LBB2_81-.Ltmp46, $1  }
0x20a: {  	_ =	sdelay $0x3  }
0x20b: {  	v10 =	vmovc v4;
	v11 =	vmov v5;
	v12 =	vmov v6;
	v13 =	vmov v7  }
.LBB2_80:
0x20c: {  	[tilespmem:s17+$0xFFFFFE40] =	vst v10  }
0x20d: {  	[tilespmem:s17+$0xFFFFFE50] =	vst v11  }
0x20e: {  	[tilespmem:s17+$0xFFFFFE60] =	vst v12  }
0x20f: {  	[tilespmem:s17+$0xFFFFFE70] =	vst v13  }
.LBB2_81:
0x210: {  	(v2sf) =	vpush v9, $0x2;
	_ =	sdelay $0xe  }
0x211: {  	s4 =	spop (v2sf)  }
0x212: {  	p0 =	seq.s32 s4, $0x61A81  }
.Ltmp47:
0x213: {  	_ = 	snop;
	(pc) =	sbr.rel @p0 .LBB2_84-.Ltmp47, $2  }
0x214: {  	_ =	sdelay $0x2  }
0x215: {  	v10 =	vmovc v0;
	v11 =	vmov v1;
	v12 =	vmov v2;
	v13 =	vmov v3  }
0x216: {  	p0 =	sne.s32 s4, $0x61A82  }
.Ltmp48:
0x217: {  	_ = 	snop;
	(pc) =	sbr.rel @p0 .LBB2_85-.Ltmp48, $1  }
0x218: {  	_ =	sdelay $0x3  }
0x219: {  	v10 =	vmovc v4;
	v11 =	vmov v5;
	v12 =	vmov v6;
	v13 =	vmov v7  }
.LBB2_84:
0x21a: {  	[tilespmem:s17+$0xFFFFFE80] =	vst v10  }
0x21b: {  	[tilespmem:s17+$0xFFFFFE90] =	vst v11  }
0x21c: {  	[tilespmem:s17+$0xFFFFFEA0] =	vst v12  }
0x21d: {  	[tilespmem:s17+$0xFFFFFEB0] =	vst v13  }
.LBB2_85:
0x21e: {  	(v2sf) =	vpush v9, $0x3;
	_ =	sdelay $0xe  }
0x21f: {  	s4 =	spop (v2sf)  }
0x220: {  	p0 =	seq.s32 s4, $0x61A81  }
.Ltmp49:
0x221: {  	_ = 	snop;
	(pc) =	sbr.rel @p0 .LBB2_88-.Ltmp49, $2  }
0x222: {  	_ =	sdelay $0x2  }
0x223: {  	v10 =	vmovc v0;
	v11 =	vmov v1;
	v12 =	vmov v2;
	v13 =	vmov v3  }
0x224: {  	p0 =	sne.s32 s4, $0x61A82  }
.Ltmp50:
0x225: {  	_ = 	snop;
	(pc) =	sbr.rel @p0 .LBB2_89-.Ltmp50, $1  }
0x226: {  	_ =	sdelay $0x3  }
0x227: {  	v10 =	vmovc v4;
	v11 =	vmov v5;
	v12 =	vmov v6;
	v13 =	vmov v7  }
.LBB2_88:
0x228: {  	[tilespmem:s17+$0xFFFFFEC0] =	vst v10  }
0x229: {  	[tilespmem:s17+$0xFFFFFED0] =	vst v11  }
0x22a: {  	[tilespmem:s17+$0xFFFFFEE0] =	vst v12  }
0x22b: {  	[tilespmem:s17+$0xFFFFFEF0] =	vst v13  }
.LBB2_89:
0x22c: {  	(v2sf) =	vpush v9, $0x4;
	_ =	sdelay $0xe  }
0x22d: {  	s4 =	spop (v2sf)  }
0x22e: {  	p0 =	seq.s32 s4, $0x61A81  }
.Ltmp51:
0x22f: {  	_ = 	snop;
	(pc) =	sbr.rel @p0 .LBB2_92-.Ltmp51, $2  }
0x230: {  	_ =	sdelay $0x2  }
0x231: {  	v10 =	vmovc v0;
	v11 =	vmov v1;
	v12 =	vmov v2;
	v13 =	vmov v3  }
0x232: {  	p0 =	sne.s32 s4, $0x61A82  }
.Ltmp52:
0x233: {  	_ = 	snop;
	(pc) =	sbr.rel @p0 .LBB2_93-.Ltmp52, $1  }
0x234: {  	_ =	sdelay $0x3  }
0x235: {  	v10 =	vmovc v4;
	v11 =	vmov v5;
	v12 =	vmov v6;
	v13 =	vmov v7  }
.LBB2_92:
0x236: {  	[tilespmem:s17+$0xFFFFFF00] =	vst v10  }
0x237: {  	[tilespmem:s17+$0xFFFFFF10] =	vst v11  }
0x238: {  	[tilespmem:s17+$0xFFFFFF20] =	vst v12  }
0x239: {  	[tilespmem:s17+$0xFFFFFF30] =	vst v13  }
.LBB2_93:
0x23a: {  	(v2sf) =	vpush v9, $0x5;
	_ =	sdelay $0xe  }
0x23b: {  	s4 =	spop (v2sf)  }
0x23c: {  	p0 =	seq.s32 s4, $0x61A81  }
.Ltmp53:
0x23d: {  	_ = 	snop;
	(pc) =	sbr.rel @p0 .LBB2_96-.Ltmp53, $2  }
0x23e: {  	_ =	sdelay $0x2  }
0x23f: {  	v10 =	vmovc v0;
	v11 =	vmov v1;
	v12 =	vmov v2;
	v13 =	vmov v3  }
0x240: {  	p0 =	sne.s32 s4, $0x61A82  }
.Ltmp54:
0x241: {  	_ = 	snop;
	(pc) =	sbr.rel @p0 .LBB2_97-.Ltmp54, $1  }
0x242: {  	_ =	sdelay $0x3  }
0x243: {  	v10 =	vmovc v4;
	v11 =	vmov v5;
	v12 =	vmov v6;
	v13 =	vmov v7  }
.LBB2_96:
0x244: {  	[tilespmem:s17+$0xFFFFFF40] =	vst v10  }
0x245: {  	[tilespmem:s17+$0xFFFFFF50] =	vst v11  }
0x246: {  	[tilespmem:s17+$0xFFFFFF60] =	vst v12  }
0x247: {  	[tilespmem:s17+$0xFFFFFF70] =	vst v13  }
.LBB2_97:
0x248: {  	(v2sf) =	vpush v9, $0x6;
	_ =	sdelay $0xe  }
0x249: {  	s4 =	spop (v2sf)  }
0x24a: {  	p0 =	seq.s32 s4, $0x61A81  }
.Ltmp55:
0x24b: {  	_ = 	snop;
	(pc) =	sbr.rel @p0 .LBB2_100-.Ltmp55, $2  }
0x24c: {  	_ =	sdelay $0x2  }
0x24d: {  	v10 =	vmovc v0;
	v11 =	vmov v1;
	v12 =	vmov v2;
	v13 =	vmov v3  }
0x24e: {  	p0 =	sne.s32 s4, $0x61A82  }
.Ltmp56:
0x24f: {  	_ = 	snop;
	(pc) =	sbr.rel @p0 .LBB2_101-.Ltmp56, $1  }
0x250: {  	_ =	sdelay $0x3  }
0x251: {  	v10 =	vmovc v4;
	v11 =	vmov v5;
	v12 =	vmov v6;
	v13 =	vmov v7  }
.LBB2_100:
0x252: {  	[tilespmem:s17+$0xFFFFFF80] =	vst v10  }
0x253: {  	[tilespmem:s17+$0xFFFFFF90] =	vst v11  }
0x254: {  	[tilespmem:s17+$0xFFFFFFA0] =	vst v12  }
0x255: {  	[tilespmem:s17+$0xFFFFFFB0] =	vst v13  }
.LBB2_101:
0x256: {  	(v2sf) =	vpush v9, $0x7;
	_ =	sdelay $0xe  }
0x257: {  	s4 =	spop (v2sf)  }
0x258: {  	p0 =	seq.s32 s4, $0x61A81  }
.Ltmp57:
0x259: {  	_ = 	snop;
	(pc) =	sbr.rel @p0 .LBB2_104-.Ltmp57, $2  }
0x25a: {  	_ =	sdelay $0x2  }
0x25b: {  	v10 =	vmovc v0;
	v11 =	vmov v1;
	v12 =	vmov v2;
	v13 =	vmov v3  }
0x25c: {  	p0 =	sne.s32 s4, $0x61A82  }
.Ltmp58:
0x25d: {  	_ = 	snop;
	(pc) =	sbr.rel @p0 .LBB2_105-.Ltmp58, $1  }
0x25e: {  	_ =	sdelay $0x3  }
0x25f: {  	v10 =	vmovc v4;
	v11 =	vmov v5;
	v12 =	vmov v6;
	v13 =	vmov v7  }
.LBB2_104:
0x260: {  	[tilespmem:s17+$0xFFFFFFC0] =	vst v10  }
0x261: {  	[tilespmem:s17+$0xFFFFFFD0] =	vst v11  }
0x262: {  	[tilespmem:s17+$0xFFFFFFE0] =	vst v12  }
0x263: {  	[tilespmem:s17+$0xFFFFFFF0] =	vst v13  }
.LBB2_105:
0x264: {  	(v2sf) =	vpush v9, $0x8;
	_ =	sdelay $0xe  }
0x265: {  	s4 =	spop (v2sf)  }
0x266: {  	p0 =	seq.s32 s4, $0x61A81  }
.Ltmp59:
0x267: {  	_ = 	snop;
	(pc) =	sbr.rel @p0 .LBB2_108-.Ltmp59, $2  }
0x268: {  	_ =	sdelay $0x2  }
0x269: {  	v10 =	vmovc v0;
	v11 =	vmov v1;
	v12 =	vmov v2;
	v13 =	vmov v3  }
0x26a: {  	p0 =	sne.s32 s4, $0x61A82  }
.Ltmp60:
0x26b: {  	_ = 	snop;
	(pc) =	sbr.rel @p0 .LBB2_109-.Ltmp60, $1  }
0x26c: {  	_ =	sdelay $0x3  }
0x26d: {  	v10 =	vmovc v4;
	v11 =	vmov v5;
	v12 =	vmov v6;
	v13 =	vmov v7  }
.LBB2_108:
0x26e: {  	[tilespmem:s17+$0x0] =	vst v10  }
0x26f: {  	[tilespmem:s17+$0x10] =	vst v11  }
0x270: {  	[tilespmem:s17+$0x20] =	vst v12  }
0x271: {  	[tilespmem:s17+$0x30] =	vst v13  }
.LBB2_109:
0x272: {  	(v2sf) =	vpush v9, $0x9;
	_ =	sdelay $0xe  }
0x273: {  	s4 =	spop (v2sf)  }
0x274: {  	p0 =	seq.s32 s4, $0x61A81  }
.Ltmp61:
0x275: {  	_ = 	snop;
	(pc) =	sbr.rel @p0 .LBB2_112-.Ltmp61, $2  }
0x276: {  	_ =	sdelay $0x2  }
0x277: {  	v10 =	vmovc v0;
	v11 =	vmov v1;
	v12 =	vmov v2;
	v13 =	vmov v3  }
0x278: {  	p0 =	sne.s32 s4, $0x61A82  }
.Ltmp62:
0x279: {  	_ = 	snop;
	(pc) =	sbr.rel @p0 .LBB2_113-.Ltmp62, $1  }
0x27a: {  	_ =	sdelay $0x3  }
0x27b: {  	v10 =	vmovc v4;
	v11 =	vmov v5;
	v12 =	vmov v6;
	v13 =	vmov v7  }
.LBB2_112:
0x27c: {  	[tilespmem:s17+$0x40] =	vst v10  }
0x27d: {  	[tilespmem:s17+$0x50] =	vst v11  }
0x27e: {  	[tilespmem:s17+$0x60] =	vst v12  }
0x27f: {  	[tilespmem:s17+$0x70] =	vst v13  }
.LBB2_113:
0x280: {  	(v2sf) =	vpush v9, $0xA;
	_ =	sdelay $0xe  }
0x281: {  	s4 =	spop (v2sf)  }
0x282: {  	p0 =	seq.s32 s4, $0x61A81  }
.Ltmp63:
0x283: {  	_ = 	snop;
	(pc) =	sbr.rel @p0 .LBB2_116-.Ltmp63, $2  }
0x284: {  	_ =	sdelay $0x2  }
0x285: {  	v10 =	vmovc v0;
	v11 =	vmov v1;
	v12 =	vmov v2;
	v13 =	vmov v3  }
0x286: {  	p0 =	sne.s32 s4, $0x61A82  }
.Ltmp64:
0x287: {  	_ = 	snop;
	(pc) =	sbr.rel @p0 .LBB2_117-.Ltmp64, $1  }
0x288: {  	_ =	sdelay $0x3  }
0x289: {  	v10 =	vmovc v4;
	v11 =	vmov v5;
	v12 =	vmov v6;
	v13 =	vmov v7  }
.LBB2_116:
0x28a: {  	[tilespmem:s17+$0x80] =	vst v10  }
0x28b: {  	[tilespmem:s17+$0x90] =	vst v11  }
0x28c: {  	[tilespmem:s17+$0xA0] =	vst v12  }
0x28d: {  	[tilespmem:s17+$0xB0] =	vst v13  }
.LBB2_117:
0x28e: {  	(v2sf) =	vpush v9, $0xB;
	_ =	sdelay $0xe  }
0x28f: {  	s4 =	spop (v2sf)  }
0x290: {  	p0 =	seq.s32 s4, $0x61A81  }
.Ltmp65:
0x291: {  	_ = 	snop;
	(pc) =	sbr.rel @p0 .LBB2_120-.Ltmp65, $2  }
0x292: {  	_ =	sdelay $0x2  }
0x293: {  	v10 =	vmovc v0;
	v11 =	vmov v1;
	v12 =	vmov v2;
	v13 =	vmov v3  }
0x294: {  	p0 =	sne.s32 s4, $0x61A82  }
.Ltmp66:
0x295: {  	_ = 	snop;
	(pc) =	sbr.rel @p0 .LBB2_121-.Ltmp66, $1  }
0x296: {  	_ =	sdelay $0x3  }
0x297: {  	v10 =	vmovc v4;
	v11 =	vmov v5;
	v12 =	vmov v6;
	v13 =	vmov v7  }
.LBB2_120:
0x298: {  	[tilespmem:s17+$0xC0] =	vst v10  }
0x299: {  	[tilespmem:s17+$0xD0] =	vst v11  }
0x29a: {  	[tilespmem:s17+$0xE0] =	vst v12  }
0x29b: {  	[tilespmem:s17+$0xF0] =	vst v13  }
.LBB2_121:
0x29c: {  	(v2sf) =	vpush v9, $0xC;
	_ =	sdelay $0xe  }
0x29d: {  	s4 =	spop (v2sf)  }
0x29e: {  	p0 =	seq.s32 s4, $0x61A81  }
.Ltmp67:
0x29f: {  	_ = 	snop;
	(pc) =	sbr.rel @p0 .LBB2_124-.Ltmp67, $2  }
0x2a0: {  	_ =	sdelay $0x2  }
0x2a1: {  	v10 =	vmovc v0;
	v11 =	vmov v1;
	v12 =	vmov v2;
	v13 =	vmov v3  }
0x2a2: {  	p0 =	sne.s32 s4, $0x61A82  }
.Ltmp68:
0x2a3: {  	_ = 	snop;
	(pc) =	sbr.rel @p0 .LBB2_125-.Ltmp68, $1  }
0x2a4: {  	_ =	sdelay $0x3  }
0x2a5: {  	v10 =	vmovc v4;
	v11 =	vmov v5;
	v12 =	vmov v6;
	v13 =	vmov v7  }
.LBB2_124:
0x2a6: {  	[tilespmem:s17+$0x100] =	vst v10  }
0x2a7: {  	[tilespmem:s17+$0x110] =	vst v11  }
0x2a8: {  	[tilespmem:s17+$0x120] =	vst v12  }
0x2a9: {  	[tilespmem:s17+$0x130] =	vst v13  }
.LBB2_125:
0x2aa: {  	(v2sf) =	vpush v9, $0xD;
	_ =	sdelay $0xe  }
0x2ab: {  	s4 =	spop (v2sf)  }
0x2ac: {  	p0 =	seq.s32 s4, $0x61A81  }
.Ltmp69:
0x2ad: {  	_ = 	snop;
	(pc) =	sbr.rel @p0 .LBB2_128-.Ltmp69, $2  }
0x2ae: {  	_ =	sdelay $0x2  }
0x2af: {  	v10 =	vmovc v0;
	v11 =	vmov v1;
	v12 =	vmov v2;
	v13 =	vmov v3  }
0x2b0: {  	p0 =	sne.s32 s4, $0x61A82  }
.Ltmp70:
0x2b1: {  	_ = 	snop;
	(pc) =	sbr.rel @p0 .LBB2_129-.Ltmp70, $1  }
0x2b2: {  	_ =	sdelay $0x3  }
0x2b3: {  	v10 =	vmovc v4;
	v11 =	vmov v5;
	v12 =	vmov v6;
	v13 =	vmov v7  }
.LBB2_128:
0x2b4: {  	[tilespmem:s17+$0x140] =	vst v10  }
0x2b5: {  	[tilespmem:s17+$0x150] =	vst v11  }
0x2b6: {  	[tilespmem:s17+$0x160] =	vst v12  }
0x2b7: {  	[tilespmem:s17+$0x170] =	vst v13  }
.LBB2_129:
0x2b8: {  	(v2sf) =	vpush v9, $0xE;
	_ =	sdelay $0xe  }
0x2b9: {  	s4 =	spop (v2sf)  }
0x2ba: {  	p0 =	seq.s32 s4, $0x61A81  }
.Ltmp71:
0x2bb: {  	_ = 	snop;
	(pc) =	sbr.rel @p0 .LBB2_132-.Ltmp71, $2  }
0x2bc: {  	_ =	sdelay $0x2  }
0x2bd: {  	v10 =	vmovc v0;
	v11 =	vmov v1;
	v12 =	vmov v2;
	v13 =	vmov v3  }
0x2be: {  	p0 =	sne.s32 s4, $0x61A82  }
.Ltmp72:
0x2bf: {  	_ = 	snop;
	(pc) =	sbr.rel @p0 .LBB2_133-.Ltmp72, $1  }
0x2c0: {  	_ =	sdelay $0x3  }
0x2c1: {  	v10 =	vmovc v4;
	v11 =	vmov v5;
	v12 =	vmov v6;
	v13 =	vmov v7  }
.LBB2_132:
0x2c2: {  	[tilespmem:s17+$0x180] =	vst v10  }
0x2c3: {  	[tilespmem:s17+$0x190] =	vst v11  }
0x2c4: {  	[tilespmem:s17+$0x1A0] =	vst v12  }
0x2c5: {  	[tilespmem:s17+$0x1B0] =	vst v13  }
.LBB2_133:
0x2c6: {  	(v2sf) =	vpush v9, $0xF;
	_ =	sdelay $0xe  }
0x2c7: {  	s4 =	spop (v2sf)  }
0x2c8: {  	p0 =	seq.s32 s4, $0x61A81  }
.Ltmp73:
0x2c9: {  	_ = 	snop;
	(pc) =	sbr.rel @p0 .LBB2_136-.Ltmp73, $2  }
0x2ca: {  	_ =	sdelay $0x2  }
0x2cb: {  	v9 =	vmovc v0;
	v10 =	vmov v1;
	v11 =	vmov v2;
	v12 =	vmov v3  }
0x2cc: {  	p0 =	sne.s32 s4, $0x61A82  }
.Ltmp74:
0x2cd: {  	_ = 	snop;
	(pc) =	sbr.rel @p0 .LBB2_137-.Ltmp74, $1  }
0x2ce: {  	_ =	sdelay $0x3  }
.Ltmp75:
0x2cf: {  	(pc) =	sbr.rel .LBB2_136-.Ltmp75, $2  }
0x2d0: {  	_ =	sdelay $0x2  }
0x2d1: {  	v9 =	vmovc v4;
	v10 =	vmov v5;
	v11 =	vmov v6;
	v12 =	vmov v7  }
.LBB2_138:
0x2d2: {  	s4 =	sadd.s32 s6, s11  }
0x2d3: {  	s4 =	sshll.u32 s4, $0x4  }
0x2d4: {  	p0 =	seq.s32 s1, $0x18;
	s4 =	sand.u32 $0x1FFFE000, s4  }
.Ltmp76:
0x2d5: {  	s4 =	sadd.s32 s5, s4;
	(pc) =	sbr.rel @p0 .LBB2_140-.Ltmp76, $4  }
0x2d6: {  	[hbm4b:s4+s20] =	stream.strided.scatter [tilespmem:s21], [sflag:$0x4], $0x8000, s12, s20, $0x38;
	[tilespmem:$0x16480] =	vst v63  }
0x2d7: {  	_ =	swait.ge [sflag:s26], $0x8000  }
0x2d8: {  	[sflag:s26] =	ssyncset.done $0x0  }
0x2d9: {  	[sflag:s26] =	ssyncadd.s32 $0xFFFF8000  }
0x2da: {  	s4 =	sadd.s32 $0x400, s0  }
0x2db: {  	[tilespmem:s13], [sflag:$0x1] =	stream.indirect.gather [hbm4b:s3+s12], $0x40, s4, s12, $0xb8;
	[tilespmem:$0x16480] =	vst v63  }
0x2dc: {  	s11 =	sadd.s32 $0x480, s0  }
0x2dd: {  	[tilespmem:s14], [sflag:$0x1] =	stream.indirect.gather [hbm4b:s3+s12], $0x40, s11, s12, $0xb8;
	[tilespmem:$0x16480] =	vst v63  }
.Ltmp77:
0x2de: {  	_ = 	snop;
	(pc) =	sbr.rel .LBB2_2-.Ltmp77, $4  }
0x2df: {  	s15 =	sadd.s32 $0x500, s0;
	s17 =	sadd.s32 $0x580, s0  }
0x2e0: {  	[tilespmem:s16], [sflag:$0x1] =	stream.indirect.gather [hbm4b:s3+s12], $0x40, s15, s12, $0xb8;
	[tilespmem:$0x16480] =	vst v63  }
0x2e1: {  	s1 =	sadd.s32 $0x1, s1;
	s31 =	sadd.s32 $0x400, s31;
	s30 =	sadd.s32 $0x400, s30  }
0x2e2: {  	[tilespmem:s18], [sflag:$0x1] =	stream.indirect.gather [hbm4b:s3+s12], $0x40, s17, s12, $0xb8;
	[tilespmem:$0x16480] =	vst v63  }
.LBB2_141:
0x2e3: {  	_ =	sfence.sel $0x180000  }
0x2e4: {  	[bflag:$0x0] =	sbarrier.arrive $0xFFFF  }
0x2e5: {  	_ =	strace $0x90000047  }
0x2e6: {  	s0 =	stileid.u32;
	[bflag:$0x2] =	sbarrier.arrive $0xFFFF  }
0x2e7: {  	p0 =	sne.s32 s0, $0x0;
	s0 =	rddreg [dreg:$0x1]  }
0x2e8: {  	s0 =	sadd.s32 @!p0 $0x100000, s0  }
0x2e9: {  	[sflag:s0] =	ssyncadd.tile.s32 @!p0 $0x1;
	_ =	shalt  }
.Lfunc_end2:
_tile_overlayer_lowered:
.L_overlay_start_2:
0x2ea: {  	(tag) =	ssettag $0x2  }
0x2eb: {  	s0 =	rddreg [dreg:$0x0];
	s2 =	stileid.u32  }
0x2ec: {  	s1 =	rddreg [dreg:$0x1];
	p0 =	sne.s32 s2, $0x0  }
0x2ed: {  	s3 =	rddreg [dreg:$0x2];
	[bflag:$0x3] =	sbarrier.arrive $0xFFFF;
	s2 =	simm.s32 @!p0 $0x1C05  }
0x2ee: {  	[timem:s3], [sflag:s2] =	dma.local @!p0 [hbm:s0], s1  }
0x2ef: {  	s0 =	simm.s32 @!p0 $0x5  }
0x2f0: {  	_ =	swait.ge @!p0 [sflag:s0], s1  }
0x2f1: {  	s1 =	ssub.s32 @!p0 $0x0, s1;
	[sflag:s0] =	ssyncset.done @!p0 $0x0  }
0x2f2: {  	[sflag:s0] =	ssyncadd.s32 @!p0 s1  }
0x2f3: {  	[bflag:$0x3] =	sbarrier.arrive $0xFFFF  }
0x2f4: {  	_ =	shalt  }

// kernel: sparse-core-data-format-call.cloned.1.call-start
scs
called_computation_lowered:
.L_overlay_start_0:
0x0: {  	s2 =	sld [smem:$0x3FD9]  }
0x1: {  	s3 =	sld [smem:$0x3FFE];
	_ =	sdelay $0x1  }
0x2: {  	s1 =	srdreg.scid  }
0x3: {  	s0 =	sand.u32 $0x1, s1  }
0x4: {  	s18 =	sshll.u32 s0, $0xA;
	s2 =	sadd.s32 s3, s2  }
0x5: {  	s2 =	sadd.s32 s2, s18  }
0x6: {  	[smem:$0x3FC5] =	sst s2  }
0x7: {  	_ = 	snop  }
0x8: {  	s2 =	sld [smem:$0x3FD0];
	(tm) =	ssettm $0x1  }
0x9: {  	s19 =	sld [smem:$0x3FFB];
	_ =	sdelay $0x3  }
0xa: {  	_ =	strace s19  }
0xb: {  	s3 =	sld [smem:$0x3FFC];
	_ =	sdelay $0x3  }
0xc: {  	_ =	strace s3  }
0xd: {  	s3 =	sld [smem:$0x3FFD];
	_ =	sdelay $0x3  }
0xe: {  	_ =	strace s3  }
0xf: {  	_ =	strace $0x8FFFFFFF  }
0x10: {  	s20 =	sld [smem:$0x3FDB];
	_ =	sdelay $0x1  }
0x11: {  	s4 =	simm.s32 $_scs_section_size  }
0x12: {  	s5 =	simm.s32 $_size__tile_overlayer_lowered;
	s6 =	simm.s32 $_tile_overlayer_lowered  }
0x13: {  	s23 =	simm.s32 $0x1BFF;
	s22 =	sshll.u32 s6, $0x1;
	s3 =	sadd.s32 s4, s20  }
0x14: {  	s7 =	simm.s32 $0x0;
	s21 =	sshll.u32 s5, $0x1;
	s5 =	sadd.s32 s22, s3  }
0x15: {  	[timem:s7], [sflag:s23] =	dma.local [hbm:s5], s21  }
0x16: {  	_ =	swait.ge [sflag:s23], s21  }
0x17: {  	s4 =	ssub.s32 $0x0, s21;
	[sflag:s23] =	ssyncset.done $0x0  }
0x18: {  	[sflag:s23] =	ssyncadd.s32 s4;
	_ =	sdelay $0x1  }
0x19: {  	s24 =	simm.s32 $0x1B8B  }
0x1a: {  	_ =	swait.ge [sflag:s24], $0x1  }
0x1b: {  	[sflag:s24] =	ssyncset.done $0x0  }
0x1c: {  	s26 =	simm.s32 $0x1B8E;
	s25 =	sld [smem:$0x3FFE];
	[sflag:s24] =	ssyncadd.s32 $0xFFFFFFFF  }
0x1d: {  	s27 =	simm.s32 $execute0_lowered;
	[smem:$0x3FD2] =	sst s26  }
0x1e: {  	s5 =	sshll.u32 s27, $0x1;
	_ =	strace $0x80000049;
	[dreg:$0x1] =	wrdreg $0xFFFFFFFF  }
0x1f: {  	s28 =	simm.s32 $_size_execute0_lowered;
	s3 =	sadd.s32 s3, s5;
	[dreg:$0x0] =	wrdreg $0x0  }
0x20: {  	s5 =	sshll.u32 s28, $0x1;
	[dreg:$0x2] =	wrdreg s3  }
0x21: {  	[dreg:$0x3] =	wrdreg s5  }
0x22: {  	[dreg:$0x4] =	wrdreg $0xC0  }
0x23: {  	_ =	task [dreg:s7], $0x5FFFF  }
0x24: {  	[dreg:$0x1] =	wrdreg $0xFFFFFFFF  }
0x25: {  	[dreg:$0x0] =	wrdreg $0x60  }
0x26: {  	[dreg:$0x2] =	wrdreg s25  }
0x27: {  	[dreg:$0x3] =	wrdreg s2  }
0x28: {  	[dreg:$0x4] =	wrdreg $0x9  }
0x29: {  	_ =	task.clear_ibuf [dreg:s7], $0x5FFFF;
	_ =	strace $0x90000049  }
0x2a: {  	s29 =	simm.s32 $0x9;
	_ =	strace $0x8000004B  }
0x2b: {  	_ =	swait.ge [sflag:s29], $0x1  }
0x2c: {  	[sflag:s29] =	ssyncadd.s32 $0xFFFFFFFF  }
0x2d: {  	_ =	strace $0x9000004B  }
0x2e: {  	_ =	sfence  }
0x2f: {  	s30 =	sld [smem:$0x0];
	_ =	sdelay $0x2  }
0x30: {  	s31 =	sshll.u32 s1, $0xD;
	s1 =	sshrl.u32 s1, $0x2  }
0x31: {  	s3 =	sand.u32 $0x4000, s31;
	s1 =	sadd.s32 s1, s30  }
0x32: {  	s0 =	sor.u32 s3, s0;
	s1 =	sshll.u32 s1, $0x11  }
0x33: {  	s0 =	sor.u32 s1, s0  }
0x34: {  	s0 =	sadd.s32 $0x8F2B, s0  }
0x35: {  	[sflag:s0] =	ssyncadd.remote.s32 $0x1  }
0x36: {  	_ =	sfence.sel $0xFFFF  }
0x37: {  	[dreg:$0x0] =	wrdreg $0xFFFFFFFF;
	(pc) =	sbr.abs _section_cstart, $3  }
0x38: {  	[dreg:$0x1] =	wrdreg $0xFFFFFFFF  }
0x39: {  	_ =	task.clear_ibuf [dreg:s7], $0x2FFFF;
	_ =	strace $0x9FFFFFFF  }
0x3a: {  	(tm) =	ssettm $0x7FFFFFFF  }
0x3b: {  	_ =	shalt  }
tec
execute0_lowered:
.L_overlay_start_1:
0x0: {  	(tag) =	ssettag $0x1  }
0x1: {  	s0 =	srdreg.scid  }
0x2: {  	s1 =	sshll.u32 s0, $0x4  }
0x3: {  	s0 =	stileid.u32;
	s1 =	sand.u32 $0x10, s1  }
0x4: {  	s1 =	sor.u32 s0, s1  }
0x5: {  	s6 =	rddreg [dreg:$0x0];
	s4 =	simm.s32 $0x1;
	s2 =	sshll.u32 s1, $0x7  }
0x6: {  	s7 =	simm.s32 $0x2;
	s12 =	simm.s32 $0x0;
	s1 =	ssub.s32 $0x1000, s2  }
0x7: {  	s8 =	simm.s32 $0x8000;
	s13 =	simm.s32 $0x0;
	s3 =	sand.u32 $0xF80, s1  }
0x8: {  	s9 =	simm.s32 $0x0;
	s5 =	sshrl.u32 s1, $0xC;
	p0 =	sne.s32 s3, $0x0  }
.Ltmp0:
0x9: {  	s1 =	rddreg [dreg:$0x2];
	s4 =	simm.s32 @!p0 $0x0;
	(pc) =	sbr.rel .LBB1_1-.Ltmp0, $4  }
0xa: {  	s11 =	simm.s32 $0x0;
	s3 =	rddreg [dreg:$0x1];
	s5 =	sadd.s32 s4, s5  }
0xb: {  	_ =	strace $0x8000004A;
	s4 =	simm.s32 $0x1;
	s5 =	smul.u32 $0xC8, s5  }
0xc: {  	s6 =	sadd.s32 $0x327000, s6;
	s10 =	smov.u32 s2;
	[sflag:s4] =	ssyncpa.u1 $0x0  }
0xd: {  	p0 =	por $0x0, $0x0;
	[sflag:s7] =	ssyncpa.u1 $0x0;
	s7 =	sor.u32 $0x1, s5  }
.LBB1_4:
0xe: {  	s16 =	sshll.u32 s13, $0x3;
	s17 =	sand.u32 $0x78, s13  }
0xf: {  	s30 =	sand.u32 $0x7E00, s13;
	s12 =	sshll.u32 s12, $0xF;
	s16 =	sand.u32 $0xC00, s16  }
0x10: {  	[tilespmem:s15+$0x810 ss:$0x81] =	vst.msk $0xffff, v2;
	s31 =	sand.u32 $0x7, s13;
	s16 =	sor.u32 s17, s16;
	s17 =	sadd.s32 s3, s30  }
0x11: {  	[tilespmem:s15+$0x1020 ss:$0x81] =	vst.msk $0xffff, v0;
	s13 =	sshll.u32 s31, $0x12;
	s12 =	sadd.s32 s12, s17;
	s16 =	sshrl.u32 s16, $0x3  }
0x12: {  	[tilespmem:s15+$0x0 ss:$0x81] =	vst.msk $0xffff, v1;
	s13 =	sor.u32 $0x400, s13;
	s12 =	sadd.s32 s16, s12  }
0x13: {  	[hbm4b:s12+s13] =	stream.strided.scatter [tilespmem:s14], [sflag:$0x2], $0x2000, s8, s13, $0x20;
	[tilespmem:$0x8080] =	vst v63  }
.LBB1_5:
0x14: {  	s14 =	sadd.s32 $0x1, s9  }
0x15: {  	s12 =	sadd.s32 $0x1000, s10;
	s16 =	smov.u32 s10;
	p2 =	sgt.s32 s14, $0xC7  }
0x16: {  	s16 =	smov.u32 @p2 s12  }
0x17: {  	s14 =	simm.s32 @p2 $0x0;
	p2 =	sgt.s32 s16, $0xFFF  }
0x18: {  	s16 =	smov.u32 @p2 s2;
	p2 =	sne.s32 s11, s7  }
.Ltmp1:
0x19: {  	p1 =	slt.u32 s11, $0x2;
	(pc) =	sbr.rel @!p2 .LBB1_6-.Ltmp1, $4  }
0x1a: {  	s15 =	simm.s32 @!p1 $0x2  }
0x1b: {  	s13 =	smov.u32 s10;
	p0 =	por !p0, !p0;
	_ =	swait.ge @!p1 [sflag:s15], $0x2000  }
0x1c: {  	s12 =	smov.u32 s9;
	[sflag:s15] =	ssyncset.done @!p1 $0x0;
	s9 =	smov.u32 s14  }
0x1d: {  	s11 =	sadd.s32 $0x1, s11;
	[sflag:s15] =	ssyncadd.s32 @!p1 $0xFFFFE000;
	s10 =	smov.u32 s16  }
.LBB1_1:
0x1e: {  	p1 =	sge.u32 s11, s5  }
0x1f: {  	s14 =	sand.u32 @!p1 $0x1FFFFFF, s9  }
0x20: {  	s15 =	smulhi.u32 @!p1 $0x147AE15, s14;
	_ =	sdelay $0x1  }
0x21: {  	s15 =	smul.u32 @!p1 $0xC8, s15  }
0x22: {  	s16 =	sxor.u32 @!p1 $0xFFFFFFFF, s11;
	s17 =	smul.u32 @!p1 $0xC80, s10  }
0x23: {  	s31 =	sadd.s32 $0xFFFFFFFF, s11;
	s16 =	sshll.u32 @!p1 s16, $0xD;
	s14 =	ssub.s32 @!p1 s14, s15  }
0x24: {  	s15 =	sand.u32 @!p1 $0x2000, s16;
	s16 =	sadd.s32 @!p1 s6, s17;
	s14 =	sshll.u32 @!p1 s14, $0x4  }
0x25: {  	s17 =	simm.s32 @!p1 $0x6400;
	s14 =	sadd.s32 @!p1 s14, s16;
	s16 =	simm.s32 @!p1 $0x40  }
0x26: {  	[tilespmem:s15], [sflag:$0x1] =	stream.strided.gather @!p1 [hbm4b:s14+s16], $0x2000, s17, s16, $0x38;
	[tilespmem:$0x8080] =	vst v63  }
0x27: {  	p1 =	sge.u32 s31, s5  }
.Ltmp2:
0x28: {  	_ = 	snop;
	(pc) =	sbr.rel @p1 .LBB1_5-.Ltmp2, $1  }
0x29: {  	_ =	sdelay $0x3  }
0x2a: {  	s14 =	simm.s32 $0x1  }
0x2b: {  	_ =	swait.ge [sflag:s4], $0x2000;
	s14 =	simm.s32 @!p0 $0x0  }
0x2c: {  	[sflag:s4] =	ssyncset.done $0x0;
	s15 =	sshll.u32 s14, $0xD  }
0x2d: {  	[sflag:s4] =	ssyncadd.s32 $0xFFFFE000;
	s18 =	sor.u32 $0x20, s15  }
0x2e: {  	s14 =	smul.u32 $0x8100, s14;
	v3 =	vld [tilespmem:s18+$0x10]  }
0x2f: {  	s30 =	sand.u32 $0x1, s11;
	v2 =	vld [tilespmem:s18+$0xFFFFFFF0]  }
0x30: {  	s15 =	smul.u32 $0x8100, s30;
	s14 =	sshrl.u32 s14, $0x2;
	v0 =	vld [tilespmem:s18+$0x0]  }
0x31: {  	v1 =	vld [tilespmem:s18+$0xFFFFFFE0];
	s16 =	sor.u32 $0x4000, s14  }
0x32: {  	s31 =	sshrl.u32 s15, $0x2;
	s15 =	sadd.s32 $0x0, s16  }
0x33: {  	s17 =	simm.s32 $0x4;
	s18 =	sadd.s32 $0x40, s18;
	s14 =	sor.u32 $0x4000, s31;
	[tilespmem:s15+$0x1830 ss:$0x81] =	vst.msk $0xffff, v3  }
.LBB1_3:
0x34: {  	v3 =	vld [tilespmem:s18+$0x10];
	p1 =	sne.s32 s17, $0x1FC;
	[tilespmem:s15+$0x810 ss:$0x81] =	vst.msk $0xffff, v2;
	s19 =	smov.u32 s17;
	s17 =	sadd.s32 $0x4, s17  }
.Ltmp3:
0x35: {  	v2 =	vld [tilespmem:s18+$0xFFFFFFF0];
	[tilespmem:s15+$0x1020 ss:$0x81] =	vst.msk $0xffff, v0;
	(pc) =	sbr.rel @p1 .LBB1_3-.Ltmp3, $4  }
0x36: {  	v0 =	vld [tilespmem:s18+$0x0];
	[tilespmem:s15+$0x0 ss:$0x81] =	vst.msk $0xffff, v1  }
0x37: {  	s15 =	sshra.s32 s19, $0x2;
	v1 =	vld [tilespmem:s18+$0xFFFFFFE0]  }
0x38: {  	s15 =	sadd.s32 s15, s16  }
0x39: {  	s18 =	sadd.s32 $0x40, s18;
	[tilespmem:s15+$0x1830 ss:$0x81] =	vst.msk $0xffff, v3  }
.Ltmp4:
0x3a: {  	_ = 	snop;
	(pc) =	sbr.rel .LBB1_4-.Ltmp4, $1  }
0x3b: {  	_ =	sdelay $0x3  }
.LBB1_6:
0x3c: {  	_ =	sfence.sel $0x180000  }
0x3d: {  	s2 =	simm.s32 $0x1;
	[bflag:$0x0] =	sbarrier.arrive $0xFFFF  }
0x3e: {  	s31 =	simm.s32 $0x2;
	[sflag:s2] =	ssyncpa.u1 $0x1  }
0x3f: {  	[sflag:s31] =	ssyncpa.u1 $0x1  }
0x40: {  	p0 =	sne.s32 s0, $0x0;
	_ =	strace $0x9000004A  }
0x41: {  	s0 =	sadd.s32 @!p0 $0x100000, s1;
	[bflag:$0x2] =	sbarrier.arrive $0xFFFF  }
0x42: {  	[sflag:s0] =	ssyncadd.tile.s32 @!p0 $0x1;
	_ =	shalt  }
.Lfunc_end1:
_tile_overlayer_lowered:
.L_overlay_start_2:
0x43: {  	(tag) =	ssettag $0x2  }
0x44: {  	s0 =	rddreg [dreg:$0x0];
	s2 =	stileid.u32  }
0x45: {  	s1 =	rddreg [dreg:$0x1];
	p0 =	sne.s32 s2, $0x0  }
0x46: {  	s3 =	rddreg [dreg:$0x2];
	[bflag:$0x3] =	sbarrier.arrive $0xFFFF;
	s2 =	simm.s32 @!p0 $0x1C01  }
0x47: {  	[timem:s3], [sflag:s2] =	dma.local @!p0 [hbm:s0], s1  }
0x48: {  	s0 =	simm.s32 @!p0 $0x1  }
0x49: {  	_ =	swait.ge @!p0 [sflag:s0], s1  }
0x4a: {  	s1 =	ssub.s32 @!p0 $0x0, s1;
	[sflag:s0] =	ssyncset.done @!p0 $0x0  }
0x4b: {  	[sflag:s0] =	ssyncadd.s32 @!p0 s1  }
0x4c: {  	[bflag:$0x3] =	sbarrier.arrive $0xFFFF  }
0x4d: {  	_ =	shalt  }

</sc_bundles>
